<compile_context>
chip_gen: v7x
topology: tpu7x:2x2x1
jax: 0.10.2.dev20260603
libtpu: 0.0.44.dev20260713+nightly
codegen_flags: <defaults>
</compile_context>

<pallas_src>
import functools

import jax
import jax.numpy as jnp
import numpy as np
from jax import lax
from jax.experimental import pallas as pl
from jax.experimental.pallas import tpu as pltpu
from jax.experimental.pallas import tpu_sc as plsc

_N = 10000
_D = 128
_G = 64
_C = 10
_EPS = 1e-5

_NP = 10240
_NC = 2
_NS = 16
_NW = _NC * _NS
_EGW = 128
_RPT = _NP // _NS

def _sc_mesh():
  return plsc.VectorSubcoreMesh(core_axis_name="c", subcore_axis_name="s",
                                num_cores=_NC, num_subcores=_NS)



@functools.lru_cache(maxsize=None)
def _make_scatter(eg):
  ch = eg // 2

  @functools.partial(
      pl.kernel,
      out_type=jax.ShapeDtypeStruct((_NC, _NP, _D), jnp.float32),
      mesh=_sc_mesh(),
      scratch_types=[
          pltpu.VMEM((ch, _EGW), jnp.int32),
          pltpu.VMEM((ch, _EGW), jnp.int32),
          pltpu.VMEM((_EGW, _D), jnp.float32),
          pltpu.VMEM((_EGW, _D), jnp.float32),
          pltpu.VMEM_SHARED((_NP, _D), jnp.float32),
          pltpu.SemaphoreType.DMA,
          pltpu.SemaphoreType.DMA,
          pltpu.SemaphoreType.DMA,
      ],
  )
  def body(y_hbm, srcg_hbm, dstg_hbm, z_hbm, out_hbm,
           sidx, didx, rows_a, rows_b, acc, sem_a, sem_b, sem_z):
    c = lax.axis_index("c")
    s = lax.axis_index("s")
    wid = s * _NC + c
    zero = pltpu.make_async_copy(z_hbm.at[pl.ds(s * _RPT, _RPT)],
                                 acc.at[pl.ds(s * _RPT, _RPT)], sem_z)
    zero.start()

    def gather(j, buf, sem):
      return pltpu.make_async_copy(y_hbm.at[sidx.at[j]], buf, sem)

    for t in range(2):
      c0 = t * ch
      pltpu.sync_copy(srcg_hbm.at[wid, pl.ds(c0, ch)], sidx)
      pltpu.sync_copy(dstg_hbm.at[wid, pl.ds(c0, ch)], didx)
      if t == 0:
        zero.wait()
        plsc.subcore_barrier()
      gather(0, rows_a, sem_a).start()

      def step(u, cc):
        j0 = 2 * u
        j1 = j0 + 1
        gather(j1, rows_b, sem_b).start()
        gather(j0, rows_a, sem_a).wait()
        pltpu.sync_copy(rows_a, acc.at[didx.at[j0]], add=True)

        @pl.when(j1 + 1 < ch)
        def _():
          gather(j1 + 1, rows_a, sem_a).start()

        gather(j1, rows_b, sem_b).wait()
        pltpu.sync_copy(rows_b, acc.at[didx.at[j1]], add=True)
        return cc

      lax.fori_loop(0, ch // 2, step, 0)

    plsc.subcore_barrier()
    pltpu.sync_copy(acc.at[pl.ds(s * _RPT, _RPT)],
                    out_hbm.at[c, pl.ds(s * _RPT, _RPT)])

  return body


@functools.lru_cache(maxsize=None)
def _make_deg(eg):
  ch = eg // 2

  @functools.partial(
      pl.kernel,
      out_type=jax.ShapeDtypeStruct((_NC * _NP,), jnp.float32),
      mesh=_sc_mesh(),
      scratch_types=[
          pltpu.VMEM((ch, _EGW), jnp.int32),
          pltpu.VMEM((_NP,), jnp.float32),
          pltpu.VMEM((_NS, _RPT), jnp.float32),
          pltpu.VMEM((_RPT,), jnp.float32),
          pltpu.VMEM_SHARED((_NS, _NP), jnp.float32),
      ],
      compiler_params=pltpu.CompilerParams(needs_layout_passes=False),
  )
  def body(dstg_hbm, out_hbm, didx, hist, mbuf, res, stage):
    c = lax.axis_index("c")
    s = lax.axis_index("s")
    wid = s * _NC + c

    def z(i, carry):
      hist[pl.ds(i * 16, 16)] = jnp.zeros((16,), jnp.float32)
      return carry

    lax.fori_loop(0, _NP // 16, z, 0)

    iota = lax.iota(jnp.int32, 16)

    def shift(x, idx):
      dn = lax.GatherDimensionNumbers(offset_dims=(), collapsed_slice_dims=(0,),
                                      start_index_map=(0,))
      return lax.gather(x, idx[:, None], dn, slice_sizes=(1,),
                        mode=lax.GatherScatterMode.PROMISE_IN_BOUNDS)

    def outer(t, carry):
      c0 = pl.multiple_of(t * ch, 8)
      pltpu.sync_copy(dstg_hbm.at[wid, pl.ds(c0, ch)], didx)

      def step(j, cc):
        for l in range(_EGW // 16):
          v = didx[j, pl.ds(l * 16, 16)]
          k, _ = plsc.sort_key_val(v, v)
          prev = shift(k, jnp.maximum(iota - 1, 0))
          nxt = shift(k, jnp.minimum(iota + 1, 15))
          m_first = jnp.logical_or(iota == 0, k != prev)
          m_last = jnp.logical_or(iota == 15, k != nxt)
          seg_start = plsc.cummax(jnp.where(m_first, iota, 0))
          cnt = (iota - seg_start + 1).astype(jnp.float32)
          plsc.addupdate_scatter(hist, [k], cnt, mask=m_last)
        return cc

      lax.fori_loop(0, ch, step, 0)
      return carry

    lax.fori_loop(0, 2, outer, 0)

    pltpu.sync_copy(hist, stage.at[s])
    plsc.subcore_barrier()
    pltpu.sync_copy(stage.at[:, pl.ds(s * _RPT, _RPT)], mbuf)

    def red(i, carry):
      t = mbuf[0, pl.ds(i * 16, 16)]
      for r in range(1, _NS):
        t = t + mbuf[r, pl.ds(i * 16, 16)]
      res[pl.ds(i * 16, 16)] = t
      return carry

    lax.fori_loop(0, _RPT // 16, red, 0)
    pltpu.sync_copy(res, out_hbm.at[pl.ds(c * _NP + s * _RPT, _RPT)])

  return body



def _bnf(v):
  mu = jnp.mean(v, axis=0, keepdims=True)
  var = jnp.mean((v - mu) ** 2, axis=0, keepdims=True)
  return (v - mu) * lax.rsqrt(var + _EPS) + 1e-4


def _head_mm_body(x_ref, wf_ref, w1_ref, o_ref):
  xb = _bnf(x_ref[...])
  h0 = jnp.maximum(
      jnp.dot(xb, wf_ref[...], preferred_element_type=jnp.float32), 0.0)
  o_ref[...] = jnp.dot(_bnf(h0), w1_ref[...],
                       preferred_element_type=jnp.float32)


def _dis(degp_ref):
  deg = degp_ref[pl.ds(0, _N)] + degp_ref[pl.ds(_NP, _N)] + 1.0
  return lax.rsqrt(deg).reshape(_N, 1)


def _head_scale_body(z_ref, degp_ref, oy_ref):
  oy_ref[pl.ds(0, _N), :] = z_ref[...] * _dis(degp_ref)
  oy_ref[pl.ds(_N, _NP - _N), :] = jnp.zeros((_NP - _N, _D), jnp.float32)


def _mid_body(accp_ref, y_ref, degp_ref, b_ref, w_ref, o_ref):
  av = accp_ref[...]
  dis = _dis(degp_ref)
  t = (av[0][:_N] + av[1][:_N] + y_ref[...][:_N]) * dis + b_ref[...]
  bn = _bnf(jnp.maximum(t, 0.0))
  y = jnp.dot(bn, w_ref[...], preferred_element_type=jnp.float32)
  o_ref[pl.ds(0, _N), :] = y * dis
  o_ref[pl.ds(_N, _NP - _N), :] = jnp.zeros((_NP - _N, _D), jnp.float32)


def _tail_body(accp_ref, y_ref, degp_ref, b_ref, batch_ref, wfc_ref, bfc_ref,
               wcls_ref, bcls_ref, o_ref):
  av = accp_ref[...]
  t = (av[0][:_N] + av[1][:_N] + y_ref[...][:_N]) * _dis(degp_ref) \
      + b_ref[...]
  h = jnp.maximum(t, 0.0)
  bt = jnp.broadcast_to(batch_ref[...], (_G, _N))
  oh = (bt == lax.broadcasted_iota(jnp.int32, (_G, _N), 0)) \
      .astype(jnp.float32)
  g = jnp.dot(oh, h, preferred_element_type=jnp.float32)
  gb = _bnf(g)
  g1 = jnp.maximum(
      jnp.dot(gb, wfc_ref[...], preferred_element_type=jnp.float32)
      + bfc_ref[...], 0.0)
  g2 = _bnf(g1)
  lo = jnp.dot(g2, wcls_ref[...], preferred_element_type=jnp.float32) \
      + bcls_ref[...]
  m = jnp.max(lo, axis=1, keepdims=True)
  lse = m + jnp.log(jnp.sum(jnp.exp(lo - m), axis=1, keepdims=True))
  o_ref[...] = lo - lse


def _tc(body, out_shape, *args):
  return pl.pallas_call(body, out_shape=out_shape)(*args)



def kernel(x, edge_index, batch, Wfeat, W1, b1, W2, b2, W3, b3,
           Wfc, bfc, Wcls, bcls):
  src, dst = edge_index[0], edge_index[1]
  e = src.shape[0]
  ept = -(-e // _NW)
  eg = -(-ept // _EGW)
  eg = -(-eg // 16) * 16
  epad = _NW * eg * _EGW

  nspare = _NP - _N

  def _grouped(a, off):
    ar = np.arange(epad - e, dtype=np.int32)
    fill = jnp.asarray(_N + (ar + off) % nspare, dtype=a.dtype)
    return jnp.concatenate([a, fill]).reshape(_NW, -1)

  srcg = _grouped(src, 0).reshape(_NW, eg, _EGW)
  dstg = _grouped(dst, 37).reshape(_NW, eg, _EGW)

  zeros_nd = jnp.zeros((_NP, _D), jnp.float32)
  batch_row = batch.reshape(1, _N)
  b1r, b2r, b3r = b1.reshape(1, _D), b2.reshape(1, _D), b3.reshape(1, _D)
  bfcr, bclsr = bfc.reshape(1, _D), bcls.reshape(1, _C)

  degp = _make_deg(eg)(dstg)
  z1 = _tc(_head_mm_body, jax.ShapeDtypeStruct((_N, _D), jnp.float32),
           x, Wfeat, W1)
  y1 = _tc(_head_scale_body, jax.ShapeDtypeStruct((_NP, _D), jnp.float32),
           z1, degp)

  scat = _make_scatter(eg)
  acc1 = scat(y1, srcg, dstg, zeros_nd)
  y2 = _tc(_mid_body, jax.ShapeDtypeStruct((_NP, _D), jnp.float32),
           acc1, y1, degp, b1r, W2)
  acc2 = scat(y2, srcg, dstg, zeros_nd)
  y3 = _tc(_mid_body, jax.ShapeDtypeStruct((_NP, _D), jnp.float32),
           acc2, y2, degp, b2r, W3)
  acc3 = scat(y3, srcg, dstg, zeros_nd)
  return _tc(_tail_body, jax.ShapeDtypeStruct((_G, _C), jnp.float32),
             acc3, y3, degp, b3r, batch_row, Wfc, bfcr, Wcls, bclsr)

# --- scband reference (transcript-rebuilt; emitter-appended) ---
"""Pipeline reference for scband-res-gnn-53214644798105 (READ-ONLY COPY).

The authoritative reference and input builder live on the scoring server;
editing this copy changes nothing except your own understanding.
"""

import jax, jax.numpy as jnp
import numpy as np

N = 10000
E = 320000
D = 128
H = 128
G = 64
C = 10
EPS = 1e-5

def _bn(x):
    # BatchNorm1d in training mode with weight=1, bias=1e-4 (per module init)
    mu = jnp.mean(x, axis=0, keepdims=True)
    var = jnp.mean((x - mu) ** 2, axis=0, keepdims=True)
    return (x - mu) / jnp.sqrt(var + EPS) * 1.0 + 1e-4

def _gcn(x, src, dst, W, b):
    # PyG GCNConv: x' = D^-1/2 (A + I) D^-1/2 (x W) + b
    n = x.shape[0]
    h = x @ W
    sl = jnp.arange(n, dtype=src.dtype)
    s2 = jnp.concatenate([src, sl])
    d2 = jnp.concatenate([dst, sl])
    deg = jnp.zeros((n,), dtype=h.dtype).at[d2].add(1.0)
    dis = jax.lax.rsqrt(deg)
    norm = dis[s2] * dis[d2]
    msg = h[s2] * norm[:, None]
    out = jnp.zeros_like(h).at[d2].add(msg)
    return out + b

def setup_inputs(seed: int = 0):
    key = jax.random.key(seed)
    ks = jax.random.split(key, 16)
    x = jax.random.normal(ks[0], (N, D), dtype=jnp.float32)
    edge_index = jax.random.randint(ks[1], (2, E), 0, N, dtype=jnp.int32)
    batch = jnp.sort(jax.random.randint(ks[2], (N,), 0, G, dtype=jnp.int32))
    s = 0.05
    Wfeat = jax.random.normal(ks[3], (D, H), dtype=jnp.float32) * s
    W1 = jax.random.normal(ks[4], (H, H), dtype=jnp.float32) * s
    b1 = jnp.zeros((H,), dtype=jnp.float32)
    W2 = jax.random.normal(ks[5], (H, H), dtype=jnp.float32) * s
    b2 = jnp.zeros((H,), dtype=jnp.float32)
    W3 = jax.random.normal(ks[6], (H, H), dtype=jnp.float32) * s
    b3 = jnp.zeros((H,), dtype=jnp.float32)
    Wfc = jax.random.normal(ks[7], (H, H), dtype=jnp.float32) * s
    bfc = jnp.zeros((H,), dtype=jnp.float32)
    Wcls = jax.random.normal(ks[8], (H, C), dtype=jnp.float32) * s
    bcls = jnp.zeros((C,), dtype=jnp.float32)
    return {"x": x, "edge_index": edge_index, "batch": batch, "Wfeat": Wfeat, "W1": W1, "b1": b1, "W2": W2, "b2": b2, "W3": W3, "b3": b3, "Wfc": Wfc, "bfc": bfc, "Wcls": Wcls, "bcls": bcls}

def reference(x, edge_index, batch, Wfeat, W1, b1, W2, b2, W3, b3, Wfc, bfc, Wcls, bcls):
    src, dst = edge_index[0], edge_index[1]
    h = _bn(x)
    h = jax.nn.relu(h @ Wfeat)
    for (W, b) in ((W1, b1), (W2, b2), (W3, b3)):
        h_ = _bn(h)
        h_ = jax.nn.relu(_gcn(h_, src, dst, W, b))
        h = h_  # residual=False
    g = jax.ops.segment_sum(h, batch, num_segments=G)
    g_ = _bn(g)
    g_ = jax.nn.relu(g_ @ Wfc + bfc)
    g = g_  # fc_residual=False
    g = _bn(g)
    g = g @ Wcls + bcls
    return jax.nn.log_softmax(g, axis=-1)

if __name__ == "__main__":
    import jax
    _d = setup_inputs()
    print(jax.jit(kernel)(*tuple(_d.values())))

</pallas_src>

<mosaic_0001>
#map = affine_map<(d0, d1) -> (0, 0)>
#map1 = affine_map<(d0, d1) -> (0, 0, 0)>
module attributes {stable_mosaic.version = 14 : i64} {
  func.func @body(%arg0: i32, %arg1: i32, %arg2: memref<10240x128xf32, #tpu.memory_space<hbm>>, %arg3: memref<32x80x128xi32, #tpu.memory_space<hbm>>, %arg4: memref<32x80x128xi32, #tpu.memory_space<hbm>>, %arg5: memref<10240x128xf32, #tpu.memory_space<hbm>>, %arg6: memref<2x10240x128xf32, #tpu.memory_space<hbm>>, %arg7: memref<40x128xi32, #tpu.memory_space<vmem>>, %arg8: memref<40x128xi32, #tpu.memory_space<vmem>>, %arg9: memref<128x128xf32, #tpu.memory_space<vmem>>, %arg10: memref<128x128xf32, #tpu.memory_space<vmem>>, %arg11: memref<10240x128xf32, #tpu.memory_space<vmem_shared>>, %arg12: memref<!tpu.dma_semaphore, #tpu.memory_space<semaphore_mem>>, %arg13: memref<!tpu.dma_semaphore, #tpu.memory_space<semaphore_mem>>, %arg14: memref<!tpu.dma_semaphore, #tpu.memory_space<semaphore_mem>>) attributes {dimension_semantics = [#tpu.dimension_semantics<core_parallel>, #tpu.dimension_semantics<subcore_parallel>], iteration_bounds = array<i64: 2, 16>, scalar_prefetch = 0 : i64, scratch_operands = 8 : i64, tpu.core_type = #tpu.core_type<sc_vector_subcore>, window_params = [{transform_indices = #map}, {transform_indices = #map1}, {transform_indices = #map1}, {transform_indices = #map}, {transform_indices = #map1}]} {
    %mul3A = arith.constant 2 : i32
    %mul3A_0 = arith.muli %arg1, %mul3A : i32
    %add3A = arith.addi %mul3A_0, %arg0 : i32
    %mul3A_1 = arith.constant 640 : i32
    %mul3A_2 = arith.muli %arg1, %mul3A_1 : i32
    %mul3A_3 = arith.constant 640 : i32
    %mul3A_4 = arith.muli %arg1, %mul3A_3 : i32
    %dma_start3A = arith.constant 0 : i32
    %dma_start3A_5 = tpu.memref_slice %arg11[%mul3A_4, %dma_start3A] : memref<10240x128xf32, #tpu.memory_space<vmem_shared>> -> memref<640x128xf32, #tpu.memory_space<vmem_shared>>
    %dma_start3A_6 = arith.constant 0 : i32
    %dma_start3A_7 = tpu.memref_slice %arg5[%mul3A_2, %dma_start3A_6] : memref<10240x128xf32, #tpu.memory_space<hbm>> -> memref<640x128xf32, #tpu.memory_space<hbm>>
    tpu.enqueue_dma source(%dma_start3A_7 : memref<640x128xf32, #tpu.memory_space<hbm>>) target(%dma_start3A_5 : memref<640x128xf32, #tpu.memory_space<vmem_shared>>) target_semaphore(%arg14 : memref<!tpu.dma_semaphore, #tpu.memory_space<semaphore_mem>>)
    "tpu.region"() ({
      %run_scoped3A = tpu.sem_alloc : memref<!tpu.dma_semaphore, #tpu.memory_space<semaphore_mem>>
      %dma_start3A_41 = arith.constant 0 : i32
      %dma_start3A_42 = arith.constant 0 : i32
      %dma_start3A_43 = tpu.memref_slice %arg3[%add3A, %dma_start3A_41, %dma_start3A_42] : memref<32x80x128xi32, #tpu.memory_space<hbm>> -> memref<1x40x128xi32, #tpu.memory_space<hbm>>
      %dma_start3A_44 = tpu.memref_squeeze %dma_start3A_43 : memref<1x40x128xi32, #tpu.memory_space<hbm>> -> memref<40x128xi32, #tpu.memory_space<hbm>>
      %dma_start3A_45 = arith.constant 0 : i32
      %dma_start3A_46 = arith.constant 0 : i32
      %dma_start3A_47 = tpu.memref_slice %arg3[%add3A, %dma_start3A_45, %dma_start3A_46] : memref<32x80x128xi32, #tpu.memory_space<hbm>> -> memref<1x40x128xi32, #tpu.memory_space<hbm>>
      %dma_start3A_48 = tpu.memref_squeeze %dma_start3A_47 : memref<1x40x128xi32, #tpu.memory_space<hbm>> -> memref<40x128xi32, #tpu.memory_space<hbm>>
      tpu.enqueue_dma source(%dma_start3A_48 : memref<40x128xi32, #tpu.memory_space<hbm>>) target(%arg7 : memref<40x128xi32, #tpu.memory_space<vmem>>) target_semaphore(%run_scoped3A : memref<!tpu.dma_semaphore, #tpu.memory_space<semaphore_mem>>)
      %dma_wait3A_49 = arith.constant 0 : i32
      %dma_wait3A_50 = arith.constant 0 : i32
      %dma_wait3A_51 = tpu.memref_slice %arg3[%add3A, %dma_wait3A_49, %dma_wait3A_50] : memref<32x80x128xi32, #tpu.memory_space<hbm>> -> memref<1x40x128xi32, #tpu.memory_space<hbm>>
      %dma_wait3A_52 = tpu.memref_squeeze %dma_wait3A_51 : memref<1x40x128xi32, #tpu.memory_space<hbm>> -> memref<40x128xi32, #tpu.memory_space<hbm>>
      %dma_wait3A_53 = arith.constant 0 : i32
      %dma_wait3A_54 = arith.constant 0 : i32
      %dma_wait3A_55 = tpu.memref_slice %arg3[%add3A, %dma_wait3A_53, %dma_wait3A_54] : memref<32x80x128xi32, #tpu.memory_space<hbm>> -> memref<1x40x128xi32, #tpu.memory_space<hbm>>
      %dma_wait3A_56 = tpu.memref_squeeze %dma_wait3A_55 : memref<1x40x128xi32, #tpu.memory_space<hbm>> -> memref<40x128xi32, #tpu.memory_space<hbm>>
      tpu.wait_dma2 semaphore(%run_scoped3A : memref<!tpu.dma_semaphore, #tpu.memory_space<semaphore_mem>>) src(%dma_wait3A_56 : memref<40x128xi32, #tpu.memory_space<hbm>>) dst(%arg7 : memref<40x128xi32, #tpu.memory_space<vmem>>)
      tpu.yield
    }) : () -> ()
    "tpu.region"() ({
      %run_scoped3A = tpu.sem_alloc : memref<!tpu.dma_semaphore, #tpu.memory_space<semaphore_mem>>
      %dma_start3A_41 = arith.constant 0 : i32
      %dma_start3A_42 = arith.constant 0 : i32
      %dma_start3A_43 = tpu.memref_slice %arg4[%add3A, %dma_start3A_41, %dma_start3A_42] : memref<32x80x128xi32, #tpu.memory_space<hbm>> -> memref<1x40x128xi32, #tpu.memory_space<hbm>>
      %dma_start3A_44 = tpu.memref_squeeze %dma_start3A_43 : memref<1x40x128xi32, #tpu.memory_space<hbm>> -> memref<40x128xi32, #tpu.memory_space<hbm>>
      %dma_start3A_45 = arith.constant 0 : i32
      %dma_start3A_46 = arith.constant 0 : i32
      %dma_start3A_47 = tpu.memref_slice %arg4[%add3A, %dma_start3A_45, %dma_start3A_46] : memref<32x80x128xi32, #tpu.memory_space<hbm>> -> memref<1x40x128xi32, #tpu.memory_space<hbm>>
      %dma_start3A_48 = tpu.memref_squeeze %dma_start3A_47 : memref<1x40x128xi32, #tpu.memory_space<hbm>> -> memref<40x128xi32, #tpu.memory_space<hbm>>
      tpu.enqueue_dma source(%dma_start3A_48 : memref<40x128xi32, #tpu.memory_space<hbm>>) target(%arg8 : memref<40x128xi32, #tpu.memory_space<vmem>>) target_semaphore(%run_scoped3A : memref<!tpu.dma_semaphore, #tpu.memory_space<semaphore_mem>>)
      %dma_wait3A_49 = arith.constant 0 : i32
      %dma_wait3A_50 = arith.constant 0 : i32
      %dma_wait3A_51 = tpu.memref_slice %arg4[%add3A, %dma_wait3A_49, %dma_wait3A_50] : memref<32x80x128xi32, #tpu.memory_space<hbm>> -> memref<1x40x128xi32, #tpu.memory_space<hbm>>
      %dma_wait3A_52 = tpu.memref_squeeze %dma_wait3A_51 : memref<1x40x128xi32, #tpu.memory_space<hbm>> -> memref<40x128xi32, #tpu.memory_space<hbm>>
      %dma_wait3A_53 = arith.constant 0 : i32
      %dma_wait3A_54 = arith.constant 0 : i32
      %dma_wait3A_55 = tpu.memref_slice %arg4[%add3A, %dma_wait3A_53, %dma_wait3A_54] : memref<32x80x128xi32, #tpu.memory_space<hbm>> -> memref<1x40x128xi32, #tpu.memory_space<hbm>>
      %dma_wait3A_56 = tpu.memref_squeeze %dma_wait3A_55 : memref<1x40x128xi32, #tpu.memory_space<hbm>> -> memref<40x128xi32, #tpu.memory_space<hbm>>
      tpu.wait_dma2 semaphore(%run_scoped3A : memref<!tpu.dma_semaphore, #tpu.memory_space<semaphore_mem>>) src(%dma_wait3A_56 : memref<40x128xi32, #tpu.memory_space<hbm>>) dst(%arg8 : memref<40x128xi32, #tpu.memory_space<vmem>>)
      tpu.yield
    }) : () -> ()
    %dma_wait3A = arith.constant 0 : i32
    %dma_wait3A_8 = tpu.memref_slice %arg11[%mul3A_4, %dma_wait3A] : memref<10240x128xf32, #tpu.memory_space<vmem_shared>> -> memref<640x128xf32, #tpu.memory_space<vmem_shared>>
    %dma_wait3A_9 = arith.constant 0 : i32
    %dma_wait3A_10 = tpu.memref_slice %arg5[%mul3A_2, %dma_wait3A_9] : memref<10240x128xf32, #tpu.memory_space<hbm>> -> memref<640x128xf32, #tpu.memory_space<hbm>>
    tpu.wait_dma2 semaphore(%arg14 : memref<!tpu.dma_semaphore, #tpu.memory_space<semaphore_mem>>) src(%dma_wait3A_10 : memref<640x128xf32, #tpu.memory_space<hbm>>) dst(%dma_wait3A_8 : memref<640x128xf32, #tpu.memory_space<vmem_shared>>)
    %barrier3A = arith.constant 0 : index
    tpu.barrier barrier_id(%barrier3A)
    %dma_start3A_11 = arith.constant 0 : i32
    %dma_start3A_12 = arith.constant 0 : i32
    %dma_start3A_13 = tpu.memref_slice %arg7[%dma_start3A_11, %dma_start3A_12] : memref<40x128xi32, #tpu.memory_space<vmem>> -> memref<1x128xi32, #tpu.memory_space<vmem>>
    %dma_start3A_14 = tpu.memref_squeeze %dma_start3A_13 : memref<1x128xi32, #tpu.memory_space<vmem>> -> memref<128xi32, #tpu.memory_space<vmem>>
    %dma_start3A_15 = arith.constant 0 : i32
    %dma_start3A_16 = arith.constant 0 : i32
    %dma_start3A_17 = tpu.memref_slice %arg2[%dma_start3A_15, %dma_start3A_16] : memref<10240x128xf32, #tpu.memory_space<hbm>> -> memref<10240x128xf32, #tpu.memory_space<hbm>>
    tpu.enqueue_indirect_dma source(%dma_start3A_17 : memref<10240x128xf32, #tpu.memory_space<hbm>>) target(%arg9 : memref<128x128xf32, #tpu.memory_space<vmem>>) offsets(%dma_start3A_14 : memref<128xi32, #tpu.memory_space<vmem>>) semaphore(%arg12 : memref<!tpu.dma_semaphore, #tpu.memory_space<semaphore_mem>>)
    %scan3A = arith.constant 0 : i32
    %scan3A_18 = arith.constant 0 : i32
    %scan3A_19 = arith.constant 20 : i32
    %scan3A_20 = arith.addi %scan3A_18, %scan3A_19 : i32
    %scan3A_21 = arith.constant 1 : i32
    scf.for %scan3A_41 = %scan3A_18 to %scan3A_20 step %scan3A_21  : i32 {
      %mul3A_42 = arith.constant 2 : i32
      %mul3A_43 = arith.muli %mul3A_42, %scan3A_41 : i32
      %add3A_44 = arith.constant 1 : i32
      %add3A_45 = arith.addi %mul3A_43, %add3A_44 : i32
      %dma_start3A_46 = arith.constant 0 : i32
      %dma_start3A_47 = tpu.memref_slice %arg7[%add3A_45, %dma_start3A_46] : memref<40x128xi32, #tpu.memory_space<vmem>> -> memref<1x128xi32, #tpu.memory_space<vmem>>
      %dma_start3A_48 = tpu.memref_squeeze %dma_start3A_47 : memref<1x128xi32, #tpu.memory_space<vmem>> -> memref<128xi32, #tpu.memory_space<vmem>>
      %dma_start3A_49 = arith.constant 0 : i32
      %dma_start3A_50 = arith.constant 0 : i32
      %dma_start3A_51 = tpu.memref_slice %arg2[%dma_start3A_49, %dma_start3A_50] : memref<10240x128xf32, #tpu.memory_space<hbm>> -> memref<10240x128xf32, #tpu.memory_space<hbm>>
      tpu.enqueue_indirect_dma source(%dma_start3A_51 : memref<10240x128xf32, #tpu.memory_space<hbm>>) target(%arg10 : memref<128x128xf32, #tpu.memory_space<vmem>>) offsets(%dma_start3A_48 : memref<128xi32, #tpu.memory_space<vmem>>) semaphore(%arg13 : memref<!tpu.dma_semaphore, #tpu.memory_space<semaphore_mem>>)
      %dma_wait3A_52 = arith.constant 0 : i32
      %dma_wait3A_53 = tpu.memref_slice %arg7[%mul3A_43, %dma_wait3A_52] : memref<40x128xi32, #tpu.memory_space<vmem>> -> memref<1x128xi32, #tpu.memory_space<vmem>>
      %dma_wait3A_54 = tpu.memref_squeeze %dma_wait3A_53 : memref<1x128xi32, #tpu.memory_space<vmem>> -> memref<128xi32, #tpu.memory_space<vmem>>
      %dma_wait3A_55 = arith.constant 0 : i32
      %dma_wait3A_56 = arith.constant 0 : i32
      %dma_wait3A_57 = tpu.memref_slice %arg2[%dma_wait3A_55, %dma_wait3A_56] : memref<10240x128xf32, #tpu.memory_space<hbm>> -> memref<10240x128xf32, #tpu.memory_space<hbm>>
      tpu.wait_indirect_dma semaphore(%arg12 : memref<!tpu.dma_semaphore, #tpu.memory_space<semaphore_mem>>) src(%dma_wait3A_57 : memref<10240x128xf32, #tpu.memory_space<hbm>>) dst(%arg9 : memref<128x128xf32, #tpu.memory_space<vmem>>)
      "tpu.region"() ({
        %run_scoped3A = tpu.sem_alloc : memref<!tpu.dma_semaphore, #tpu.memory_space<semaphore_mem>>
        %dma_start3A_68 = arith.constant 0 : i32
        %dma_start3A_69 = tpu.memref_slice %arg8[%mul3A_43, %dma_start3A_68] : memref<40x128xi32, #tpu.memory_space<vmem>> -> memref<1x128xi32, #tpu.memory_space<vmem>>
        %dma_start3A_70 = tpu.memref_squeeze %dma_start3A_69 : memref<1x128xi32, #tpu.memory_space<vmem>> -> memref<128xi32, #tpu.memory_space<vmem>>
        %dma_start3A_71 = arith.constant 0 : i32
        %dma_start3A_72 = arith.constant 0 : i32
        %dma_start3A_73 = tpu.memref_slice %arg11[%dma_start3A_71, %dma_start3A_72] : memref<10240x128xf32, #tpu.memory_space<vmem_shared>> -> memref<10240x128xf32, #tpu.memory_space<vmem_shared>>
        tpu.enqueue_indirect_dma source(%arg9 : memref<128x128xf32, #tpu.memory_space<vmem>>) target(%dma_start3A_73 : memref<10240x128xf32, #tpu.memory_space<vmem_shared>>) offsets(%dma_start3A_70 : memref<128xi32, #tpu.memory_space<vmem>>) semaphore(%run_scoped3A : memref<!tpu.dma_semaphore, #tpu.memory_space<semaphore_mem>>) {add = true}
        %dma_wait3A_74 = arith.constant 0 : i32
        %dma_wait3A_75 = tpu.memref_slice %arg8[%mul3A_43, %dma_wait3A_74] : memref<40x128xi32, #tpu.memory_space<vmem>> -> memref<1x128xi32, #tpu.memory_space<vmem>>
        %dma_wait3A_76 = tpu.memref_squeeze %dma_wait3A_75 : memref<1x128xi32, #tpu.memory_space<vmem>> -> memref<128xi32, #tpu.memory_space<vmem>>
        %dma_wait3A_77 = arith.constant 0 : i32
        %dma_wait3A_78 = arith.constant 0 : i32
        %dma_wait3A_79 = tpu.memref_slice %arg11[%dma_wait3A_77, %dma_wait3A_78] : memref<10240x128xf32, #tpu.memory_space<vmem_shared>> -> memref<10240x128xf32, #tpu.memory_space<vmem_shared>>
        tpu.wait_indirect_dma semaphore(%run_scoped3A : memref<!tpu.dma_semaphore, #tpu.memory_space<semaphore_mem>>) src(%arg9 : memref<128x128xf32, #tpu.memory_space<vmem>>) dst(%dma_wait3A_79 : memref<10240x128xf32, #tpu.memory_space<vmem_shared>>)
        tpu.yield
      }) : () -> ()
      %add3A_58 = arith.constant 1 : i32
      %add3A_59 = arith.addi %add3A_45, %add3A_58 : i32
      %lt3A = arith.constant 40 : i32
      %lt3A_60 = arith.cmpi slt, %add3A_59, %lt3A : i32
      %convert_element_type3A = arith.extui %lt3A_60 : i1 to i32
      %cond3A = arith.constant 0 : i32
      %cond3A_61 = arith.cmpi ne, %convert_element_type3A, %cond3A : i32
      scf.if %cond3A_61 {
        %add3A_68 = arith.constant 1 : i32
        %add3A_69 = arith.addi %add3A_45, %add3A_68 : i32
        %dma_start3A_70 = arith.constant 0 : i32
        %dma_start3A_71 = tpu.memref_slice %arg7[%add3A_69, %dma_start3A_70] : memref<40x128xi32, #tpu.memory_space<vmem>> -> memref<1x128xi32, #tpu.memory_space<vmem>>
        %dma_start3A_72 = tpu.memref_squeeze %dma_start3A_71 : memref<1x128xi32, #tpu.memory_space<vmem>> -> memref<128xi32, #tpu.memory_space<vmem>>
        %dma_start3A_73 = arith.constant 0 : i32
        %dma_start3A_74 = arith.constant 0 : i32
        %dma_start3A_75 = tpu.memref_slice %arg2[%dma_start3A_73, %dma_start3A_74] : memref<10240x128xf32, #tpu.memory_space<hbm>> -> memref<10240x128xf32, #tpu.memory_space<hbm>>
        tpu.enqueue_indirect_dma source(%dma_start3A_75 : memref<10240x128xf32, #tpu.memory_space<hbm>>) target(%arg9 : memref<128x128xf32, #tpu.memory_space<vmem>>) offsets(%dma_start3A_72 : memref<128xi32, #tpu.memory_space<vmem>>) semaphore(%arg12 : memref<!tpu.dma_semaphore, #tpu.memory_space<semaphore_mem>>)
      } else {
      }
      %dma_wait3A_62 = arith.constant 0 : i32
      %dma_wait3A_63 = tpu.memref_slice %arg7[%add3A_45, %dma_wait3A_62] : memref<40x128xi32, #tpu.memory_space<vmem>> -> memref<1x128xi32, #tpu.memory_space<vmem>>
      %dma_wait3A_64 = tpu.memref_squeeze %dma_wait3A_63 : memref<1x128xi32, #tpu.memory_space<vmem>> -> memref<128xi32, #tpu.memory_space<vmem>>
      %dma_wait3A_65 = arith.constant 0 : i32
      %dma_wait3A_66 = arith.constant 0 : i32
      %dma_wait3A_67 = tpu.memref_slice %arg2[%dma_wait3A_65, %dma_wait3A_66] : memref<10240x128xf32, #tpu.memory_space<hbm>> -> memref<10240x128xf32, #tpu.memory_space<hbm>>
      tpu.wait_indirect_dma semaphore(%arg13 : memref<!tpu.dma_semaphore, #tpu.memory_space<semaphore_mem>>) src(%dma_wait3A_67 : memref<10240x128xf32, #tpu.memory_space<hbm>>) dst(%arg10 : memref<128x128xf32, #tpu.memory_space<vmem>>)
      "tpu.region"() ({
        %run_scoped3A = tpu.sem_alloc : memref<!tpu.dma_semaphore, #tpu.memory_space<semaphore_mem>>
        %dma_start3A_68 = arith.constant 0 : i32
        %dma_start3A_69 = tpu.memref_slice %arg8[%add3A_45, %dma_start3A_68] : memref<40x128xi32, #tpu.memory_space<vmem>> -> memref<1x128xi32, #tpu.memory_space<vmem>>
        %dma_start3A_70 = tpu.memref_squeeze %dma_start3A_69 : memref<1x128xi32, #tpu.memory_space<vmem>> -> memref<128xi32, #tpu.memory_space<vmem>>
        %dma_start3A_71 = arith.constant 0 : i32
        %dma_start3A_72 = arith.constant 0 : i32
        %dma_start3A_73 = tpu.memref_slice %arg11[%dma_start3A_71, %dma_start3A_72] : memref<10240x128xf32, #tpu.memory_space<vmem_shared>> -> memref<10240x128xf32, #tpu.memory_space<vmem_shared>>
        tpu.enqueue_indirect_dma source(%arg10 : memref<128x128xf32, #tpu.memory_space<vmem>>) target(%dma_start3A_73 : memref<10240x128xf32, #tpu.memory_space<vmem_shared>>) offsets(%dma_start3A_70 : memref<128xi32, #tpu.memory_space<vmem>>) semaphore(%run_scoped3A : memref<!tpu.dma_semaphore, #tpu.memory_space<semaphore_mem>>) {add = true}
        %dma_wait3A_74 = arith.constant 0 : i32
        %dma_wait3A_75 = tpu.memref_slice %arg8[%add3A_45, %dma_wait3A_74] : memref<40x128xi32, #tpu.memory_space<vmem>> -> memref<1x128xi32, #tpu.memory_space<vmem>>
        %dma_wait3A_76 = tpu.memref_squeeze %dma_wait3A_75 : memref<1x128xi32, #tpu.memory_space<vmem>> -> memref<128xi32, #tpu.memory_space<vmem>>
        %dma_wait3A_77 = arith.constant 0 : i32
        %dma_wait3A_78 = arith.constant 0 : i32
        %dma_wait3A_79 = tpu.memref_slice %arg11[%dma_wait3A_77, %dma_wait3A_78] : memref<10240x128xf32, #tpu.memory_space<vmem_shared>> -> memref<10240x128xf32, #tpu.memory_space<vmem_shared>>
        tpu.wait_indirect_dma semaphore(%run_scoped3A : memref<!tpu.dma_semaphore, #tpu.memory_space<semaphore_mem>>) src(%arg10 : memref<128x128xf32, #tpu.memory_space<vmem>>) dst(%dma_wait3A_79 : memref<10240x128xf32, #tpu.memory_space<vmem_shared>>)
        tpu.yield
      }) : () -> ()
    }
    %scan3A_22 = arith.constant 20 : i32
    "tpu.region"() ({
      %run_scoped3A = tpu.sem_alloc : memref<!tpu.dma_semaphore, #tpu.memory_space<semaphore_mem>>
      %dma_start3A_41 = arith.constant 40 : i32
      %dma_start3A_42 = arith.constant 0 : i32
      %dma_start3A_43 = tpu.memref_slice %arg3[%add3A, %dma_start3A_41, %dma_start3A_42] : memref<32x80x128xi32, #tpu.memory_space<hbm>> -> memref<1x40x128xi32, #tpu.memory_space<hbm>>
      %dma_start3A_44 = tpu.memref_squeeze %dma_start3A_43 : memref<1x40x128xi32, #tpu.memory_space<hbm>> -> memref<40x128xi32, #tpu.memory_space<hbm>>
      %dma_start3A_45 = arith.constant 40 : i32
      %dma_start3A_46 = arith.constant 0 : i32
      %dma_start3A_47 = tpu.memref_slice %arg3[%add3A, %dma_start3A_45, %dma_start3A_46] : memref<32x80x128xi32, #tpu.memory_space<hbm>> -> memref<1x40x128xi32, #tpu.memory_space<hbm>>
      %dma_start3A_48 = tpu.memref_squeeze %dma_start3A_47 : memref<1x40x128xi32, #tpu.memory_space<hbm>> -> memref<40x128xi32, #tpu.memory_space<hbm>>
      tpu.enqueue_dma source(%dma_start3A_48 : memref<40x128xi32, #tpu.memory_space<hbm>>) target(%arg7 : memref<40x128xi32, #tpu.memory_space<vmem>>) target_semaphore(%run_scoped3A : memref<!tpu.dma_semaphore, #tpu.memory_space<semaphore_mem>>)
      %dma_wait3A_49 = arith.constant 40 : i32
      %dma_wait3A_50 = arith.constant 0 : i32
      %dma_wait3A_51 = tpu.memref_slice %arg3[%add3A, %dma_wait3A_49, %dma_wait3A_50] : memref<32x80x128xi32, #tpu.memory_space<hbm>> -> memref<1x40x128xi32, #tpu.memory_space<hbm>>
      %dma_wait3A_52 = tpu.memref_squeeze %dma_wait3A_51 : memref<1x40x128xi32, #tpu.memory_space<hbm>> -> memref<40x128xi32, #tpu.memory_space<hbm>>
      %dma_wait3A_53 = arith.constant 40 : i32
      %dma_wait3A_54 = arith.constant 0 : i32
      %dma_wait3A_55 = tpu.memref_slice %arg3[%add3A, %dma_wait3A_53, %dma_wait3A_54] : memref<32x80x128xi32, #tpu.memory_space<hbm>> -> memref<1x40x128xi32, #tpu.memory_space<hbm>>
      %dma_wait3A_56 = tpu.memref_squeeze %dma_wait3A_55 : memref<1x40x128xi32, #tpu.memory_space<hbm>> -> memref<40x128xi32, #tpu.memory_space<hbm>>
      tpu.wait_dma2 semaphore(%run_scoped3A : memref<!tpu.dma_semaphore, #tpu.memory_space<semaphore_mem>>) src(%dma_wait3A_56 : memref<40x128xi32, #tpu.memory_space<hbm>>) dst(%arg7 : memref<40x128xi32, #tpu.memory_space<vmem>>)
      tpu.yield
    }) : () -> ()
    "tpu.region"() ({
      %run_scoped3A = tpu.sem_alloc : memref<!tpu.dma_semaphore, #tpu.memory_space<semaphore_mem>>
      %dma_start3A_41 = arith.constant 40 : i32
      %dma_start3A_42 = arith.constant 0 : i32
      %dma_start3A_43 = tpu.memref_slice %arg4[%add3A, %dma_start3A_41, %dma_start3A_42] : memref<32x80x128xi32, #tpu.memory_space<hbm>> -> memref<1x40x128xi32, #tpu.memory_space<hbm>>
      %dma_start3A_44 = tpu.memref_squeeze %dma_start3A_43 : memref<1x40x128xi32, #tpu.memory_space<hbm>> -> memref<40x128xi32, #tpu.memory_space<hbm>>
      %dma_start3A_45 = arith.constant 40 : i32
      %dma_start3A_46 = arith.constant 0 : i32
      %dma_start3A_47 = tpu.memref_slice %arg4[%add3A, %dma_start3A_45, %dma_start3A_46] : memref<32x80x128xi32, #tpu.memory_space<hbm>> -> memref<1x40x128xi32, #tpu.memory_space<hbm>>
      %dma_start3A_48 = tpu.memref_squeeze %dma_start3A_47 : memref<1x40x128xi32, #tpu.memory_space<hbm>> -> memref<40x128xi32, #tpu.memory_space<hbm>>
      tpu.enqueue_dma source(%dma_start3A_48 : memref<40x128xi32, #tpu.memory_space<hbm>>) target(%arg8 : memref<40x128xi32, #tpu.memory_space<vmem>>) target_semaphore(%run_scoped3A : memref<!tpu.dma_semaphore, #tpu.memory_space<semaphore_mem>>)
      %dma_wait3A_49 = arith.constant 40 : i32
      %dma_wait3A_50 = arith.constant 0 : i32
      %dma_wait3A_51 = tpu.memref_slice %arg4[%add3A, %dma_wait3A_49, %dma_wait3A_50] : memref<32x80x128xi32, #tpu.memory_space<hbm>> -> memref<1x40x128xi32, #tpu.memory_space<hbm>>
      %dma_wait3A_52 = tpu.memref_squeeze %dma_wait3A_51 : memref<1x40x128xi32, #tpu.memory_space<hbm>> -> memref<40x128xi32, #tpu.memory_space<hbm>>
      %dma_wait3A_53 = arith.constant 40 : i32
      %dma_wait3A_54 = arith.constant 0 : i32
      %dma_wait3A_55 = tpu.memref_slice %arg4[%add3A, %dma_wait3A_53, %dma_wait3A_54] : memref<32x80x128xi32, #tpu.memory_space<hbm>> -> memref<1x40x128xi32, #tpu.memory_space<hbm>>
      %dma_wait3A_56 = tpu.memref_squeeze %dma_wait3A_55 : memref<1x40x128xi32, #tpu.memory_space<hbm>> -> memref<40x128xi32, #tpu.memory_space<hbm>>
      tpu.wait_dma2 semaphore(%run_scoped3A : memref<!tpu.dma_semaphore, #tpu.memory_space<semaphore_mem>>) src(%dma_wait3A_56 : memref<40x128xi32, #tpu.memory_space<hbm>>) dst(%arg8 : memref<40x128xi32, #tpu.memory_space<vmem>>)
      tpu.yield
    }) : () -> ()
    %dma_start3A_23 = arith.constant 0 : i32
    %dma_start3A_24 = arith.constant 0 : i32
    %dma_start3A_25 = tpu.memref_slice %arg7[%dma_start3A_23, %dma_start3A_24] : memref<40x128xi32, #tpu.memory_space<vmem>> -> memref<1x128xi32, #tpu.memory_space<vmem>>
    %dma_start3A_26 = tpu.memref_squeeze %dma_start3A_25 : memref<1x128xi32, #tpu.memory_space<vmem>> -> memref<128xi32, #tpu.memory_space<vmem>>
    %dma_start3A_27 = arith.constant 0 : i32
    %dma_start3A_28 = arith.constant 0 : i32
    %dma_start3A_29 = tpu.memref_slice %arg2[%dma_start3A_27, %dma_start3A_28] : memref<10240x128xf32, #tpu.memory_space<hbm>> -> memref<10240x128xf32, #tpu.memory_space<hbm>>
    tpu.enqueue_indirect_dma source(%dma_start3A_29 : memref<10240x128xf32, #tpu.memory_space<hbm>>) target(%arg9 : memref<128x128xf32, #tpu.memory_space<vmem>>) offsets(%dma_start3A_26 : memref<128xi32, #tpu.memory_space<vmem>>) semaphore(%arg12 : memref<!tpu.dma_semaphore, #tpu.memory_space<semaphore_mem>>)
    %scan3A_30 = arith.constant 0 : i32
    %scan3A_31 = arith.constant 0 : i32
    %scan3A_32 = arith.constant 20 : i32
    %scan3A_33 = arith.addi %scan3A_31, %scan3A_32 : i32
    %scan3A_34 = arith.constant 1 : i32
    scf.for %scan3A_41 = %scan3A_31 to %scan3A_33 step %scan3A_34  : i32 {
      %mul3A_42 = arith.constant 2 : i32
      %mul3A_43 = arith.muli %mul3A_42, %scan3A_41 : i32
      %add3A_44 = arith.constant 1 : i32
      %add3A_45 = arith.addi %mul3A_43, %add3A_44 : i32
      %dma_start3A_46 = arith.constant 0 : i32
      %dma_start3A_47 = tpu.memref_slice %arg7[%add3A_45, %dma_start3A_46] : memref<40x128xi32, #tpu.memory_space<vmem>> -> memref<1x128xi32, #tpu.memory_space<vmem>>
      %dma_start3A_48 = tpu.memref_squeeze %dma_start3A_47 : memref<1x128xi32, #tpu.memory_space<vmem>> -> memref<128xi32, #tpu.memory_space<vmem>>
      %dma_start3A_49 = arith.constant 0 : i32
      %dma_start3A_50 = arith.constant 0 : i32
      %dma_start3A_51 = tpu.memref_slice %arg2[%dma_start3A_49, %dma_start3A_50] : memref<10240x128xf32, #tpu.memory_space<hbm>> -> memref<10240x128xf32, #tpu.memory_space<hbm>>
      tpu.enqueue_indirect_dma source(%dma_start3A_51 : memref<10240x128xf32, #tpu.memory_space<hbm>>) target(%arg10 : memref<128x128xf32, #tpu.memory_space<vmem>>) offsets(%dma_start3A_48 : memref<128xi32, #tpu.memory_space<vmem>>) semaphore(%arg13 : memref<!tpu.dma_semaphore, #tpu.memory_space<semaphore_mem>>)
      %dma_wait3A_52 = arith.constant 0 : i32
      %dma_wait3A_53 = tpu.memref_slice %arg7[%mul3A_43, %dma_wait3A_52] : memref<40x128xi32, #tpu.memory_space<vmem>> -> memref<1x128xi32, #tpu.memory_space<vmem>>
      %dma_wait3A_54 = tpu.memref_squeeze %dma_wait3A_53 : memref<1x128xi32, #tpu.memory_space<vmem>> -> memref<128xi32, #tpu.memory_space<vmem>>
      %dma_wait3A_55 = arith.constant 0 : i32
      %dma_wait3A_56 = arith.constant 0 : i32
      %dma_wait3A_57 = tpu.memref_slice %arg2[%dma_wait3A_55, %dma_wait3A_56] : memref<10240x128xf32, #tpu.memory_space<hbm>> -> memref<10240x128xf32, #tpu.memory_space<hbm>>
      tpu.wait_indirect_dma semaphore(%arg12 : memref<!tpu.dma_semaphore, #tpu.memory_space<semaphore_mem>>) src(%dma_wait3A_57 : memref<10240x128xf32, #tpu.memory_space<hbm>>) dst(%arg9 : memref<128x128xf32, #tpu.memory_space<vmem>>)
      "tpu.region"() ({
        %run_scoped3A = tpu.sem_alloc : memref<!tpu.dma_semaphore, #tpu.memory_space<semaphore_mem>>
        %dma_start3A_68 = arith.constant 0 : i32
        %dma_start3A_69 = tpu.memref_slice %arg8[%mul3A_43, %dma_start3A_68] : memref<40x128xi32, #tpu.memory_space<vmem>> -> memref<1x128xi32, #tpu.memory_space<vmem>>
        %dma_start3A_70 = tpu.memref_squeeze %dma_start3A_69 : memref<1x128xi32, #tpu.memory_space<vmem>> -> memref<128xi32, #tpu.memory_space<vmem>>
        %dma_start3A_71 = arith.constant 0 : i32
        %dma_start3A_72 = arith.constant 0 : i32
        %dma_start3A_73 = tpu.memref_slice %arg11[%dma_start3A_71, %dma_start3A_72] : memref<10240x128xf32, #tpu.memory_space<vmem_shared>> -> memref<10240x128xf32, #tpu.memory_space<vmem_shared>>
        tpu.enqueue_indirect_dma source(%arg9 : memref<128x128xf32, #tpu.memory_space<vmem>>) target(%dma_start3A_73 : memref<10240x128xf32, #tpu.memory_space<vmem_shared>>) offsets(%dma_start3A_70 : memref<128xi32, #tpu.memory_space<vmem>>) semaphore(%run_scoped3A : memref<!tpu.dma_semaphore, #tpu.memory_space<semaphore_mem>>) {add = true}
        %dma_wait3A_74 = arith.constant 0 : i32
        %dma_wait3A_75 = tpu.memref_slice %arg8[%mul3A_43, %dma_wait3A_74] : memref<40x128xi32, #tpu.memory_space<vmem>> -> memref<1x128xi32, #tpu.memory_space<vmem>>
        %dma_wait3A_76 = tpu.memref_squeeze %dma_wait3A_75 : memref<1x128xi32, #tpu.memory_space<vmem>> -> memref<128xi32, #tpu.memory_space<vmem>>
        %dma_wait3A_77 = arith.constant 0 : i32
        %dma_wait3A_78 = arith.constant 0 : i32
        %dma_wait3A_79 = tpu.memref_slice %arg11[%dma_wait3A_77, %dma_wait3A_78] : memref<10240x128xf32, #tpu.memory_space<vmem_shared>> -> memref<10240x128xf32, #tpu.memory_space<vmem_shared>>
        tpu.wait_indirect_dma semaphore(%run_scoped3A : memref<!tpu.dma_semaphore, #tpu.memory_space<semaphore_mem>>) src(%arg9 : memref<128x128xf32, #tpu.memory_space<vmem>>) dst(%dma_wait3A_79 : memref<10240x128xf32, #tpu.memory_space<vmem_shared>>)
        tpu.yield
      }) : () -> ()
      %add3A_58 = arith.constant 1 : i32
      %add3A_59 = arith.addi %add3A_45, %add3A_58 : i32
      %lt3A = arith.constant 40 : i32
      %lt3A_60 = arith.cmpi slt, %add3A_59, %lt3A : i32
      %convert_element_type3A = arith.extui %lt3A_60 : i1 to i32
      %cond3A = arith.constant 0 : i32
      %cond3A_61 = arith.cmpi ne, %convert_element_type3A, %cond3A : i32
      scf.if %cond3A_61 {
        %add3A_68 = arith.constant 1 : i32
        %add3A_69 = arith.addi %add3A_45, %add3A_68 : i32
        %dma_start3A_70 = arith.constant 0 : i32
        %dma_start3A_71 = tpu.memref_slice %arg7[%add3A_69, %dma_start3A_70] : memref<40x128xi32, #tpu.memory_space<vmem>> -> memref<1x128xi32, #tpu.memory_space<vmem>>
        %dma_start3A_72 = tpu.memref_squeeze %dma_start3A_71 : memref<1x128xi32, #tpu.memory_space<vmem>> -> memref<128xi32, #tpu.memory_space<vmem>>
        %dma_start3A_73 = arith.constant 0 : i32
        %dma_start3A_74 = arith.constant 0 : i32
        %dma_start3A_75 = tpu.memref_slice %arg2[%dma_start3A_73, %dma_start3A_74] : memref<10240x128xf32, #tpu.memory_space<hbm>> -> memref<10240x128xf32, #tpu.memory_space<hbm>>
        tpu.enqueue_indirect_dma source(%dma_start3A_75 : memref<10240x128xf32, #tpu.memory_space<hbm>>) target(%arg9 : memref<128x128xf32, #tpu.memory_space<vmem>>) offsets(%dma_start3A_72 : memref<128xi32, #tpu.memory_space<vmem>>) semaphore(%arg12 : memref<!tpu.dma_semaphore, #tpu.memory_space<semaphore_mem>>)
      } else {
      }
      %dma_wait3A_62 = arith.constant 0 : i32
      %dma_wait3A_63 = tpu.memref_slice %arg7[%add3A_45, %dma_wait3A_62] : memref<40x128xi32, #tpu.memory_space<vmem>> -> memref<1x128xi32, #tpu.memory_space<vmem>>
      %dma_wait3A_64 = tpu.memref_squeeze %dma_wait3A_63 : memref<1x128xi32, #tpu.memory_space<vmem>> -> memref<128xi32, #tpu.memory_space<vmem>>
      %dma_wait3A_65 = arith.constant 0 : i32
      %dma_wait3A_66 = arith.constant 0 : i32
      %dma_wait3A_67 = tpu.memref_slice %arg2[%dma_wait3A_65, %dma_wait3A_66] : memref<10240x128xf32, #tpu.memory_space<hbm>> -> memref<10240x128xf32, #tpu.memory_space<hbm>>
      tpu.wait_indirect_dma semaphore(%arg13 : memref<!tpu.dma_semaphore, #tpu.memory_space<semaphore_mem>>) src(%dma_wait3A_67 : memref<10240x128xf32, #tpu.memory_space<hbm>>) dst(%arg10 : memref<128x128xf32, #tpu.memory_space<vmem>>)
      "tpu.region"() ({
        %run_scoped3A = tpu.sem_alloc : memref<!tpu.dma_semaphore, #tpu.memory_space<semaphore_mem>>
        %dma_start3A_68 = arith.constant 0 : i32
        %dma_start3A_69 = tpu.memref_slice %arg8[%add3A_45, %dma_start3A_68] : memref<40x128xi32, #tpu.memory_space<vmem>> -> memref<1x128xi32, #tpu.memory_space<vmem>>
        %dma_start3A_70 = tpu.memref_squeeze %dma_start3A_69 : memref<1x128xi32, #tpu.memory_space<vmem>> -> memref<128xi32, #tpu.memory_space<vmem>>
        %dma_start3A_71 = arith.constant 0 : i32
        %dma_start3A_72 = arith.constant 0 : i32
        %dma_start3A_73 = tpu.memref_slice %arg11[%dma_start3A_71, %dma_start3A_72] : memref<10240x128xf32, #tpu.memory_space<vmem_shared>> -> memref<10240x128xf32, #tpu.memory_space<vmem_shared>>
        tpu.enqueue_indirect_dma source(%arg10 : memref<128x128xf32, #tpu.memory_space<vmem>>) target(%dma_start3A_73 : memref<10240x128xf32, #tpu.memory_space<vmem_shared>>) offsets(%dma_start3A_70 : memref<128xi32, #tpu.memory_space<vmem>>) semaphore(%run_scoped3A : memref<!tpu.dma_semaphore, #tpu.memory_space<semaphore_mem>>) {add = true}
        %dma_wait3A_74 = arith.constant 0 : i32
        %dma_wait3A_75 = tpu.memref_slice %arg8[%add3A_45, %dma_wait3A_74] : memref<40x128xi32, #tpu.memory_space<vmem>> -> memref<1x128xi32, #tpu.memory_space<vmem>>
        %dma_wait3A_76 = tpu.memref_squeeze %dma_wait3A_75 : memref<1x128xi32, #tpu.memory_space<vmem>> -> memref<128xi32, #tpu.memory_space<vmem>>
        %dma_wait3A_77 = arith.constant 0 : i32
        %dma_wait3A_78 = arith.constant 0 : i32
        %dma_wait3A_79 = tpu.memref_slice %arg11[%dma_wait3A_77, %dma_wait3A_78] : memref<10240x128xf32, #tpu.memory_space<vmem_shared>> -> memref<10240x128xf32, #tpu.memory_space<vmem_shared>>
        tpu.wait_indirect_dma semaphore(%run_scoped3A : memref<!tpu.dma_semaphore, #tpu.memory_space<semaphore_mem>>) src(%arg10 : memref<128x128xf32, #tpu.memory_space<vmem>>) dst(%dma_wait3A_79 : memref<10240x128xf32, #tpu.memory_space<vmem_shared>>)
        tpu.yield
      }) : () -> ()
    }
    %scan3A_35 = arith.constant 20 : i32
    %barrier3A_36 = arith.constant 0 : index
    tpu.barrier barrier_id(%barrier3A_36)
    %mul3A_37 = arith.constant 640 : i32
    %mul3A_38 = arith.muli %arg1, %mul3A_37 : i32
    %mul3A_39 = arith.constant 640 : i32
    %mul3A_40 = arith.muli %arg1, %mul3A_39 : i32
    "tpu.region"() ({
      %run_scoped3A = tpu.sem_alloc : memref<!tpu.dma_semaphore, #tpu.memory_space<semaphore_mem>>
      %dma_start3A_41 = arith.constant 0 : i32
      %dma_start3A_42 = tpu.memref_slice %arg6[%arg0, %mul3A_40, %dma_start3A_41] : memref<2x10240x128xf32, #tpu.memory_space<hbm>> -> memref<1x640x128xf32, #tpu.memory_space<hbm>>
      %dma_start3A_43 = tpu.memref_squeeze %dma_start3A_42 : memref<1x640x128xf32, #tpu.memory_space<hbm>> -> memref<640x128xf32, #tpu.memory_space<hbm>>
      %dma_start3A_44 = arith.constant 0 : i32
      %dma_start3A_45 = tpu.memref_slice %arg11[%mul3A_38, %dma_start3A_44] : memref<10240x128xf32, #tpu.memory_space<vmem_shared>> -> memref<640x128xf32, #tpu.memory_space<vmem_shared>>
      tpu.enqueue_dma source(%dma_start3A_45 : memref<640x128xf32, #tpu.memory_space<vmem_shared>>) target(%dma_start3A_43 : memref<640x128xf32, #tpu.memory_space<hbm>>) target_semaphore(%run_scoped3A : memref<!tpu.dma_semaphore, #tpu.memory_space<semaphore_mem>>)
      %dma_wait3A_46 = arith.constant 0 : i32
      %dma_wait3A_47 = tpu.memref_slice %arg6[%arg0, %mul3A_40, %dma_wait3A_46] : memref<2x10240x128xf32, #tpu.memory_space<hbm>> -> memref<1x640x128xf32, #tpu.memory_space<hbm>>
      %dma_wait3A_48 = tpu.memref_squeeze %dma_wait3A_47 : memref<1x640x128xf32, #tpu.memory_space<hbm>> -> memref<640x128xf32, #tpu.memory_space<hbm>>
      %dma_wait3A_49 = arith.constant 0 : i32
      %dma_wait3A_50 = tpu.memref_slice %arg11[%mul3A_38, %dma_wait3A_49] : memref<10240x128xf32, #tpu.memory_space<vmem_shared>> -> memref<640x128xf32, #tpu.memory_space<vmem_shared>>
      tpu.wait_dma2 semaphore(%run_scoped3A : memref<!tpu.dma_semaphore, #tpu.memory_space<semaphore_mem>>) src(%dma_wait3A_50 : memref<640x128xf32, #tpu.memory_space<vmem_shared>>) dst(%dma_wait3A_48 : memref<640x128xf32, #tpu.memory_space<hbm>>)
      tpu.yield
    }) : () -> ()
    return
  }
}

#map = affine_map<(d0, d1) -> (0, 0, 0)>
#map1 = affine_map<(d0, d1) -> (0)>
module attributes {stable_mosaic.version = 14 : i64} {
  func.func @body(%arg0: i32, %arg1: i32, %arg2: memref<32x80x128xi32, #tpu.memory_space<hbm>>, %arg3: memref<20480xf32, #tpu.memory_space<hbm>>, %arg4: memref<40x128xi32, #tpu.memory_space<vmem>>, %arg5: memref<10240xf32, #tpu.memory_space<vmem>>, %arg6: memref<16x640xf32, #tpu.memory_space<vmem>>, %arg7: memref<640xf32, #tpu.memory_space<vmem>>, %arg8: memref<16x10240xf32, #tpu.memory_space<vmem_shared>>) attributes {dimension_semantics = [#tpu.dimension_semantics<core_parallel>, #tpu.dimension_semantics<subcore_parallel>], iteration_bounds = array<i64: 2, 16>, scalar_prefetch = 0 : i64, scratch_operands = 5 : i64, tpu.core_type = #tpu.core_type<sc_vector_subcore>, window_params = [{transform_indices = #map}, {transform_indices = #map1}]} {
    %mul3A = arith.constant 2 : i32
    %mul3A_0 = arith.muli %arg1, %mul3A : i32
    %add3A = arith.addi %mul3A_0, %arg0 : i32
    %scan3A = arith.constant 0 : i32
    %scan3A_1 = arith.constant 0 : i32
    %scan3A_2 = arith.constant 640 : i32
    %scan3A_3 = arith.addi %scan3A_1, %scan3A_2 : i32
    %scan3A_4 = arith.constant 1 : i32
    scf.for %scan3A_25 = %scan3A_1 to %scan3A_3 step %scan3A_4  : i32 {
      %broadcast_in_dim3A = arith.constant 0.000000e+00 : f32
      %broadcast_in_dim3A_26 = vector.broadcast %broadcast_in_dim3A : f32 to vector<16xf32>
      %mul3A_27 = arith.constant 16 : i32
      %mul3A_28 = arith.muli %scan3A_25, %mul3A_27 : i32
      %swap3A = arith.index_cast %mul3A_28 : i32 to index
      %swap3A_29 = tpu.vector_load %arg5[%swap3A] {strides = array<i32>} : memref<10240xf32, #tpu.memory_space<vmem>>, vector<16xf32>,
      tpu.vector_store %arg5[%swap3A], %broadcast_in_dim3A_26 {strides = array<i32>} : memref<10240xf32, #tpu.memory_space<vmem>>, vector<16xf32>,
    }
    %scan3A_5 = arith.constant 640 : i32
    %iota3A = tpu.iota {dimensions = array<i32: 0>} : vector<16xi32>
    %scan3A_6 = arith.constant 0 : i32
    %scan3A_7 = arith.constant 0 : i32
    %scan3A_8 = arith.constant 2 : i32
    %scan3A_9 = arith.addi %scan3A_7, %scan3A_8 : i32
    %scan3A_10 = arith.constant 1 : i32
    scf.for %scan3A_25 = %scan3A_7 to %scan3A_9 step %scan3A_10  : i32 {
      %mul3A_26 = arith.constant 40 : i32
      %mul3A_27 = arith.muli %scan3A_25, %mul3A_26 : i32
      %multiple_of3A = tpu.assume_multiple %mul3A_27, 8 : i32
      "tpu.region"() ({
        %run_scoped3A = tpu.sem_alloc : memref<!tpu.dma_semaphore, #tpu.memory_space<semaphore_mem>>
        %dma_start3A = arith.constant 0 : i32
        %dma_start3A_34 = tpu.memref_slice %arg2[%add3A, %multiple_of3A, %dma_start3A] : memref<32x80x128xi32, #tpu.memory_space<hbm>> -> memref<1x40x128xi32, #tpu.memory_space<hbm>>
        %dma_start3A_35 = tpu.memref_squeeze %dma_start3A_34 : memref<1x40x128xi32, #tpu.memory_space<hbm>> -> memref<40x128xi32, #tpu.memory_space<hbm>>
        %dma_start3A_36 = arith.constant 0 : i32
        %dma_start3A_37 = tpu.memref_slice %arg2[%add3A, %multiple_of3A, %dma_start3A_36] : memref<32x80x128xi32, #tpu.memory_space<hbm>> -> memref<1x40x128xi32, #tpu.memory_space<hbm>>
        %dma_start3A_38 = tpu.memref_squeeze %dma_start3A_37 : memref<1x40x128xi32, #tpu.memory_space<hbm>> -> memref<40x128xi32, #tpu.memory_space<hbm>>
        tpu.enqueue_dma source(%dma_start3A_38 : memref<40x128xi32, #tpu.memory_space<hbm>>) target(%arg4 : memref<40x128xi32, #tpu.memory_space<vmem>>) target_semaphore(%run_scoped3A : memref<!tpu.dma_semaphore, #tpu.memory_space<semaphore_mem>>)
        %dma_wait3A = arith.constant 0 : i32
        %dma_wait3A_39 = tpu.memref_slice %arg2[%add3A, %multiple_of3A, %dma_wait3A] : memref<32x80x128xi32, #tpu.memory_space<hbm>> -> memref<1x40x128xi32, #tpu.memory_space<hbm>>
        %dma_wait3A_40 = tpu.memref_squeeze %dma_wait3A_39 : memref<1x40x128xi32, #tpu.memory_space<hbm>> -> memref<40x128xi32, #tpu.memory_space<hbm>>
        %dma_wait3A_41 = arith.constant 0 : i32
        %dma_wait3A_42 = tpu.memref_slice %arg2[%add3A, %multiple_of3A, %dma_wait3A_41] : memref<32x80x128xi32, #tpu.memory_space<hbm>> -> memref<1x40x128xi32, #tpu.memory_space<hbm>>
        %dma_wait3A_43 = tpu.memref_squeeze %dma_wait3A_42 : memref<1x40x128xi32, #tpu.memory_space<hbm>> -> memref<40x128xi32, #tpu.memory_space<hbm>>
        tpu.wait_dma2 semaphore(%run_scoped3A : memref<!tpu.dma_semaphore, #tpu.memory_space<semaphore_mem>>) src(%dma_wait3A_43 : memref<40x128xi32, #tpu.memory_space<hbm>>) dst(%arg4 : memref<40x128xi32, #tpu.memory_space<vmem>>)
        tpu.yield
      }) : () -> ()
      %scan3A_28 = arith.constant 0 : i32
      %scan3A_29 = arith.constant 0 : i32
      %scan3A_30 = arith.constant 40 : i32
      %scan3A_31 = arith.addi %scan3A_29, %scan3A_30 : i32
      %scan3A_32 = arith.constant 1 : i32
      scf.for %scan3A_34 = %scan3A_29 to %scan3A_31 step %scan3A_32  : i32 {
        %get3A = arith.index_cast %scan3A_34 : i32 to index
        %get3A_35 = arith.constant 0 : index
        %get3A_36 = tpu.vector_load %arg4[%get3A, %get3A_35] {strides = array<i32>} : memref<40x128xi32, #tpu.memory_space<vmem>>, vector<16xi32>,
        %masked_sort3A = arith.constant dense<true> : vector<16xi1>
        %masked_sort3A_37 = arith.constant -2147483648 : i32
        %masked_sort3A_38 = vector.broadcast %masked_sort3A_37 : i32 to vector<16xi32>
        %masked_sort3A_39 = arith.xori %get3A_36, %masked_sort3A_38 : vector<16xi32>
        %masked_sort3A_40, %masked_sort3A_41, %masked_sort3A_42 = tpu.sort %masked_sort3A_39, %get3A_36 masked %masked_sort3A : (vector<16xi32>, vector<16xi32>, vector<16xi1>) -> (vector<16xi1>, vector<16xi32>, vector<16xi32>)
        %masked_sort3A_43 = arith.xori %masked_sort3A_41, %masked_sort3A_38 : vector<16xi32>
        %sub3A = arith.constant 1 : i32
        %sub3A_44 = vector.broadcast %sub3A : i32 to vector<16xi32>
        %sub3A_45 = arith.subi %iota3A, %sub3A_44 : vector<16xi32>
        %max3A = arith.constant 0 : i32
        %max3A_46 = vector.broadcast %max3A : i32 to vector<16xi32>
        %max3A_47 = arith.maxsi %sub3A_45, %max3A_46 : vector<16xi32>
        %broadcast_in_dim3A = vector.shape_cast %max3A_47 : vector<16xi32> to vector<16x1xi32>
        %gather3A = vector.shape_cast %broadcast_in_dim3A : vector<16x1xi32> to vector<16xi32>
        %gather3A_48 = tpu.dynamic_gather %masked_sort3A_43[%gather3A] in [0] : vector<16xi32>, vector<16xi32> -> vector<16xi32>
        %add3A_49 = arith.constant 1 : i32
        %add3A_50 = vector.broadcast %add3A_49 : i32 to vector<16xi32>
        %add3A_51 = arith.addi %iota3A, %add3A_50 : vector<16xi32>
        %min3A = arith.constant 15 : i32
        %min3A_52 = vector.broadcast %min3A : i32 to vector<16xi32>
        %min3A_53 = arith.minsi %add3A_51, %min3A_52 : vector<16xi32>
        %broadcast_in_dim3A_54 = vector.shape_cast %min3A_53 : vector<16xi32> to vector<16x1xi32>
        %gather3A_55 = vector.shape_cast %broadcast_in_dim3A_54 : vector<16x1xi32> to vector<16xi32>
        %gather3A_56 = tpu.dynamic_gather %masked_sort3A_43[%gather3A_55] in [0] : vector<16xi32>, vector<16xi32> -> vector<16xi32>
        %eq3A = arith.constant 0 : i32
        %eq3A_57 = vector.broadcast %eq3A : i32 to vector<16xi32>
        %eq3A_58 = arith.cmpi eq, %iota3A, %eq3A_57 : vector<16xi32>
        %ne3A = arith.cmpi ne, %masked_sort3A_43, %gather3A_48 : vector<16xi32>
        %or3A = arith.ori %eq3A_58, %ne3A : vector<16xi1>
        %eq3A_59 = arith.constant 15 : i32
        %eq3A_60 = vector.broadcast %eq3A_59 : i32 to vector<16xi32>
        %eq3A_61 = arith.cmpi eq, %iota3A, %eq3A_60 : vector<16xi32>
        %ne3A_62 = arith.cmpi ne, %masked_sort3A_43, %gather3A_56 : vector<16xi32>
        %or3A_63 = arith.ori %eq3A_61, %ne3A_62 : vector<16xi1>
        %jit3A = arith.constant 0 : i32
        %broadcast_in_dim3A_64 = vector.broadcast %jit3A : i32 to vector<16xi32>
        %select_n3A = arith.select %or3A, %iota3A, %broadcast_in_dim3A_64 : vector<16xi1>, vector<16xi32>
        %broadcast_in_dim3A_65 = arith.constant true
        %broadcast_in_dim3A_66 = vector.broadcast %broadcast_in_dim3A_65 : i1 to vector<16xi1>
        %masked_cummax3A = arith.constant -2147483648 : i32
        %masked_cummax3A_67 = vector.broadcast %masked_cummax3A : i32 to vector<16xi32>
        %masked_cummax3A_68 = arith.xori %select_n3A, %masked_cummax3A_67 : vector<16xi32>
        %masked_cummax3A_69 = tpu.scan <max>, %masked_cummax3A_68 masked %broadcast_in_dim3A_66 : vector<16xi32>, vector<16xi1> -> vector<16xi32>
        %masked_cummax3A_70 = arith.xori %masked_cummax3A_69, %masked_cummax3A_67 : vector<16xi32>
        %sub3A_71 = arith.subi %iota3A, %masked_cummax3A_70 : vector<16xi32>
        %add3A_72 = arith.constant 1 : i32
        %add3A_73 = vector.broadcast %add3A_72 : i32 to vector<16xi32>
        %add3A_74 = arith.addi %sub3A_71, %add3A_73 : vector<16xi32>
        %convert_element_type3A = arith.sitofp %add3A_74 : vector<16xi32> to vector<16xf32>
        tpu.vector_store_idx %arg5[%masked_sort3A_43], %convert_element_type3A masked %or3A_63 {add = true} : memref<10240xf32, #tpu.memory_space<vmem>>[vector<16xi32>], vector<16xf32>, vector<16xi1>
        %get3A_75 = arith.index_cast %scan3A_34 : i32 to index
        %get3A_76 = arith.constant 16 : index
        %get3A_77 = tpu.vector_load %arg4[%get3A_75, %get3A_76] {strides = array<i32>} : memref<40x128xi32, #tpu.memory_space<vmem>>, vector<16xi32>,
        %masked_sort3A_78 = arith.constant dense<true> : vector<16xi1>
        %masked_sort3A_79 = arith.constant -2147483648 : i32
        %masked_sort3A_80 = vector.broadcast %masked_sort3A_79 : i32 to vector<16xi32>
        %masked_sort3A_81 = arith.xori %get3A_77, %masked_sort3A_80 : vector<16xi32>
        %masked_sort3A_82, %masked_sort3A_83, %masked_sort3A_84 = tpu.sort %masked_sort3A_81, %get3A_77 masked %masked_sort3A_78 : (vector<16xi32>, vector<16xi32>, vector<16xi1>) -> (vector<16xi1>, vector<16xi32>, vector<16xi32>)
        %masked_sort3A_85 = arith.xori %masked_sort3A_83, %masked_sort3A_80 : vector<16xi32>
        %sub3A_86 = arith.constant 1 : i32
        %sub3A_87 = vector.broadcast %sub3A_86 : i32 to vector<16xi32>
        %sub3A_88 = arith.subi %iota3A, %sub3A_87 : vector<16xi32>
        %max3A_89 = arith.constant 0 : i32
        %max3A_90 = vector.broadcast %max3A_89 : i32 to vector<16xi32>
        %max3A_91 = arith.maxsi %sub3A_88, %max3A_90 : vector<16xi32>
        %broadcast_in_dim3A_92 = vector.shape_cast %max3A_91 : vector<16xi32> to vector<16x1xi32>
        %gather3A_93 = vector.shape_cast %broadcast_in_dim3A_92 : vector<16x1xi32> to vector<16xi32>
        %gather3A_94 = tpu.dynamic_gather %masked_sort3A_85[%gather3A_93] in [0] : vector<16xi32>, vector<16xi32> -> vector<16xi32>
        %add3A_95 = arith.constant 1 : i32
        %add3A_96 = vector.broadcast %add3A_95 : i32 to vector<16xi32>
        %add3A_97 = arith.addi %iota3A, %add3A_96 : vector<16xi32>
        %min3A_98 = arith.constant 15 : i32
        %min3A_99 = vector.broadcast %min3A_98 : i32 to vector<16xi32>
        %min3A_100 = arith.minsi %add3A_97, %min3A_99 : vector<16xi32>
        %broadcast_in_dim3A_101 = vector.shape_cast %min3A_100 : vector<16xi32> to vector<16x1xi32>
        %gather3A_102 = vector.shape_cast %broadcast_in_dim3A_101 : vector<16x1xi32> to vector<16xi32>
        %gather3A_103 = tpu.dynamic_gather %masked_sort3A_85[%gather3A_102] in [0] : vector<16xi32>, vector<16xi32> -> vector<16xi32>
        %eq3A_104 = arith.constant 0 : i32
        %eq3A_105 = vector.broadcast %eq3A_104 : i32 to vector<16xi32>
        %eq3A_106 = arith.cmpi eq, %iota3A, %eq3A_105 : vector<16xi32>
        %ne3A_107 = arith.cmpi ne, %masked_sort3A_85, %gather3A_94 : vector<16xi32>
        %or3A_108 = arith.ori %eq3A_106, %ne3A_107 : vector<16xi1>
        %eq3A_109 = arith.constant 15 : i32
        %eq3A_110 = vector.broadcast %eq3A_109 : i32 to vector<16xi32>
        %eq3A_111 = arith.cmpi eq, %iota3A, %eq3A_110 : vector<16xi32>
        %ne3A_112 = arith.cmpi ne, %masked_sort3A_85, %gather3A_103 : vector<16xi32>
        %or3A_113 = arith.ori %eq3A_111, %ne3A_112 : vector<16xi1>
        %jit3A_114 = arith.constant 0 : i32
        %broadcast_in_dim3A_115 = vector.broadcast %jit3A_114 : i32 to vector<16xi32>
        %select_n3A_116 = arith.select %or3A_108, %iota3A, %broadcast_in_dim3A_115 : vector<16xi1>, vector<16xi32>
        %broadcast_in_dim3A_117 = arith.constant true
        %broadcast_in_dim3A_118 = vector.broadcast %broadcast_in_dim3A_117 : i1 to vector<16xi1>
        %masked_cummax3A_119 = arith.constant -2147483648 : i32
        %masked_cummax3A_120 = vector.broadcast %masked_cummax3A_119 : i32 to vector<16xi32>
        %masked_cummax3A_121 = arith.xori %select_n3A_116, %masked_cummax3A_120 : vector<16xi32>
        %masked_cummax3A_122 = tpu.scan <max>, %masked_cummax3A_121 masked %broadcast_in_dim3A_118 : vector<16xi32>, vector<16xi1> -> vector<16xi32>
        %masked_cummax3A_123 = arith.xori %masked_cummax3A_122, %masked_cummax3A_120 : vector<16xi32>
        %sub3A_124 = arith.subi %iota3A, %masked_cummax3A_123 : vector<16xi32>
        %add3A_125 = arith.constant 1 : i32
        %add3A_126 = vector.broadcast %add3A_125 : i32 to vector<16xi32>
        %add3A_127 = arith.addi %sub3A_124, %add3A_126 : vector<16xi32>
        %convert_element_type3A_128 = arith.sitofp %add3A_127 : vector<16xi32> to vector<16xf32>
        tpu.vector_store_idx %arg5[%masked_sort3A_85], %convert_element_type3A_128 masked %or3A_113 {add = true} : memref<10240xf32, #tpu.memory_space<vmem>>[vector<16xi32>], vector<16xf32>, vector<16xi1>
        %get3A_129 = arith.index_cast %scan3A_34 : i32 to index
        %get3A_130 = arith.constant 32 : index
        %get3A_131 = tpu.vector_load %arg4[%get3A_129, %get3A_130] {strides = array<i32>} : memref<40x128xi32, #tpu.memory_space<vmem>>, vector<16xi32>,
        %masked_sort3A_132 = arith.constant dense<true> : vector<16xi1>
        %masked_sort3A_133 = arith.constant -2147483648 : i32
        %masked_sort3A_134 = vector.broadcast %masked_sort3A_133 : i32 to vector<16xi32>
        %masked_sort3A_135 = arith.xori %get3A_131, %masked_sort3A_134 : vector<16xi32>
        %masked_sort3A_136, %masked_sort3A_137, %masked_sort3A_138 = tpu.sort %masked_sort3A_135, %get3A_131 masked %masked_sort3A_132 : (vector<16xi32>, vector<16xi32>, vector<16xi1>) -> (vector<16xi1>, vector<16xi32>, vector<16xi32>)
        %masked_sort3A_139 = arith.xori %masked_sort3A_137, %masked_sort3A_134 : vector<16xi32>
        %sub3A_140 = arith.constant 1 : i32
        %sub3A_141 = vector.broadcast %sub3A_140 : i32 to vector<16xi32>
        %sub3A_142 = arith.subi %iota3A, %sub3A_141 : vector<16xi32>
        %max3A_143 = arith.constant 0 : i32
        %max3A_144 = vector.broadcast %max3A_143 : i32 to vector<16xi32>
        %max3A_145 = arith.maxsi %sub3A_142, %max3A_144 : vector<16xi32>
        %broadcast_in_dim3A_146 = vector.shape_cast %max3A_145 : vector<16xi32> to vector<16x1xi32>
        %gather3A_147 = vector.shape_cast %broadcast_in_dim3A_146 : vector<16x1xi32> to vector<16xi32>
        %gather3A_148 = tpu.dynamic_gather %masked_sort3A_139[%gather3A_147] in [0] : vector<16xi32>, vector<16xi32> -> vector<16xi32>
        %add3A_149 = arith.constant 1 : i32
        %add3A_150 = vector.broadcast %add3A_149 : i32 to vector<16xi32>
        %add3A_151 = arith.addi %iota3A, %add3A_150 : vector<16xi32>
        %min3A_152 = arith.constant 15 : i32
        %min3A_153 = vector.broadcast %min3A_152 : i32 to vector<16xi32>
        %min3A_154 = arith.minsi %add3A_151, %min3A_153 : vector<16xi32>
        %broadcast_in_dim3A_155 = vector.shape_cast %min3A_154 : vector<16xi32> to vector<16x1xi32>
        %gather3A_156 = vector.shape_cast %broadcast_in_dim3A_155 : vector<16x1xi32> to vector<16xi32>
        %gather3A_157 = tpu.dynamic_gather %masked_sort3A_139[%gather3A_156] in [0] : vector<16xi32>, vector<16xi32> -> vector<16xi32>
        %eq3A_158 = arith.constant 0 : i32
        %eq3A_159 = vector.broadcast %eq3A_158 : i32 to vector<16xi32>
        %eq3A_160 = arith.cmpi eq, %iota3A, %eq3A_159 : vector<16xi32>
        %ne3A_161 = arith.cmpi ne, %masked_sort3A_139, %gather3A_148 : vector<16xi32>
        %or3A_162 = arith.ori %eq3A_160, %ne3A_161 : vector<16xi1>
        %eq3A_163 = arith.constant 15 : i32
        %eq3A_164 = vector.broadcast %eq3A_163 : i32 to vector<16xi32>
        %eq3A_165 = arith.cmpi eq, %iota3A, %eq3A_164 : vector<16xi32>
        %ne3A_166 = arith.cmpi ne, %masked_sort3A_139, %gather3A_157 : vector<16xi32>
        %or3A_167 = arith.ori %eq3A_165, %ne3A_166 : vector<16xi1>
        %jit3A_168 = arith.constant 0 : i32
        %broadcast_in_dim3A_169 = vector.broadcast %jit3A_168 : i32 to vector<16xi32>
        %select_n3A_170 = arith.select %or3A_162, %iota3A, %broadcast_in_dim3A_169 : vector<16xi1>, vector<16xi32>
        %broadcast_in_dim3A_171 = arith.constant true
        %broadcast_in_dim3A_172 = vector.broadcast %broadcast_in_dim3A_171 : i1 to vector<16xi1>
        %masked_cummax3A_173 = arith.constant -2147483648 : i32
        %masked_cummax3A_174 = vector.broadcast %masked_cummax3A_173 : i32 to vector<16xi32>
        %masked_cummax3A_175 = arith.xori %select_n3A_170, %masked_cummax3A_174 : vector<16xi32>
        %masked_cummax3A_176 = tpu.scan <max>, %masked_cummax3A_175 masked %broadcast_in_dim3A_172 : vector<16xi32>, vector<16xi1> -> vector<16xi32>
        %masked_cummax3A_177 = arith.xori %masked_cummax3A_176, %masked_cummax3A_174 : vector<16xi32>
        %sub3A_178 = arith.subi %iota3A, %masked_cummax3A_177 : vector<16xi32>
        %add3A_179 = arith.constant 1 : i32
        %add3A_180 = vector.broadcast %add3A_179 : i32 to vector<16xi32>
        %add3A_181 = arith.addi %sub3A_178, %add3A_180 : vector<16xi32>
        %convert_element_type3A_182 = arith.sitofp %add3A_181 : vector<16xi32> to vector<16xf32>
        tpu.vector_store_idx %arg5[%masked_sort3A_139], %convert_element_type3A_182 masked %or3A_167 {add = true} : memref<10240xf32, #tpu.memory_space<vmem>>[vector<16xi32>], vector<16xf32>, vector<16xi1>
        %get3A_183 = arith.index_cast %scan3A_34 : i32 to index
        %get3A_184 = arith.constant 48 : index
        %get3A_185 = tpu.vector_load %arg4[%get3A_183, %get3A_184] {strides = array<i32>} : memref<40x128xi32, #tpu.memory_space<vmem>>, vector<16xi32>,
        %masked_sort3A_186 = arith.constant dense<true> : vector<16xi1>
        %masked_sort3A_187 = arith.constant -2147483648 : i32
        %masked_sort3A_188 = vector.broadcast %masked_sort3A_187 : i32 to vector<16xi32>
        %masked_sort3A_189 = arith.xori %get3A_185, %masked_sort3A_188 : vector<16xi32>
        %masked_sort3A_190, %masked_sort3A_191, %masked_sort3A_192 = tpu.sort %masked_sort3A_189, %get3A_185 masked %masked_sort3A_186 : (vector<16xi32>, vector<16xi32>, vector<16xi1>) -> (vector<16xi1>, vector<16xi32>, vector<16xi32>)
        %masked_sort3A_193 = arith.xori %masked_sort3A_191, %masked_sort3A_188 : vector<16xi32>
        %sub3A_194 = arith.constant 1 : i32
        %sub3A_195 = vector.broadcast %sub3A_194 : i32 to vector<16xi32>
        %sub3A_196 = arith.subi %iota3A, %sub3A_195 : vector<16xi32>
        %max3A_197 = arith.constant 0 : i32
        %max3A_198 = vector.broadcast %max3A_197 : i32 to vector<16xi32>
        %max3A_199 = arith.maxsi %sub3A_196, %max3A_198 : vector<16xi32>
        %broadcast_in_dim3A_200 = vector.shape_cast %max3A_199 : vector<16xi32> to vector<16x1xi32>
        %gather3A_201 = vector.shape_cast %broadcast_in_dim3A_200 : vector<16x1xi32> to vector<16xi32>
        %gather3A_202 = tpu.dynamic_gather %masked_sort3A_193[%gather3A_201] in [0] : vector<16xi32>, vector<16xi32> -> vector<16xi32>
        %add3A_203 = arith.constant 1 : i32
        %add3A_204 = vector.broadcast %add3A_203 : i32 to vector<16xi32>
        %add3A_205 = arith.addi %iota3A, %add3A_204 : vector<16xi32>
        %min3A_206 = arith.constant 15 : i32
        %min3A_207 = vector.broadcast %min3A_206 : i32 to vector<16xi32>
        %min3A_208 = arith.minsi %add3A_205, %min3A_207 : vector<16xi32>
        %broadcast_in_dim3A_209 = vector.shape_cast %min3A_208 : vector<16xi32> to vector<16x1xi32>
        %gather3A_210 = vector.shape_cast %broadcast_in_dim3A_209 : vector<16x1xi32> to vector<16xi32>
        %gather3A_211 = tpu.dynamic_gather %masked_sort3A_193[%gather3A_210] in [0] : vector<16xi32>, vector<16xi32> -> vector<16xi32>
        %eq3A_212 = arith.constant 0 : i32
        %eq3A_213 = vector.broadcast %eq3A_212 : i32 to vector<16xi32>
        %eq3A_214 = arith.cmpi eq, %iota3A, %eq3A_213 : vector<16xi32>
        %ne3A_215 = arith.cmpi ne, %masked_sort3A_193, %gather3A_202 : vector<16xi32>
        %or3A_216 = arith.ori %eq3A_214, %ne3A_215 : vector<16xi1>
        %eq3A_217 = arith.constant 15 : i32
        %eq3A_218 = vector.broadcast %eq3A_217 : i32 to vector<16xi32>
        %eq3A_219 = arith.cmpi eq, %iota3A, %eq3A_218 : vector<16xi32>
        %ne3A_220 = arith.cmpi ne, %masked_sort3A_193, %gather3A_211 : vector<16xi32>
        %or3A_221 = arith.ori %eq3A_219, %ne3A_220 : vector<16xi1>
        %jit3A_222 = arith.constant 0 : i32
        %broadcast_in_dim3A_223 = vector.broadcast %jit3A_222 : i32 to vector<16xi32>
        %select_n3A_224 = arith.select %or3A_216, %iota3A, %broadcast_in_dim3A_223 : vector<16xi1>, vector<16xi32>
        %broadcast_in_dim3A_225 = arith.constant true
        %broadcast_in_dim3A_226 = vector.broadcast %broadcast_in_dim3A_225 : i1 to vector<16xi1>
        %masked_cummax3A_227 = arith.constant -2147483648 : i32
        %masked_cummax3A_228 = vector.broadcast %masked_cummax3A_227 : i32 to vector<16xi32>
        %masked_cummax3A_229 = arith.xori %select_n3A_224, %masked_cummax3A_228 : vector<16xi32>
        %masked_cummax3A_230 = tpu.scan <max>, %masked_cummax3A_229 masked %broadcast_in_dim3A_226 : vector<16xi32>, vector<16xi1> -> vector<16xi32>
        %masked_cummax3A_231 = arith.xori %masked_cummax3A_230, %masked_cummax3A_228 : vector<16xi32>
        %sub3A_232 = arith.subi %iota3A, %masked_cummax3A_231 : vector<16xi32>
        %add3A_233 = arith.constant 1 : i32
        %add3A_234 = vector.broadcast %add3A_233 : i32 to vector<16xi32>
        %add3A_235 = arith.addi %sub3A_232, %add3A_234 : vector<16xi32>
        %convert_element_type3A_236 = arith.sitofp %add3A_235 : vector<16xi32> to vector<16xf32>
        tpu.vector_store_idx %arg5[%masked_sort3A_193], %convert_element_type3A_236 masked %or3A_221 {add = true} : memref<10240xf32, #tpu.memory_space<vmem>>[vector<16xi32>], vector<16xf32>, vector<16xi1>
        %get3A_237 = arith.index_cast %scan3A_34 : i32 to index
        %get3A_238 = arith.constant 64 : index
        %get3A_239 = tpu.vector_load %arg4[%get3A_237, %get3A_238] {strides = array<i32>} : memref<40x128xi32, #tpu.memory_space<vmem>>, vector<16xi32>,
        %masked_sort3A_240 = arith.constant dense<true> : vector<16xi1>
        %masked_sort3A_241 = arith.constant -2147483648 : i32
        %masked_sort3A_242 = vector.broadcast %masked_sort3A_241 : i32 to vector<16xi32>
        %masked_sort3A_243 = arith.xori %get3A_239, %masked_sort3A_242 : vector<16xi32>
        %masked_sort3A_244, %masked_sort3A_245, %masked_sort3A_246 = tpu.sort %masked_sort3A_243, %get3A_239 masked %masked_sort3A_240 : (vector<16xi32>, vector<16xi32>, vector<16xi1>) -> (vector<16xi1>, vector<16xi32>, vector<16xi32>)
        %masked_sort3A_247 = arith.xori %masked_sort3A_245, %masked_sort3A_242 : vector<16xi32>
        %sub3A_248 = arith.constant 1 : i32
        %sub3A_249 = vector.broadcast %sub3A_248 : i32 to vector<16xi32>
        %sub3A_250 = arith.subi %iota3A, %sub3A_249 : vector<16xi32>
        %max3A_251 = arith.constant 0 : i32
        %max3A_252 = vector.broadcast %max3A_251 : i32 to vector<16xi32>
        %max3A_253 = arith.maxsi %sub3A_250, %max3A_252 : vector<16xi32>
        %broadcast_in_dim3A_254 = vector.shape_cast %max3A_253 : vector<16xi32> to vector<16x1xi32>
        %gather3A_255 = vector.shape_cast %broadcast_in_dim3A_254 : vector<16x1xi32> to vector<16xi32>
        %gather3A_256 = tpu.dynamic_gather %masked_sort3A_247[%gather3A_255] in [0] : vector<16xi32>, vector<16xi32> -> vector<16xi32>
        %add3A_257 = arith.constant 1 : i32
        %add3A_258 = vector.broadcast %add3A_257 : i32 to vector<16xi32>
        %add3A_259 = arith.addi %iota3A, %add3A_258 : vector<16xi32>
        %min3A_260 = arith.constant 15 : i32
        %min3A_261 = vector.broadcast %min3A_260 : i32 to vector<16xi32>
        %min3A_262 = arith.minsi %add3A_259, %min3A_261 : vector<16xi32>
        %broadcast_in_dim3A_263 = vector.shape_cast %min3A_262 : vector<16xi32> to vector<16x1xi32>
        %gather3A_264 = vector.shape_cast %broadcast_in_dim3A_263 : vector<16x1xi32> to vector<16xi32>
        %gather3A_265 = tpu.dynamic_gather %masked_sort3A_247[%gather3A_264] in [0] : vector<16xi32>, vector<16xi32> -> vector<16xi32>
        %eq3A_266 = arith.constant 0 : i32
        %eq3A_267 = vector.broadcast %eq3A_266 : i32 to vector<16xi32>
        %eq3A_268 = arith.cmpi eq, %iota3A, %eq3A_267 : vector<16xi32>
        %ne3A_269 = arith.cmpi ne, %masked_sort3A_247, %gather3A_256 : vector<16xi32>
        %or3A_270 = arith.ori %eq3A_268, %ne3A_269 : vector<16xi1>
        %eq3A_271 = arith.constant 15 : i32
        %eq3A_272 = vector.broadcast %eq3A_271 : i32 to vector<16xi32>
        %eq3A_273 = arith.cmpi eq, %iota3A, %eq3A_272 : vector<16xi32>
        %ne3A_274 = arith.cmpi ne, %masked_sort3A_247, %gather3A_265 : vector<16xi32>
        %or3A_275 = arith.ori %eq3A_273, %ne3A_274 : vector<16xi1>
        %jit3A_276 = arith.constant 0 : i32
        %broadcast_in_dim3A_277 = vector.broadcast %jit3A_276 : i32 to vector<16xi32>
        %select_n3A_278 = arith.select %or3A_270, %iota3A, %broadcast_in_dim3A_277 : vector<16xi1>, vector<16xi32>
        %broadcast_in_dim3A_279 = arith.constant true
        %broadcast_in_dim3A_280 = vector.broadcast %broadcast_in_dim3A_279 : i1 to vector<16xi1>
        %masked_cummax3A_281 = arith.constant -2147483648 : i32
        %masked_cummax3A_282 = vector.broadcast %masked_cummax3A_281 : i32 to vector<16xi32>
        %masked_cummax3A_283 = arith.xori %select_n3A_278, %masked_cummax3A_282 : vector<16xi32>
        %masked_cummax3A_284 = tpu.scan <max>, %masked_cummax3A_283 masked %broadcast_in_dim3A_280 : vector<16xi32>, vector<16xi1> -> vector<16xi32>
        %masked_cummax3A_285 = arith.xori %masked_cummax3A_284, %masked_cummax3A_282 : vector<16xi32>
        %sub3A_286 = arith.subi %iota3A, %masked_cummax3A_285 : vector<16xi32>
        %add3A_287 = arith.constant 1 : i32
        %add3A_288 = vector.broadcast %add3A_287 : i32 to vector<16xi32>
        %add3A_289 = arith.addi %sub3A_286, %add3A_288 : vector<16xi32>
        %convert_element_type3A_290 = arith.sitofp %add3A_289 : vector<16xi32> to vector<16xf32>
        tpu.vector_store_idx %arg5[%masked_sort3A_247], %convert_element_type3A_290 masked %or3A_275 {add = true} : memref<10240xf32, #tpu.memory_space<vmem>>[vector<16xi32>], vector<16xf32>, vector<16xi1>
        %get3A_291 = arith.index_cast %scan3A_34 : i32 to index
        %get3A_292 = arith.constant 80 : index
        %get3A_293 = tpu.vector_load %arg4[%get3A_291, %get3A_292] {strides = array<i32>} : memref<40x128xi32, #tpu.memory_space<vmem>>, vector<16xi32>,
        %masked_sort3A_294 = arith.constant dense<true> : vector<16xi1>
        %masked_sort3A_295 = arith.constant -2147483648 : i32
        %masked_sort3A_296 = vector.broadcast %masked_sort3A_295 : i32 to vector<16xi32>
        %masked_sort3A_297 = arith.xori %get3A_293, %masked_sort3A_296 : vector<16xi32>
        %masked_sort3A_298, %masked_sort3A_299, %masked_sort3A_300 = tpu.sort %masked_sort3A_297, %get3A_293 masked %masked_sort3A_294 : (vector<16xi32>, vector<16xi32>, vector<16xi1>) -> (vector<16xi1>, vector<16xi32>, vector<16xi32>)
        %masked_sort3A_301 = arith.xori %masked_sort3A_299, %masked_sort3A_296 : vector<16xi32>
        %sub3A_302 = arith.constant 1 : i32
        %sub3A_303 = vector.broadcast %sub3A_302 : i32 to vector<16xi32>
        %sub3A_304 = arith.subi %iota3A, %sub3A_303 : vector<16xi32>
        %max3A_305 = arith.constant 0 : i32
        %max3A_306 = vector.broadcast %max3A_305 : i32 to vector<16xi32>
        %max3A_307 = arith.maxsi %sub3A_304, %max3A_306 : vector<16xi32>
        %broadcast_in_dim3A_308 = vector.shape_cast %max3A_307 : vector<16xi32> to vector<16x1xi32>
        %gather3A_309 = vector.shape_cast %broadcast_in_dim3A_308 : vector<16x1xi32> to vector<16xi32>
        %gather3A_310 = tpu.dynamic_gather %masked_sort3A_301[%gather3A_309] in [0] : vector<16xi32>, vector<16xi32> -> vector<16xi32>
        %add3A_311 = arith.constant 1 : i32
        %add3A_312 = vector.broadcast %add3A_311 : i32 to vector<16xi32>
        %add3A_313 = arith.addi %iota3A, %add3A_312 : vector<16xi32>
        %min3A_314 = arith.constant 15 : i32
        %min3A_315 = vector.broadcast %min3A_314 : i32 to vector<16xi32>
        %min3A_316 = arith.minsi %add3A_313, %min3A_315 : vector<16xi32>
        %broadcast_in_dim3A_317 = vector.shape_cast %min3A_316 : vector<16xi32> to vector<16x1xi32>
        %gather3A_318 = vector.shape_cast %broadcast_in_dim3A_317 : vector<16x1xi32> to vector<16xi32>
        %gather3A_319 = tpu.dynamic_gather %masked_sort3A_301[%gather3A_318] in [0] : vector<16xi32>, vector<16xi32> -> vector<16xi32>
        %eq3A_320 = arith.constant 0 : i32
        %eq3A_321 = vector.broadcast %eq3A_320 : i32 to vector<16xi32>
        %eq3A_322 = arith.cmpi eq, %iota3A, %eq3A_321 : vector<16xi32>
        %ne3A_323 = arith.cmpi ne, %masked_sort3A_301, %gather3A_310 : vector<16xi32>
        %or3A_324 = arith.ori %eq3A_322, %ne3A_323 : vector<16xi1>
        %eq3A_325 = arith.constant 15 : i32
        %eq3A_326 = vector.broadcast %eq3A_325 : i32 to vector<16xi32>
        %eq3A_327 = arith.cmpi eq, %iota3A, %eq3A_326 : vector<16xi32>
        %ne3A_328 = arith.cmpi ne, %masked_sort3A_301, %gather3A_319 : vector<16xi32>
        %or3A_329 = arith.ori %eq3A_327, %ne3A_328 : vector<16xi1>
        %jit3A_330 = arith.constant 0 : i32
        %broadcast_in_dim3A_331 = vector.broadcast %jit3A_330 : i32 to vector<16xi32>
        %select_n3A_332 = arith.select %or3A_324, %iota3A, %broadcast_in_dim3A_331 : vector<16xi1>, vector<16xi32>
        %broadcast_in_dim3A_333 = arith.constant true
        %broadcast_in_dim3A_334 = vector.broadcast %broadcast_in_dim3A_333 : i1 to vector<16xi1>
        %masked_cummax3A_335 = arith.constant -2147483648 : i32
        %masked_cummax3A_336 = vector.broadcast %masked_cummax3A_335 : i32 to vector<16xi32>
        %masked_cummax3A_337 = arith.xori %select_n3A_332, %masked_cummax3A_336 : vector<16xi32>
        %masked_cummax3A_338 = tpu.scan <max>, %masked_cummax3A_337 masked %broadcast_in_dim3A_334 : vector<16xi32>, vector<16xi1> -> vector<16xi32>
        %masked_cummax3A_339 = arith.xori %masked_cummax3A_338, %masked_cummax3A_336 : vector<16xi32>
        %sub3A_340 = arith.subi %iota3A, %masked_cummax3A_339 : vector<16xi32>
        %add3A_341 = arith.constant 1 : i32
        %add3A_342 = vector.broadcast %add3A_341 : i32 to vector<16xi32>
        %add3A_343 = arith.addi %sub3A_340, %add3A_342 : vector<16xi32>
        %convert_element_type3A_344 = arith.sitofp %add3A_343 : vector<16xi32> to vector<16xf32>
        tpu.vector_store_idx %arg5[%masked_sort3A_301], %convert_element_type3A_344 masked %or3A_329 {add = true} : memref<10240xf32, #tpu.memory_space<vmem>>[vector<16xi32>], vector<16xf32>, vector<16xi1>
        %get3A_345 = arith.index_cast %scan3A_34 : i32 to index
        %get3A_346 = arith.constant 96 : index
        %get3A_347 = tpu.vector_load %arg4[%get3A_345, %get3A_346] {strides = array<i32>} : memref<40x128xi32, #tpu.memory_space<vmem>>, vector<16xi32>,
        %masked_sort3A_348 = arith.constant dense<true> : vector<16xi1>
        %masked_sort3A_349 = arith.constant -2147483648 : i32
        %masked_sort3A_350 = vector.broadcast %masked_sort3A_349 : i32 to vector<16xi32>
        %masked_sort3A_351 = arith.xori %get3A_347, %masked_sort3A_350 : vector<16xi32>
        %masked_sort3A_352, %masked_sort3A_353, %masked_sort3A_354 = tpu.sort %masked_sort3A_351, %get3A_347 masked %masked_sort3A_348 : (vector<16xi32>, vector<16xi32>, vector<16xi1>) -> (vector<16xi1>, vector<16xi32>, vector<16xi32>)
        %masked_sort3A_355 = arith.xori %masked_sort3A_353, %masked_sort3A_350 : vector<16xi32>
        %sub3A_356 = arith.constant 1 : i32
        %sub3A_357 = vector.broadcast %sub3A_356 : i32 to vector<16xi32>
        %sub3A_358 = arith.subi %iota3A, %sub3A_357 : vector<16xi32>
        %max3A_359 = arith.constant 0 : i32
        %max3A_360 = vector.broadcast %max3A_359 : i32 to vector<16xi32>
        %max3A_361 = arith.maxsi %sub3A_358, %max3A_360 : vector<16xi32>
        %broadcast_in_dim3A_362 = vector.shape_cast %max3A_361 : vector<16xi32> to vector<16x1xi32>
        %gather3A_363 = vector.shape_cast %broadcast_in_dim3A_362 : vector<16x1xi32> to vector<16xi32>
        %gather3A_364 = tpu.dynamic_gather %masked_sort3A_355[%gather3A_363] in [0] : vector<16xi32>, vector<16xi32> -> vector<16xi32>
        %add3A_365 = arith.constant 1 : i32
        %add3A_366 = vector.broadcast %add3A_365 : i32 to vector<16xi32>
        %add3A_367 = arith.addi %iota3A, %add3A_366 : vector<16xi32>
        %min3A_368 = arith.constant 15 : i32
        %min3A_369 = vector.broadcast %min3A_368 : i32 to vector<16xi32>
        %min3A_370 = arith.minsi %add3A_367, %min3A_369 : vector<16xi32>
        %broadcast_in_dim3A_371 = vector.shape_cast %min3A_370 : vector<16xi32> to vector<16x1xi32>
        %gather3A_372 = vector.shape_cast %broadcast_in_dim3A_371 : vector<16x1xi32> to vector<16xi32>
        %gather3A_373 = tpu.dynamic_gather %masked_sort3A_355[%gather3A_372] in [0] : vector<16xi32>, vector<16xi32> -> vector<16xi32>
        %eq3A_374 = arith.constant 0 : i32
        %eq3A_375 = vector.broadcast %eq3A_374 : i32 to vector<16xi32>
        %eq3A_376 = arith.cmpi eq, %iota3A, %eq3A_375 : vector<16xi32>
        %ne3A_377 = arith.cmpi ne, %masked_sort3A_355, %gather3A_364 : vector<16xi32>
        %or3A_378 = arith.ori %eq3A_376, %ne3A_377 : vector<16xi1>
        %eq3A_379 = arith.constant 15 : i32
        %eq3A_380 = vector.broadcast %eq3A_379 : i32 to vector<16xi32>
        %eq3A_381 = arith.cmpi eq, %iota3A, %eq3A_380 : vector<16xi32>
        %ne3A_382 = arith.cmpi ne, %masked_sort3A_355, %gather3A_373 : vector<16xi32>
        %or3A_383 = arith.ori %eq3A_381, %ne3A_382 : vector<16xi1>
        %jit3A_384 = arith.constant 0 : i32
        %broadcast_in_dim3A_385 = vector.broadcast %jit3A_384 : i32 to vector<16xi32>
        %select_n3A_386 = arith.select %or3A_378, %iota3A, %broadcast_in_dim3A_385 : vector<16xi1>, vector<16xi32>
        %broadcast_in_dim3A_387 = arith.constant true
        %broadcast_in_dim3A_388 = vector.broadcast %broadcast_in_dim3A_387 : i1 to vector<16xi1>
        %masked_cummax3A_389 = arith.constant -2147483648 : i32
        %masked_cummax3A_390 = vector.broadcast %masked_cummax3A_389 : i32 to vector<16xi32>
        %masked_cummax3A_391 = arith.xori %select_n3A_386, %masked_cummax3A_390 : vector<16xi32>
        %masked_cummax3A_392 = tpu.scan <max>, %masked_cummax3A_391 masked %broadcast_in_dim3A_388 : vector<16xi32>, vector<16xi1> -> vector<16xi32>
        %masked_cummax3A_393 = arith.xori %masked_cummax3A_392, %masked_cummax3A_390 : vector<16xi32>
        %sub3A_394 = arith.subi %iota3A, %masked_cummax3A_393 : vector<16xi32>
        %add3A_395 = arith.constant 1 : i32
        %add3A_396 = vector.broadcast %add3A_395 : i32 to vector<16xi32>
        %add3A_397 = arith.addi %sub3A_394, %add3A_396 : vector<16xi32>
        %convert_element_type3A_398 = arith.sitofp %add3A_397 : vector<16xi32> to vector<16xf32>
        tpu.vector_store_idx %arg5[%masked_sort3A_355], %convert_element_type3A_398 masked %or3A_383 {add = true} : memref<10240xf32, #tpu.memory_space<vmem>>[vector<16xi32>], vector<16xf32>, vector<16xi1>
        %get3A_399 = arith.index_cast %scan3A_34 : i32 to index
        %get3A_400 = arith.constant 112 : index
        %get3A_401 = tpu.vector_load %arg4[%get3A_399, %get3A_400] {strides = array<i32>} : memref<40x128xi32, #tpu.memory_space<vmem>>, vector<16xi32>,
        %masked_sort3A_402 = arith.constant dense<true> : vector<16xi1>
        %masked_sort3A_403 = arith.constant -2147483648 : i32
        %masked_sort3A_404 = vector.broadcast %masked_sort3A_403 : i32 to vector<16xi32>
        %masked_sort3A_405 = arith.xori %get3A_401, %masked_sort3A_404 : vector<16xi32>
        %masked_sort3A_406, %masked_sort3A_407, %masked_sort3A_408 = tpu.sort %masked_sort3A_405, %get3A_401 masked %masked_sort3A_402 : (vector<16xi32>, vector<16xi32>, vector<16xi1>) -> (vector<16xi1>, vector<16xi32>, vector<16xi32>)
        %masked_sort3A_409 = arith.xori %masked_sort3A_407, %masked_sort3A_404 : vector<16xi32>
        %sub3A_410 = arith.constant 1 : i32
        %sub3A_411 = vector.broadcast %sub3A_410 : i32 to vector<16xi32>
        %sub3A_412 = arith.subi %iota3A, %sub3A_411 : vector<16xi32>
        %max3A_413 = arith.constant 0 : i32
        %max3A_414 = vector.broadcast %max3A_413 : i32 to vector<16xi32>
        %max3A_415 = arith.maxsi %sub3A_412, %max3A_414 : vector<16xi32>
        %broadcast_in_dim3A_416 = vector.shape_cast %max3A_415 : vector<16xi32> to vector<16x1xi32>
        %gather3A_417 = vector.shape_cast %broadcast_in_dim3A_416 : vector<16x1xi32> to vector<16xi32>
        %gather3A_418 = tpu.dynamic_gather %masked_sort3A_409[%gather3A_417] in [0] : vector<16xi32>, vector<16xi32> -> vector<16xi32>
        %add3A_419 = arith.constant 1 : i32
        %add3A_420 = vector.broadcast %add3A_419 : i32 to vector<16xi32>
        %add3A_421 = arith.addi %iota3A, %add3A_420 : vector<16xi32>
        %min3A_422 = arith.constant 15 : i32
        %min3A_423 = vector.broadcast %min3A_422 : i32 to vector<16xi32>
        %min3A_424 = arith.minsi %add3A_421, %min3A_423 : vector<16xi32>
        %broadcast_in_dim3A_425 = vector.shape_cast %min3A_424 : vector<16xi32> to vector<16x1xi32>
        %gather3A_426 = vector.shape_cast %broadcast_in_dim3A_425 : vector<16x1xi32> to vector<16xi32>
        %gather3A_427 = tpu.dynamic_gather %masked_sort3A_409[%gather3A_426] in [0] : vector<16xi32>, vector<16xi32> -> vector<16xi32>
        %eq3A_428 = arith.constant 0 : i32
        %eq3A_429 = vector.broadcast %eq3A_428 : i32 to vector<16xi32>
        %eq3A_430 = arith.cmpi eq, %iota3A, %eq3A_429 : vector<16xi32>
        %ne3A_431 = arith.cmpi ne, %masked_sort3A_409, %gather3A_418 : vector<16xi32>
        %or3A_432 = arith.ori %eq3A_430, %ne3A_431 : vector<16xi1>
        %eq3A_433 = arith.constant 15 : i32
        %eq3A_434 = vector.broadcast %eq3A_433 : i32 to vector<16xi32>
        %eq3A_435 = arith.cmpi eq, %iota3A, %eq3A_434 : vector<16xi32>
        %ne3A_436 = arith.cmpi ne, %masked_sort3A_409, %gather3A_427 : vector<16xi32>
        %or3A_437 = arith.ori %eq3A_435, %ne3A_436 : vector<16xi1>
        %jit3A_438 = arith.constant 0 : i32
        %broadcast_in_dim3A_439 = vector.broadcast %jit3A_438 : i32 to vector<16xi32>
        %select_n3A_440 = arith.select %or3A_432, %iota3A, %broadcast_in_dim3A_439 : vector<16xi1>, vector<16xi32>
        %broadcast_in_dim3A_441 = arith.constant true
        %broadcast_in_dim3A_442 = vector.broadcast %broadcast_in_dim3A_441 : i1 to vector<16xi1>
        %masked_cummax3A_443 = arith.constant -2147483648 : i32
        %masked_cummax3A_444 = vector.broadcast %masked_cummax3A_443 : i32 to vector<16xi32>
        %masked_cummax3A_445 = arith.xori %select_n3A_440, %masked_cummax3A_444 : vector<16xi32>
        %masked_cummax3A_446 = tpu.scan <max>, %masked_cummax3A_445 masked %broadcast_in_dim3A_442 : vector<16xi32>, vector<16xi1> -> vector<16xi32>
        %masked_cummax3A_447 = arith.xori %masked_cummax3A_446, %masked_cummax3A_444 : vector<16xi32>
        %sub3A_448 = arith.subi %iota3A, %masked_cummax3A_447 : vector<16xi32>
        %add3A_449 = arith.constant 1 : i32
        %add3A_450 = vector.broadcast %add3A_449 : i32 to vector<16xi32>
        %add3A_451 = arith.addi %sub3A_448, %add3A_450 : vector<16xi32>
        %convert_element_type3A_452 = arith.sitofp %add3A_451 : vector<16xi32> to vector<16xf32>
        tpu.vector_store_idx %arg5[%masked_sort3A_409], %convert_element_type3A_452 masked %or3A_437 {add = true} : memref<10240xf32, #tpu.memory_space<vmem>>[vector<16xi32>], vector<16xf32>, vector<16xi1>
      }
      %scan3A_33 = arith.constant 40 : i32
    }
    %scan3A_11 = arith.constant 2 : i32
    "tpu.region"() ({
      %run_scoped3A = tpu.sem_alloc : memref<!tpu.dma_semaphore, #tpu.memory_space<semaphore_mem>>
      %dma_start3A = arith.constant 0 : i32
      %dma_start3A_25 = tpu.memref_slice %arg8[%arg1, %dma_start3A] : memref<16x10240xf32, #tpu.memory_space<vmem_shared>> -> memref<1x10240xf32, #tpu.memory_space<vmem_shared>>
      %dma_start3A_26 = tpu.memref_squeeze %dma_start3A_25 : memref<1x10240xf32, #tpu.memory_space<vmem_shared>> -> memref<10240xf32, #tpu.memory_space<vmem_shared>>
      %dma_start3A_27 = arith.constant 0 : i32
      %dma_start3A_28 = tpu.memref_slice %arg8[%arg1, %dma_start3A_27] : memref<16x10240xf32, #tpu.memory_space<vmem_shared>> -> memref<1x10240xf32, #tpu.memory_space<vmem_shared>>
      %dma_start3A_29 = tpu.memref_squeeze %dma_start3A_28 : memref<1x10240xf32, #tpu.memory_space<vmem_shared>> -> memref<10240xf32, #tpu.memory_space<vmem_shared>>
      tpu.enqueue_dma source(%arg5 : memref<10240xf32, #tpu.memory_space<vmem>>) target(%dma_start3A_29 : memref<10240xf32, #tpu.memory_space<vmem_shared>>) target_semaphore(%run_scoped3A : memref<!tpu.dma_semaphore, #tpu.memory_space<semaphore_mem>>)
      %dma_wait3A = arith.constant 0 : i32
      %dma_wait3A_30 = tpu.memref_slice %arg8[%arg1, %dma_wait3A] : memref<16x10240xf32, #tpu.memory_space<vmem_shared>> -> memref<1x10240xf32, #tpu.memory_space<vmem_shared>>
      %dma_wait3A_31 = tpu.memref_squeeze %dma_wait3A_30 : memref<1x10240xf32, #tpu.memory_space<vmem_shared>> -> memref<10240xf32, #tpu.memory_space<vmem_shared>>
      %dma_wait3A_32 = arith.constant 0 : i32
      %dma_wait3A_33 = tpu.memref_slice %arg8[%arg1, %dma_wait3A_32] : memref<16x10240xf32, #tpu.memory_space<vmem_shared>> -> memref<1x10240xf32, #tpu.memory_space<vmem_shared>>
      %dma_wait3A_34 = tpu.memref_squeeze %dma_wait3A_33 : memref<1x10240xf32, #tpu.memory_space<vmem_shared>> -> memref<10240xf32, #tpu.memory_space<vmem_shared>>
      tpu.wait_dma2 semaphore(%run_scoped3A : memref<!tpu.dma_semaphore, #tpu.memory_space<semaphore_mem>>) src(%arg5 : memref<10240xf32, #tpu.memory_space<vmem>>) dst(%dma_wait3A_34 : memref<10240xf32, #tpu.memory_space<vmem_shared>>)
      tpu.yield
    }) : () -> ()
    %barrier3A = arith.constant 0 : index
    tpu.barrier barrier_id(%barrier3A)
    %mul3A_12 = arith.constant 640 : i32
    %mul3A_13 = arith.muli %arg1, %mul3A_12 : i32
    "tpu.region"() ({
      %run_scoped3A = tpu.sem_alloc : memref<!tpu.dma_semaphore, #tpu.memory_space<semaphore_mem>>
      %dma_start3A = arith.constant 0 : i32
      %dma_start3A_25 = tpu.memref_slice %arg8[%dma_start3A, %mul3A_13] : memref<16x10240xf32, #tpu.memory_space<vmem_shared>> -> memref<16x640xf32, #tpu.memory_space<vmem_shared>>
      %dma_start3A_26 = arith.constant 0 : i32
      %dma_start3A_27 = tpu.memref_slice %arg8[%dma_start3A_26, %mul3A_13] : memref<16x10240xf32, #tpu.memory_space<vmem_shared>> -> memref<16x640xf32, #tpu.memory_space<vmem_shared>>
      tpu.enqueue_dma source(%dma_start3A_27 : memref<16x640xf32, #tpu.memory_space<vmem_shared>>) target(%arg6 : memref<16x640xf32, #tpu.memory_space<vmem>>) target_semaphore(%run_scoped3A : memref<!tpu.dma_semaphore, #tpu.memory_space<semaphore_mem>>)
      %dma_wait3A = arith.constant 0 : i32
      %dma_wait3A_28 = tpu.memref_slice %arg8[%dma_wait3A, %mul3A_13] : memref<16x10240xf32, #tpu.memory_space<vmem_shared>> -> memref<16x640xf32, #tpu.memory_space<vmem_shared>>
      %dma_wait3A_29 = arith.constant 0 : i32
      %dma_wait3A_30 = tpu.memref_slice %arg8[%dma_wait3A_29, %mul3A_13] : memref<16x10240xf32, #tpu.memory_space<vmem_shared>> -> memref<16x640xf32, #tpu.memory_space<vmem_shared>>
      tpu.wait_dma2 semaphore(%run_scoped3A : memref<!tpu.dma_semaphore, #tpu.memory_space<semaphore_mem>>) src(%dma_wait3A_30 : memref<16x640xf32, #tpu.memory_space<vmem_shared>>) dst(%arg6 : memref<16x640xf32, #tpu.memory_space<vmem>>)
      tpu.yield
    }) : () -> ()
    %scan3A_14 = arith.constant 0 : i32
    %scan3A_15 = arith.constant 0 : i32
    %scan3A_16 = arith.constant 40 : i32
    %scan3A_17 = arith.addi %scan3A_15, %scan3A_16 : i32
    %scan3A_18 = arith.constant 1 : i32
    scf.for %scan3A_25 = %scan3A_15 to %scan3A_17 step %scan3A_18  : i32 {
      %mul3A_26 = arith.constant 16 : i32
      %mul3A_27 = arith.muli %scan3A_25, %mul3A_26 : i32
      %get3A = arith.constant 0 : i32
      %get3A_28 = arith.index_cast %get3A : i32 to index
      %get3A_29 = arith.index_cast %mul3A_27 : i32 to index
      %get3A_30 = tpu.vector_load %arg6[%get3A_28, %get3A_29] {strides = array<i32>} : memref<16x640xf32, #tpu.memory_space<vmem>>, vector<16xf32>,
      %mul3A_31 = arith.constant 16 : i32
      %mul3A_32 = arith.muli %scan3A_25, %mul3A_31 : i32
      %get3A_33 = arith.constant 1 : i32
      %get3A_34 = arith.index_cast %get3A_33 : i32 to index
      %get3A_35 = arith.index_cast %mul3A_32 : i32 to index
      %get3A_36 = tpu.vector_load %arg6[%get3A_34, %get3A_35] {strides = array<i32>} : memref<16x640xf32, #tpu.memory_space<vmem>>, vector<16xf32>,
      %add3A_37 = arith.addf %get3A_30, %get3A_36 : vector<16xf32>
      %mul3A_38 = arith.constant 16 : i32
      %mul3A_39 = arith.muli %scan3A_25, %mul3A_38 : i32
      %get3A_40 = arith.constant 2 : i32
      %get3A_41 = arith.index_cast %get3A_40 : i32 to index
      %get3A_42 = arith.index_cast %mul3A_39 : i32 to index
      %get3A_43 = tpu.vector_load %arg6[%get3A_41, %get3A_42] {strides = array<i32>} : memref<16x640xf32, #tpu.memory_space<vmem>>, vector<16xf32>,
      %add3A_44 = arith.addf %add3A_37, %get3A_43 : vector<16xf32>
      %mul3A_45 = arith.constant 16 : i32
      %mul3A_46 = arith.muli %scan3A_25, %mul3A_45 : i32
      %get3A_47 = arith.constant 3 : i32
      %get3A_48 = arith.index_cast %get3A_47 : i32 to index
      %get3A_49 = arith.index_cast %mul3A_46 : i32 to index
      %get3A_50 = tpu.vector_load %arg6[%get3A_48, %get3A_49] {strides = array<i32>} : memref<16x640xf32, #tpu.memory_space<vmem>>, vector<16xf32>,
      %add3A_51 = arith.addf %add3A_44, %get3A_50 : vector<16xf32>
      %mul3A_52 = arith.constant 16 : i32
      %mul3A_53 = arith.muli %scan3A_25, %mul3A_52 : i32
      %get3A_54 = arith.constant 4 : i32
      %get3A_55 = arith.index_cast %get3A_54 : i32 to index
      %get3A_56 = arith.index_cast %mul3A_53 : i32 to index
      %get3A_57 = tpu.vector_load %arg6[%get3A_55, %get3A_56] {strides = array<i32>} : memref<16x640xf32, #tpu.memory_space<vmem>>, vector<16xf32>,
      %add3A_58 = arith.addf %add3A_51, %get3A_57 : vector<16xf32>
      %mul3A_59 = arith.constant 16 : i32
      %mul3A_60 = arith.muli %scan3A_25, %mul3A_59 : i32
      %get3A_61 = arith.constant 5 : i32
      %get3A_62 = arith.index_cast %get3A_61 : i32 to index
      %get3A_63 = arith.index_cast %mul3A_60 : i32 to index
      %get3A_64 = tpu.vector_load %arg6[%get3A_62, %get3A_63] {strides = array<i32>} : memref<16x640xf32, #tpu.memory_space<vmem>>, vector<16xf32>,
      %add3A_65 = arith.addf %add3A_58, %get3A_64 : vector<16xf32>
      %mul3A_66 = arith.constant 16 : i32
      %mul3A_67 = arith.muli %scan3A_25, %mul3A_66 : i32
      %get3A_68 = arith.constant 6 : i32
      %get3A_69 = arith.index_cast %get3A_68 : i32 to index
      %get3A_70 = arith.index_cast %mul3A_67 : i32 to index
      %get3A_71 = tpu.vector_load %arg6[%get3A_69, %get3A_70] {strides = array<i32>} : memref<16x640xf32, #tpu.memory_space<vmem>>, vector<16xf32>,
      %add3A_72 = arith.addf %add3A_65, %get3A_71 : vector<16xf32>
      %mul3A_73 = arith.constant 16 : i32
      %mul3A_74 = arith.muli %scan3A_25, %mul3A_73 : i32
      %get3A_75 = arith.constant 7 : i32
      %get3A_76 = arith.index_cast %get3A_75 : i32 to index
      %get3A_77 = arith.index_cast %mul3A_74 : i32 to index
      %get3A_78 = tpu.vector_load %arg6[%get3A_76, %get3A_77] {strides = array<i32>} : memref<16x640xf32, #tpu.memory_space<vmem>>, vector<16xf32>,
      %add3A_79 = arith.addf %add3A_72, %get3A_78 : vector<16xf32>
      %mul3A_80 = arith.constant 16 : i32
      %mul3A_81 = arith.muli %scan3A_25, %mul3A_80 : i32
      %get3A_82 = arith.constant 8 : i32
      %get3A_83 = arith.index_cast %get3A_82 : i32 to index
      %get3A_84 = arith.index_cast %mul3A_81 : i32 to index
      %get3A_85 = tpu.vector_load %arg6[%get3A_83, %get3A_84] {strides = array<i32>} : memref<16x640xf32, #tpu.memory_space<vmem>>, vector<16xf32>,
      %add3A_86 = arith.addf %add3A_79, %get3A_85 : vector<16xf32>
      %mul3A_87 = arith.constant 16 : i32
      %mul3A_88 = arith.muli %scan3A_25, %mul3A_87 : i32
      %get3A_89 = arith.constant 9 : i32
      %get3A_90 = arith.index_cast %get3A_89 : i32 to index
      %get3A_91 = arith.index_cast %mul3A_88 : i32 to index
      %get3A_92 = tpu.vector_load %arg6[%get3A_90, %get3A_91] {strides = array<i32>} : memref<16x640xf32, #tpu.memory_space<vmem>>, vector<16xf32>,
      %add3A_93 = arith.addf %add3A_86, %get3A_92 : vector<16xf32>
      %mul3A_94 = arith.constant 16 : i32
      %mul3A_95 = arith.muli %scan3A_25, %mul3A_94 : i32
      %get3A_96 = arith.constant 10 : i32
      %get3A_97 = arith.index_cast %get3A_96 : i32 to index
      %get3A_98 = arith.index_cast %mul3A_95 : i32 to index
      %get3A_99 = tpu.vector_load %arg6[%get3A_97, %get3A_98] {strides = array<i32>} : memref<16x640xf32, #tpu.memory_space<vmem>>, vector<16xf32>,
      %add3A_100 = arith.addf %add3A_93, %get3A_99 : vector<16xf32>
      %mul3A_101 = arith.constant 16 : i32
      %mul3A_102 = arith.muli %scan3A_25, %mul3A_101 : i32
      %get3A_103 = arith.constant 11 : i32
      %get3A_104 = arith.index_cast %get3A_103 : i32 to index
      %get3A_105 = arith.index_cast %mul3A_102 : i32 to index
      %get3A_106 = tpu.vector_load %arg6[%get3A_104, %get3A_105] {strides = array<i32>} : memref<16x640xf32, #tpu.memory_space<vmem>>, vector<16xf32>,
      %add3A_107 = arith.addf %add3A_100, %get3A_106 : vector<16xf32>
      %mul3A_108 = arith.constant 16 : i32
      %mul3A_109 = arith.muli %scan3A_25, %mul3A_108 : i32
      %get3A_110 = arith.constant 12 : i32
      %get3A_111 = arith.index_cast %get3A_110 : i32 to index
      %get3A_112 = arith.index_cast %mul3A_109 : i32 to index
      %get3A_113 = tpu.vector_load %arg6[%get3A_111, %get3A_112] {strides = array<i32>} : memref<16x640xf32, #tpu.memory_space<vmem>>, vector<16xf32>,
      %add3A_114 = arith.addf %add3A_107, %get3A_113 : vector<16xf32>
      %mul3A_115 = arith.constant 16 : i32
      %mul3A_116 = arith.muli %scan3A_25, %mul3A_115 : i32
      %get3A_117 = arith.constant 13 : i32
      %get3A_118 = arith.index_cast %get3A_117 : i32 to index
      %get3A_119 = arith.index_cast %mul3A_116 : i32 to index
      %get3A_120 = tpu.vector_load %arg6[%get3A_118, %get3A_119] {strides = array<i32>} : memref<16x640xf32, #tpu.memory_space<vmem>>, vector<16xf32>,
      %add3A_121 = arith.addf %add3A_114, %get3A_120 : vector<16xf32>
      %mul3A_122 = arith.constant 16 : i32
      %mul3A_123 = arith.muli %scan3A_25, %mul3A_122 : i32
      %get3A_124 = arith.constant 14 : i32
      %get3A_125 = arith.index_cast %get3A_124 : i32 to index
      %get3A_126 = arith.index_cast %mul3A_123 : i32 to index
      %get3A_127 = tpu.vector_load %arg6[%get3A_125, %get3A_126] {strides = array<i32>} : memref<16x640xf32, #tpu.memory_space<vmem>>, vector<16xf32>,
      %add3A_128 = arith.addf %add3A_121, %get3A_127 : vector<16xf32>
      %mul3A_129 = arith.constant 16 : i32
      %mul3A_130 = arith.muli %scan3A_25, %mul3A_129 : i32
      %get3A_131 = arith.constant 15 : i32
      %get3A_132 = arith.index_cast %get3A_131 : i32 to index
      %get3A_133 = arith.index_cast %mul3A_130 : i32 to index
      %get3A_134 = tpu.vector_load %arg6[%get3A_132, %get3A_133] {strides = array<i32>} : memref<16x640xf32, #tpu.memory_space<vmem>>, vector<16xf32>,
      %add3A_135 = arith.addf %add3A_128, %get3A_134 : vector<16xf32>
      %mul3A_136 = arith.constant 16 : i32
      %mul3A_137 = arith.muli %scan3A_25, %mul3A_136 : i32
      %swap3A = arith.index_cast %mul3A_137 : i32 to index
      %swap3A_138 = tpu.vector_load %arg7[%swap3A] {strides = array<i32>} : memref<640xf32, #tpu.memory_space<vmem>>, vector<16xf32>,
      tpu.vector_store %arg7[%swap3A], %add3A_135 {strides = array<i32>} : memref<640xf32, #tpu.memory_space<vmem>>, vector<16xf32>,
    }
    %scan3A_19 = arith.constant 40 : i32
    %mul3A_20 = arith.constant 10240 : i32
    %mul3A_21 = arith.muli %arg0, %mul3A_20 : i32
    %mul3A_22 = arith.constant 640 : i32
    %mul3A_23 = arith.muli %arg1, %mul3A_22 : i32
    %add3A_24 = arith.addi %mul3A_21, %mul3A_23 : i32
    "tpu.region"() ({
      %run_scoped3A = tpu.sem_alloc : memref<!tpu.dma_semaphore, #tpu.memory_space<semaphore_mem>>
      %dma_start3A = tpu.memref_slice %arg3[%add3A_24] : memref<20480xf32, #tpu.memory_space<hbm>> -> memref<640xf32, #tpu.memory_space<hbm>>
      %dma_start3A_25 = tpu.memref_slice %arg3[%add3A_24] : memref<20480xf32, #tpu.memory_space<hbm>> -> memref<640xf32, #tpu.memory_space<hbm>>
      tpu.enqueue_dma source(%arg7 : memref<640xf32, #tpu.memory_space<vmem>>) target(%dma_start3A_25 : memref<640xf32, #tpu.memory_space<hbm>>) target_semaphore(%run_scoped3A : memref<!tpu.dma_semaphore, #tpu.memory_space<semaphore_mem>>)
      %dma_wait3A = tpu.memref_slice %arg3[%add3A_24] : memref<20480xf32, #tpu.memory_space<hbm>> -> memref<640xf32, #tpu.memory_space<hbm>>
      %dma_wait3A_26 = tpu.memref_slice %arg3[%add3A_24] : memref<20480xf32, #tpu.memory_space<hbm>> -> memref<640xf32, #tpu.memory_space<hbm>>
      tpu.wait_dma2 semaphore(%run_scoped3A : memref<!tpu.dma_semaphore, #tpu.memory_space<semaphore_mem>>) src(%arg7 : memref<640xf32, #tpu.memory_space<vmem>>) dst(%dma_wait3A_26 : memref<640xf32, #tpu.memory_space<hbm>>)
      tpu.yield
    }) : () -> ()
    return
  }
}

#map = affine_map<(d0, d1) -> (0, 0)>
#map1 = affine_map<(d0, d1) -> (0, 0, 0)>
module attributes {stable_mosaic.version = 14 : i64} {
  func.func @body(%arg0: i32, %arg1: i32, %arg2: memref<10240x128xf32, #tpu.memory_space<hbm>>, %arg3: memref<32x80x128xi32, #tpu.memory_space<hbm>>, %arg4: memref<32x80x128xi32, #tpu.memory_space<hbm>>, %arg5: memref<10240x128xf32, #tpu.memory_space<hbm>>, %arg6: memref<2x10240x128xf32, #tpu.memory_space<hbm>>, %arg7: memref<40x128xi32, #tpu.memory_space<vmem>>, %arg8: memref<40x128xi32, #tpu.memory_space<vmem>>, %arg9: memref<128x128xf32, #tpu.memory_space<vmem>>, %arg10: memref<128x128xf32, #tpu.memory_space<vmem>>, %arg11: memref<10240x128xf32, #tpu.memory_space<vmem_shared>>, %arg12: memref<!tpu.dma_semaphore, #tpu.memory_space<semaphore_mem>>, %arg13: memref<!tpu.dma_semaphore, #tpu.memory_space<semaphore_mem>>, %arg14: memref<!tpu.dma_semaphore, #tpu.memory_space<semaphore_mem>>) attributes {dimension_semantics = [#tpu.dimension_semantics<core_parallel>, #tpu.dimension_semantics<subcore_parallel>], iteration_bounds = array<i64: 2, 16>, scalar_prefetch = 0 : i64, scratch_operands = 8 : i64, tpu.core_type = #tpu.core_type<sc_vector_subcore>, window_params = [{transform_indices = #map}, {transform_indices = #map1}, {transform_indices = #map1}, {transform_indices = #map}, {transform_indices = #map1}]} {
    %mul3A = arith.constant 2 : i32
    %mul3A_0 = arith.muli %arg1, %mul3A : i32
    %add3A = arith.addi %mul3A_0, %arg0 : i32
    %mul3A_1 = arith.constant 640 : i32
    %mul3A_2 = arith.muli %arg1, %mul3A_1 : i32
    %mul3A_3 = arith.constant 640 : i32
    %mul3A_4 = arith.muli %arg1, %mul3A_3 : i32
    %dma_start3A = arith.constant 0 : i32
    %dma_start3A_5 = tpu.memref_slice %arg11[%mul3A_4, %dma_start3A] : memref<10240x128xf32, #tpu.memory_space<vmem_shared>> -> memref<640x128xf32, #tpu.memory_space<vmem_shared>>
    %dma_start3A_6 = arith.constant 0 : i32
    %dma_start3A_7 = tpu.memref_slice %arg5[%mul3A_2, %dma_start3A_6] : memref<10240x128xf32, #tpu.memory_space<hbm>> -> memref<640x128xf32, #tpu.memory_space<hbm>>
    tpu.enqueue_dma source(%dma_start3A_7 : memref<640x128xf32, #tpu.memory_space<hbm>>) target(%dma_start3A_5 : memref<640x128xf32, #tpu.memory_space<vmem_shared>>) target_semaphore(%arg14 : memref<!tpu.dma_semaphore, #tpu.memory_space<semaphore_mem>>)
    "tpu.region"() ({
      %run_scoped3A = tpu.sem_alloc : memref<!tpu.dma_semaphore, #tpu.memory_space<semaphore_mem>>
      %dma_start3A_41 = arith.constant 0 : i32
      %dma_start3A_42 = arith.constant 0 : i32
      %dma_start3A_43 = tpu.memref_slice %arg3[%add3A, %dma_start3A_41, %dma_start3A_42] : memref<32x80x128xi32, #tpu.memory_space<hbm>> -> memref<1x40x128xi32, #tpu.memory_space<hbm>>
      %dma_start3A_44 = tpu.memref_squeeze %dma_start3A_43 : memref<1x40x128xi32, #tpu.memory_space<hbm>> -> memref<40x128xi32, #tpu.memory_space<hbm>>
      %dma_start3A_45 = arith.constant 0 : i32
      %dma_start3A_46 = arith.constant 0 : i32
      %dma_start3A_47 = tpu.memref_slice %arg3[%add3A, %dma_start3A_45, %dma_start3A_46] : memref<32x80x128xi32, #tpu.memory_space<hbm>> -> memref<1x40x128xi32, #tpu.memory_space<hbm>>
      %dma_start3A_48 = tpu.memref_squeeze %dma_start3A_47 : memref<1x40x128xi32, #tpu.memory_space<hbm>> -> memref<40x128xi32, #tpu.memory_space<hbm>>
      tpu.enqueue_dma source(%dma_start3A_48 : memref<40x128xi32, #tpu.memory_space<hbm>>) target(%arg7 : memref<40x128xi32, #tpu.memory_space<vmem>>) target_semaphore(%run_scoped3A : memref<!tpu.dma_semaphore, #tpu.memory_space<semaphore_mem>>)
      %dma_wait3A_49 = arith.constant 0 : i32
      %dma_wait3A_50 = arith.constant 0 : i32
      %dma_wait3A_51 = tpu.memref_slice %arg3[%add3A, %dma_wait3A_49, %dma_wait3A_50] : memref<32x80x128xi32, #tpu.memory_space<hbm>> -> memref<1x40x128xi32, #tpu.memory_space<hbm>>
      %dma_wait3A_52 = tpu.memref_squeeze %dma_wait3A_51 : memref<1x40x128xi32, #tpu.memory_space<hbm>> -> memref<40x128xi32, #tpu.memory_space<hbm>>
      %dma_wait3A_53 = arith.constant 0 : i32
      %dma_wait3A_54 = arith.constant 0 : i32
      %dma_wait3A_55 = tpu.memref_slice %arg3[%add3A, %dma_wait3A_53, %dma_wait3A_54] : memref<32x80x128xi32, #tpu.memory_space<hbm>> -> memref<1x40x128xi32, #tpu.memory_space<hbm>>
      %dma_wait3A_56 = tpu.memref_squeeze %dma_wait3A_55 : memref<1x40x128xi32, #tpu.memory_space<hbm>> -> memref<40x128xi32, #tpu.memory_space<hbm>>
      tpu.wait_dma2 semaphore(%run_scoped3A : memref<!tpu.dma_semaphore, #tpu.memory_space<semaphore_mem>>) src(%dma_wait3A_56 : memref<40x128xi32, #tpu.memory_space<hbm>>) dst(%arg7 : memref<40x128xi32, #tpu.memory_space<vmem>>)
      tpu.yield
    }) : () -> ()
    "tpu.region"() ({
      %run_scoped3A = tpu.sem_alloc : memref<!tpu.dma_semaphore, #tpu.memory_space<semaphore_mem>>
      %dma_start3A_41 = arith.constant 0 : i32
      %dma_start3A_42 = arith.constant 0 : i32
      %dma_start3A_43 = tpu.memref_slice %arg4[%add3A, %dma_start3A_41, %dma_start3A_42] : memref<32x80x128xi32, #tpu.memory_space<hbm>> -> memref<1x40x128xi32, #tpu.memory_space<hbm>>
      %dma_start3A_44 = tpu.memref_squeeze %dma_start3A_43 : memref<1x40x128xi32, #tpu.memory_space<hbm>> -> memref<40x128xi32, #tpu.memory_space<hbm>>
      %dma_start3A_45 = arith.constant 0 : i32
      %dma_start3A_46 = arith.constant 0 : i32
      %dma_start3A_47 = tpu.memref_slice %arg4[%add3A, %dma_start3A_45, %dma_start3A_46] : memref<32x80x128xi32, #tpu.memory_space<hbm>> -> memref<1x40x128xi32, #tpu.memory_space<hbm>>
      %dma_start3A_48 = tpu.memref_squeeze %dma_start3A_47 : memref<1x40x128xi32, #tpu.memory_space<hbm>> -> memref<40x128xi32, #tpu.memory_space<hbm>>
      tpu.enqueue_dma source(%dma_start3A_48 : memref<40x128xi32, #tpu.memory_space<hbm>>) target(%arg8 : memref<40x128xi32, #tpu.memory_space<vmem>>) target_semaphore(%run_scoped3A : memref<!tpu.dma_semaphore, #tpu.memory_space<semaphore_mem>>)
      %dma_wait3A_49 = arith.constant 0 : i32
      %dma_wait3A_50 = arith.constant 0 : i32
      %dma_wait3A_51 = tpu.memref_slice %arg4[%add3A, %dma_wait3A_49, %dma_wait3A_50] : memref<32x80x128xi32, #tpu.memory_space<hbm>> -> memref<1x40x128xi32, #tpu.memory_space<hbm>>
      %dma_wait3A_52 = tpu.memref_squeeze %dma_wait3A_51 : memref<1x40x128xi32, #tpu.memory_space<hbm>> -> memref<40x128xi32, #tpu.memory_space<hbm>>
      %dma_wait3A_53 = arith.constant 0 : i32
      %dma_wait3A_54 = arith.constant 0 : i32
      %dma_wait3A_55 = tpu.memref_slice %arg4[%add3A, %dma_wait3A_53, %dma_wait3A_54] : memref<32x80x128xi32, #tpu.memory_space<hbm>> -> memref<1x40x128xi32, #tpu.memory_space<hbm>>
      %dma_wait3A_56 = tpu.memref_squeeze %dma_wait3A_55 : memref<1x40x128xi32, #tpu.memory_space<hbm>> -> memref<40x128xi32, #tpu.memory_space<hbm>>
      tpu.wait_dma2 semaphore(%run_scoped3A : memref<!tpu.dma_semaphore, #tpu.memory_space<semaphore_mem>>) src(%dma_wait3A_56 : memref<40x128xi32, #tpu.memory_space<hbm>>) dst(%arg8 : memref<40x128xi32, #tpu.memory_space<vmem>>)
      tpu.yield
    }) : () -> ()
    %dma_wait3A = arith.constant 0 : i32
    %dma_wait3A_8 = tpu.memref_slice %arg11[%mul3A_4, %dma_wait3A] : memref<10240x128xf32, #tpu.memory_space<vmem_shared>> -> memref<640x128xf32, #tpu.memory_space<vmem_shared>>
    %dma_wait3A_9 = arith.constant 0 : i32
    %dma_wait3A_10 = tpu.memref_slice %arg5[%mul3A_2, %dma_wait3A_9] : memref<10240x128xf32, #tpu.memory_space<hbm>> -> memref<640x128xf32, #tpu.memory_space<hbm>>
    tpu.wait_dma2 semaphore(%arg14 : memref<!tpu.dma_semaphore, #tpu.memory_space<semaphore_mem>>) src(%dma_wait3A_10 : memref<640x128xf32, #tpu.memory_space<hbm>>) dst(%dma_wait3A_8 : memref<640x128xf32, #tpu.memory_space<vmem_shared>>)
    %barrier3A = arith.constant 0 : index
    tpu.barrier barrier_id(%barrier3A)
    %dma_start3A_11 = arith.constant 0 : i32
    %dma_start3A_12 = arith.constant 0 : i32
    %dma_start3A_13 = tpu.memref_slice %arg7[%dma_start3A_11, %dma_start3A_12] : memref<40x128xi32, #tpu.memory_space<vmem>> -> memref<1x128xi32, #tpu.memory_space<vmem>>
    %dma_start3A_14 = tpu.memref_squeeze %dma_start3A_13 : memref<1x128xi32, #tpu.memory_space<vmem>> -> memref<128xi32, #tpu.memory_space<vmem>>
    %dma_start3A_15 = arith.constant 0 : i32
    %dma_start3A_16 = arith.constant 0 : i32
    %dma_start3A_17 = tpu.memref_slice %arg2[%dma_start3A_15, %dma_start3A_16] : memref<10240x128xf32, #tpu.memory_space<hbm>> -> memref<10240x128xf32, #tpu.memory_space<hbm>>
    tpu.enqueue_indirect_dma source(%dma_start3A_17 : memref<10240x128xf32, #tpu.memory_space<hbm>>) target(%arg9 : memref<128x128xf32, #tpu.memory_space<vmem>>) offsets(%dma_start3A_14 : memref<128xi32, #tpu.memory_space<vmem>>) semaphore(%arg12 : memref<!tpu.dma_semaphore, #tpu.memory_space<semaphore_mem>>)
    %scan3A = arith.constant 0 : i32
    %scan3A_18 = arith.constant 0 : i32
    %scan3A_19 = arith.constant 20 : i32
    %scan3A_20 = arith.addi %scan3A_18, %scan3A_19 : i32
    %scan3A_21 = arith.constant 1 : i32
    scf.for %scan3A_41 = %scan3A_18 to %scan3A_20 step %scan3A_21  : i32 {
      %mul3A_42 = arith.constant 2 : i32
      %mul3A_43 = arith.muli %mul3A_42, %scan3A_41 : i32
      %add3A_44 = arith.constant 1 : i32
      %add3A_45 = arith.addi %mul3A_43, %add3A_44 : i32
      %dma_start3A_46 = arith.constant 0 : i32
      %dma_start3A_47 = tpu.memref_slice %arg7[%add3A_45, %dma_start3A_46] : memref<40x128xi32, #tpu.memory_space<vmem>> -> memref<1x128xi32, #tpu.memory_space<vmem>>
      %dma_start3A_48 = tpu.memref_squeeze %dma_start3A_47 : memref<1x128xi32, #tpu.memory_space<vmem>> -> memref<128xi32, #tpu.memory_space<vmem>>
      %dma_start3A_49 = arith.constant 0 : i32
      %dma_start3A_50 = arith.constant 0 : i32
      %dma_start3A_51 = tpu.memref_slice %arg2[%dma_start3A_49, %dma_start3A_50] : memref<10240x128xf32, #tpu.memory_space<hbm>> -> memref<10240x128xf32, #tpu.memory_space<hbm>>
      tpu.enqueue_indirect_dma source(%dma_start3A_51 : memref<10240x128xf32, #tpu.memory_space<hbm>>) target(%arg10 : memref<128x128xf32, #tpu.memory_space<vmem>>) offsets(%dma_start3A_48 : memref<128xi32, #tpu.memory_space<vmem>>) semaphore(%arg13 : memref<!tpu.dma_semaphore, #tpu.memory_space<semaphore_mem>>)
      %dma_wait3A_52 = arith.constant 0 : i32
      %dma_wait3A_53 = tpu.memref_slice %arg7[%mul3A_43, %dma_wait3A_52] : memref<40x128xi32, #tpu.memory_space<vmem>> -> memref<1x128xi32, #tpu.memory_space<vmem>>
      %dma_wait3A_54 = tpu.memref_squeeze %dma_wait3A_53 : memref<1x128xi32, #tpu.memory_space<vmem>> -> memref<128xi32, #tpu.memory_space<vmem>>
      %dma_wait3A_55 = arith.constant 0 : i32
      %dma_wait3A_56 = arith.constant 0 : i32
      %dma_wait3A_57 = tpu.memref_slice %arg2[%dma_wait3A_55, %dma_wait3A_56] : memref<10240x128xf32, #tpu.memory_space<hbm>> -> memref<10240x128xf32, #tpu.memory_space<hbm>>
      tpu.wait_indirect_dma semaphore(%arg12 : memref<!tpu.dma_semaphore, #tpu.memory_space<semaphore_mem>>) src(%dma_wait3A_57 : memref<10240x128xf32, #tpu.memory_space<hbm>>) dst(%arg9 : memref<128x128xf32, #tpu.memory_space<vmem>>)
      "tpu.region"() ({
        %run_scoped3A = tpu.sem_alloc : memref<!tpu.dma_semaphore, #tpu.memory_space<semaphore_mem>>
        %dma_start3A_68 = arith.constant 0 : i32
        %dma_start3A_69 = tpu.memref_slice %arg8[%mul3A_43, %dma_start3A_68] : memref<40x128xi32, #tpu.memory_space<vmem>> -> memref<1x128xi32, #tpu.memory_space<vmem>>
        %dma_start3A_70 = tpu.memref_squeeze %dma_start3A_69 : memref<1x128xi32, #tpu.memory_space<vmem>> -> memref<128xi32, #tpu.memory_space<vmem>>
        %dma_start3A_71 = arith.constant 0 : i32
        %dma_start3A_72 = arith.constant 0 : i32
        %dma_start3A_73 = tpu.memref_slice %arg11[%dma_start3A_71, %dma_start3A_72] : memref<10240x128xf32, #tpu.memory_space<vmem_shared>> -> memref<10240x128xf32, #tpu.memory_space<vmem_shared>>
        tpu.enqueue_indirect_dma source(%arg9 : memref<128x128xf32, #tpu.memory_space<vmem>>) target(%dma_start3A_73 : memref<10240x128xf32, #tpu.memory_space<vmem_shared>>) offsets(%dma_start3A_70 : memref<128xi32, #tpu.memory_space<vmem>>) semaphore(%run_scoped3A : memref<!tpu.dma_semaphore, #tpu.memory_space<semaphore_mem>>) {add = true}
        %dma_wait3A_74 = arith.constant 0 : i32
        %dma_wait3A_75 = tpu.memref_slice %arg8[%mul3A_43, %dma_wait3A_74] : memref<40x128xi32, #tpu.memory_space<vmem>> -> memref<1x128xi32, #tpu.memory_space<vmem>>
        %dma_wait3A_76 = tpu.memref_squeeze %dma_wait3A_75 : memref<1x128xi32, #tpu.memory_space<vmem>> -> memref<128xi32, #tpu.memory_space<vmem>>
        %dma_wait3A_77 = arith.constant 0 : i32
        %dma_wait3A_78 = arith.constant 0 : i32
        %dma_wait3A_79 = tpu.memref_slice %arg11[%dma_wait3A_77, %dma_wait3A_78] : memref<10240x128xf32, #tpu.memory_space<vmem_shared>> -> memref<10240x128xf32, #tpu.memory_space<vmem_shared>>
        tpu.wait_indirect_dma semaphore(%run_scoped3A : memref<!tpu.dma_semaphore, #tpu.memory_space<semaphore_mem>>) src(%arg9 : memref<128x128xf32, #tpu.memory_space<vmem>>) dst(%dma_wait3A_79 : memref<10240x128xf32, #tpu.memory_space<vmem_shared>>)
        tpu.yield
      }) : () -> ()
      %add3A_58 = arith.constant 1 : i32
      %add3A_59 = arith.addi %add3A_45, %add3A_58 : i32
      %lt3A = arith.constant 40 : i32
      %lt3A_60 = arith.cmpi slt, %add3A_59, %lt3A : i32
      %convert_element_type3A = arith.extui %lt3A_60 : i1 to i32
      %cond3A = arith.constant 0 : i32
      %cond3A_61 = arith.cmpi ne, %convert_element_type3A, %cond3A : i32
      scf.if %cond3A_61 {
        %add3A_68 = arith.constant 1 : i32
        %add3A_69 = arith.addi %add3A_45, %add3A_68 : i32
        %dma_start3A_70 = arith.constant 0 : i32
        %dma_start3A_71 = tpu.memref_slice %arg7[%add3A_69, %dma_start3A_70] : memref<40x128xi32, #tpu.memory_space<vmem>> -> memref<1x128xi32, #tpu.memory_space<vmem>>
        %dma_start3A_72 = tpu.memref_squeeze %dma_start3A_71 : memref<1x128xi32, #tpu.memory_space<vmem>> -> memref<128xi32, #tpu.memory_space<vmem>>
        %dma_start3A_73 = arith.constant 0 : i32
        %dma_start3A_74 = arith.constant 0 : i32
        %dma_start3A_75 = tpu.memref_slice %arg2[%dma_start3A_73, %dma_start3A_74] : memref<10240x128xf32, #tpu.memory_space<hbm>> -> memref<10240x128xf32, #tpu.memory_space<hbm>>
        tpu.enqueue_indirect_dma source(%dma_start3A_75 : memref<10240x128xf32, #tpu.memory_space<hbm>>) target(%arg9 : memref<128x128xf32, #tpu.memory_space<vmem>>) offsets(%dma_start3A_72 : memref<128xi32, #tpu.memory_space<vmem>>) semaphore(%arg12 : memref<!tpu.dma_semaphore, #tpu.memory_space<semaphore_mem>>)
      } else {
      }
      %dma_wait3A_62 = arith.constant 0 : i32
      %dma_wait3A_63 = tpu.memref_slice %arg7[%add3A_45, %dma_wait3A_62] : memref<40x128xi32, #tpu.memory_space<vmem>> -> memref<1x128xi32, #tpu.memory_space<vmem>>
      %dma_wait3A_64 = tpu.memref_squeeze %dma_wait3A_63 : memref<1x128xi32, #tpu.memory_space<vmem>> -> memref<128xi32, #tpu.memory_space<vmem>>
      %dma_wait3A_65 = arith.constant 0 : i32
      %dma_wait3A_66 = arith.constant 0 : i32
      %dma_wait3A_67 = tpu.memref_slice %arg2[%dma_wait3A_65, %dma_wait3A_66] : memref<10240x128xf32, #tpu.memory_space<hbm>> -> memref<10240x128xf32, #tpu.memory_space<hbm>>
      tpu.wait_indirect_dma semaphore(%arg13 : memref<!tpu.dma_semaphore, #tpu.memory_space<semaphore_mem>>) src(%dma_wait3A_67 : memref<10240x128xf32, #tpu.memory_space<hbm>>) dst(%arg10 : memref<128x128xf32, #tpu.memory_space<vmem>>)
      "tpu.region"() ({
        %run_scoped3A = tpu.sem_alloc : memref<!tpu.dma_semaphore, #tpu.memory_space<semaphore_mem>>
        %dma_start3A_68 = arith.constant 0 : i32
        %dma_start3A_69 = tpu.memref_slice %arg8[%add3A_45, %dma_start3A_68] : memref<40x128xi32, #tpu.memory_space<vmem>> -> memref<1x128xi32, #tpu.memory_space<vmem>>
        %dma_start3A_70 = tpu.memref_squeeze %dma_start3A_69 : memref<1x128xi32, #tpu.memory_space<vmem>> -> memref<128xi32, #tpu.memory_space<vmem>>
        %dma_start3A_71 = arith.constant 0 : i32
        %dma_start3A_72 = arith.constant 0 : i32
        %dma_start3A_73 = tpu.memref_slice %arg11[%dma_start3A_71, %dma_start3A_72] : memref<10240x128xf32, #tpu.memory_space<vmem_shared>> -> memref<10240x128xf32, #tpu.memory_space<vmem_shared>>
        tpu.enqueue_indirect_dma source(%arg10 : memref<128x128xf32, #tpu.memory_space<vmem>>) target(%dma_start3A_73 : memref<10240x128xf32, #tpu.memory_space<vmem_shared>>) offsets(%dma_start3A_70 : memref<128xi32, #tpu.memory_space<vmem>>) semaphore(%run_scoped3A : memref<!tpu.dma_semaphore, #tpu.memory_space<semaphore_mem>>) {add = true}
        %dma_wait3A_74 = arith.constant 0 : i32
        %dma_wait3A_75 = tpu.memref_slice %arg8[%add3A_45, %dma_wait3A_74] : memref<40x128xi32, #tpu.memory_space<vmem>> -> memref<1x128xi32, #tpu.memory_space<vmem>>
        %dma_wait3A_76 = tpu.memref_squeeze %dma_wait3A_75 : memref<1x128xi32, #tpu.memory_space<vmem>> -> memref<128xi32, #tpu.memory_space<vmem>>
        %dma_wait3A_77 = arith.constant 0 : i32
        %dma_wait3A_78 = arith.constant 0 : i32
        %dma_wait3A_79 = tpu.memref_slice %arg11[%dma_wait3A_77, %dma_wait3A_78] : memref<10240x128xf32, #tpu.memory_space<vmem_shared>> -> memref<10240x128xf32, #tpu.memory_space<vmem_shared>>
        tpu.wait_indirect_dma semaphore(%run_scoped3A : memref<!tpu.dma_semaphore, #tpu.memory_space<semaphore_mem>>) src(%arg10 : memref<128x128xf32, #tpu.memory_space<vmem>>) dst(%dma_wait3A_79 : memref<10240x128xf32, #tpu.memory_space<vmem_shared>>)
        tpu.yield
      }) : () -> ()
    }
    %scan3A_22 = arith.constant 20 : i32
    "tpu.region"() ({
      %run_scoped3A = tpu.sem_alloc : memref<!tpu.dma_semaphore, #tpu.memory_space<semaphore_mem>>
      %dma_start3A_41 = arith.constant 40 : i32
      %dma_start3A_42 = arith.constant 0 : i32
      %dma_start3A_43 = tpu.memref_slice %arg3[%add3A, %dma_start3A_41, %dma_start3A_42] : memref<32x80x128xi32, #tpu.memory_space<hbm>> -> memref<1x40x128xi32, #tpu.memory_space<hbm>>
      %dma_start3A_44 = tpu.memref_squeeze %dma_start3A_43 : memref<1x40x128xi32, #tpu.memory_space<hbm>> -> memref<40x128xi32, #tpu.memory_space<hbm>>
      %dma_start3A_45 = arith.constant 40 : i32
      %dma_start3A_46 = arith.constant 0 : i32
      %dma_start3A_47 = tpu.memref_slice %arg3[%add3A, %dma_start3A_45, %dma_start3A_46] : memref<32x80x128xi32, #tpu.memory_space<hbm>> -> memref<1x40x128xi32, #tpu.memory_space<hbm>>
      %dma_start3A_48 = tpu.memref_squeeze %dma_start3A_47 : memref<1x40x128xi32, #tpu.memory_space<hbm>> -> memref<40x128xi32, #tpu.memory_space<hbm>>
      tpu.enqueue_dma source(%dma_start3A_48 : memref<40x128xi32, #tpu.memory_space<hbm>>) target(%arg7 : memref<40x128xi32, #tpu.memory_space<vmem>>) target_semaphore(%run_scoped3A : memref<!tpu.dma_semaphore, #tpu.memory_space<semaphore_mem>>)
      %dma_wait3A_49 = arith.constant 40 : i32
      %dma_wait3A_50 = arith.constant 0 : i32
      %dma_wait3A_51 = tpu.memref_slice %arg3[%add3A, %dma_wait3A_49, %dma_wait3A_50] : memref<32x80x128xi32, #tpu.memory_space<hbm>> -> memref<1x40x128xi32, #tpu.memory_space<hbm>>
      %dma_wait3A_52 = tpu.memref_squeeze %dma_wait3A_51 : memref<1x40x128xi32, #tpu.memory_space<hbm>> -> memref<40x128xi32, #tpu.memory_space<hbm>>
      %dma_wait3A_53 = arith.constant 40 : i32
      %dma_wait3A_54 = arith.constant 0 : i32
      %dma_wait3A_55 = tpu.memref_slice %arg3[%add3A, %dma_wait3A_53, %dma_wait3A_54] : memref<32x80x128xi32, #tpu.memory_space<hbm>> -> memref<1x40x128xi32, #tpu.memory_space<hbm>>
      %dma_wait3A_56 = tpu.memref_squeeze %dma_wait3A_55 : memref<1x40x128xi32, #tpu.memory_space<hbm>> -> memref<40x128xi32, #tpu.memory_space<hbm>>
      tpu.wait_dma2 semaphore(%run_scoped3A : memref<!tpu.dma_semaphore, #tpu.memory_space<semaphore_mem>>) src(%dma_wait3A_56 : memref<40x128xi32, #tpu.memory_space<hbm>>) dst(%arg7 : memref<40x128xi32, #tpu.memory_space<vmem>>)
      tpu.yield
    }) : () -> ()
    "tpu.region"() ({
      %run_scoped3A = tpu.sem_alloc : memref<!tpu.dma_semaphore, #tpu.memory_space<semaphore_mem>>
      %dma_start3A_41 = arith.constant 40 : i32
      %dma_start3A_42 = arith.constant 0 : i32
      %dma_start3A_43 = tpu.memref_slice %arg4[%add3A, %dma_start3A_41, %dma_start3A_42] : memref<32x80x128xi32, #tpu.memory_space<hbm>> -> memref<1x40x128xi32, #tpu.memory_space<hbm>>
      %dma_start3A_44 = tpu.memref_squeeze %dma_start3A_43 : memref<1x40x128xi32, #tpu.memory_space<hbm>> -> memref<40x128xi32, #tpu.memory_space<hbm>>
      %dma_start3A_45 = arith.constant 40 : i32
      %dma_start3A_46 = arith.constant 0 : i32
      %dma_start3A_47 = tpu.memref_slice %arg4[%add3A, %dma_start3A_45, %dma_start3A_46] : memref<32x80x128xi32, #tpu.memory_space<hbm>> -> memref<1x40x128xi32, #tpu.memory_space<hbm>>
      %dma_start3A_48 = tpu.memref_squeeze %dma_start3A_47 : memref<1x40x128xi32, #tpu.memory_space<hbm>> -> memref<40x128xi32, #tpu.memory_space<hbm>>
      tpu.enqueue_dma source(%dma_start3A_48 : memref<40x128xi32, #tpu.memory_space<hbm>>) target(%arg8 : memref<40x128xi32, #tpu.memory_space<vmem>>) target_semaphore(%run_scoped3A : memref<!tpu.dma_semaphore, #tpu.memory_space<semaphore_mem>>)
      %dma_wait3A_49 = arith.constant 40 : i32
      %dma_wait3A_50 = arith.constant 0 : i32
      %dma_wait3A_51 = tpu.memref_slice %arg4[%add3A, %dma_wait3A_49, %dma_wait3A_50] : memref<32x80x128xi32, #tpu.memory_space<hbm>> -> memref<1x40x128xi32, #tpu.memory_space<hbm>>
      %dma_wait3A_52 = tpu.memref_squeeze %dma_wait3A_51 : memref<1x40x128xi32, #tpu.memory_space<hbm>> -> memref<40x128xi32, #tpu.memory_space<hbm>>
      %dma_wait3A_53 = arith.constant 40 : i32
      %dma_wait3A_54 = arith.constant 0 : i32
      %dma_wait3A_55 = tpu.memref_slice %arg4[%add3A, %dma_wait3A_53, %dma_wait3A_54] : memref<32x80x128xi32, #tpu.memory_space<hbm>> -> memref<1x40x128xi32, #tpu.memory_space<hbm>>
      %dma_wait3A_56 = tpu.memref_squeeze %dma_wait3A_55 : memref<1x40x128xi32, #tpu.memory_space<hbm>> -> memref<40x128xi32, #tpu.memory_space<hbm>>
      tpu.wait_dma2 semaphore(%run_scoped3A : memref<!tpu.dma_semaphore, #tpu.memory_space<semaphore_mem>>) src(%dma_wait3A_56 : memref<40x128xi32, #tpu.memory_space<hbm>>) dst(%arg8 : memref<40x128xi32, #tpu.memory_space<vmem>>)
      tpu.yield
    }) : () -> ()
    %dma_start3A_23 = arith.constant 0 : i32
    %dma_start3A_24 = arith.constant 0 : i32
    %dma_start3A_25 = tpu.memref_slice %arg7[%dma_start3A_23, %dma_start3A_24] : memref<40x128xi32, #tpu.memory_space<vmem>> -> memref<1x128xi32, #tpu.memory_space<vmem>>
    %dma_start3A_26 = tpu.memref_squeeze %dma_start3A_25 : memref<1x128xi32, #tpu.memory_space<vmem>> -> memref<128xi32, #tpu.memory_space<vmem>>
    %dma_start3A_27 = arith.constant 0 : i32
    %dma_start3A_28 = arith.constant 0 : i32
    %dma_start3A_29 = tpu.memref_slice %arg2[%dma_start3A_27, %dma_start3A_28] : memref<10240x128xf32, #tpu.memory_space<hbm>> -> memref<10240x128xf32, #tpu.memory_space<hbm>>
    tpu.enqueue_indirect_dma source(%dma_start3A_29 : memref<10240x128xf32, #tpu.memory_space<hbm>>) target(%arg9 : memref<128x128xf32, #tpu.memory_space<vmem>>) offsets(%dma_start3A_26 : memref<128xi32, #tpu.memory_space<vmem>>) semaphore(%arg12 : memref<!tpu.dma_semaphore, #tpu.memory_space<semaphore_mem>>)
    %scan3A_30 = arith.constant 0 : i32
    %scan3A_31 = arith.constant 0 : i32
    %scan3A_32 = arith.constant 20 : i32
    %scan3A_33 = arith.addi %scan3A_31, %scan3A_32 : i32
    %scan3A_34 = arith.constant 1 : i32
    scf.for %scan3A_41 = %scan3A_31 to %scan3A_33 step %scan3A_34  : i32 {
      %mul3A_42 = arith.constant 2 : i32
      %mul3A_43 = arith.muli %mul3A_42, %scan3A_41 : i32
      %add3A_44 = arith.constant 1 : i32
      %add3A_45 = arith.addi %mul3A_43, %add3A_44 : i32
      %dma_start3A_46 = arith.constant 0 : i32
      %dma_start3A_47 = tpu.memref_slice %arg7[%add3A_45, %dma_start3A_46] : memref<40x128xi32, #tpu.memory_space<vmem>> -> memref<1x128xi32, #tpu.memory_space<vmem>>
      %dma_start3A_48 = tpu.memref_squeeze %dma_start3A_47 : memref<1x128xi32, #tpu.memory_space<vmem>> -> memref<128xi32, #tpu.memory_space<vmem>>
      %dma_start3A_49 = arith.constant 0 : i32
      %dma_start3A_50 = arith.constant 0 : i32
      %dma_start3A_51 = tpu.memref_slice %arg2[%dma_start3A_49, %dma_start3A_50] : memref<10240x128xf32, #tpu.memory_space<hbm>> -> memref<10240x128xf32, #tpu.memory_space<hbm>>
      tpu.enqueue_indirect_dma source(%dma_start3A_51 : memref<10240x128xf32, #tpu.memory_space<hbm>>) target(%arg10 : memref<128x128xf32, #tpu.memory_space<vmem>>) offsets(%dma_start3A_48 : memref<128xi32, #tpu.memory_space<vmem>>) semaphore(%arg13 : memref<!tpu.dma_semaphore, #tpu.memory_space<semaphore_mem>>)
      %dma_wait3A_52 = arith.constant 0 : i32
      %dma_wait3A_53 = tpu.memref_slice %arg7[%mul3A_43, %dma_wait3A_52] : memref<40x128xi32, #tpu.memory_space<vmem>> -> memref<1x128xi32, #tpu.memory_space<vmem>>
      %dma_wait3A_54 = tpu.memref_squeeze %dma_wait3A_53 : memref<1x128xi32, #tpu.memory_space<vmem>> -> memref<128xi32, #tpu.memory_space<vmem>>
      %dma_wait3A_55 = arith.constant 0 : i32
      %dma_wait3A_56 = arith.constant 0 : i32
      %dma_wait3A_57 = tpu.memref_slice %arg2[%dma_wait3A_55, %dma_wait3A_56] : memref<10240x128xf32, #tpu.memory_space<hbm>> -> memref<10240x128xf32, #tpu.memory_space<hbm>>
      tpu.wait_indirect_dma semaphore(%arg12 : memref<!tpu.dma_semaphore, #tpu.memory_space<semaphore_mem>>) src(%dma_wait3A_57 : memref<10240x128xf32, #tpu.memory_space<hbm>>) dst(%arg9 : memref<128x128xf32, #tpu.memory_space<vmem>>)
      "tpu.region"() ({
        %run_scoped3A = tpu.sem_alloc : memref<!tpu.dma_semaphore, #tpu.memory_space<semaphore_mem>>
        %dma_start3A_68 = arith.constant 0 : i32
        %dma_start3A_69 = tpu.memref_slice %arg8[%mul3A_43, %dma_start3A_68] : memref<40x128xi32, #tpu.memory_space<vmem>> -> memref<1x128xi32, #tpu.memory_space<vmem>>
        %dma_start3A_70 = tpu.memref_squeeze %dma_start3A_69 : memref<1x128xi32, #tpu.memory_space<vmem>> -> memref<128xi32, #tpu.memory_space<vmem>>
        %dma_start3A_71 = arith.constant 0 : i32
        %dma_start3A_72 = arith.constant 0 : i32
        %dma_start3A_73 = tpu.memref_slice %arg11[%dma_start3A_71, %dma_start3A_72] : memref<10240x128xf32, #tpu.memory_space<vmem_shared>> -> memref<10240x128xf32, #tpu.memory_space<vmem_shared>>
        tpu.enqueue_indirect_dma source(%arg9 : memref<128x128xf32, #tpu.memory_space<vmem>>) target(%dma_start3A_73 : memref<10240x128xf32, #tpu.memory_space<vmem_shared>>) offsets(%dma_start3A_70 : memref<128xi32, #tpu.memory_space<vmem>>) semaphore(%run_scoped3A : memref<!tpu.dma_semaphore, #tpu.memory_space<semaphore_mem>>) {add = true}
        %dma_wait3A_74 = arith.constant 0 : i32
        %dma_wait3A_75 = tpu.memref_slice %arg8[%mul3A_43, %dma_wait3A_74] : memref<40x128xi32, #tpu.memory_space<vmem>> -> memref<1x128xi32, #tpu.memory_space<vmem>>
        %dma_wait3A_76 = tpu.memref_squeeze %dma_wait3A_75 : memref<1x128xi32, #tpu.memory_space<vmem>> -> memref<128xi32, #tpu.memory_space<vmem>>
        %dma_wait3A_77 = arith.constant 0 : i32
        %dma_wait3A_78 = arith.constant 0 : i32
        %dma_wait3A_79 = tpu.memref_slice %arg11[%dma_wait3A_77, %dma_wait3A_78] : memref<10240x128xf32, #tpu.memory_space<vmem_shared>> -> memref<10240x128xf32, #tpu.memory_space<vmem_shared>>
        tpu.wait_indirect_dma semaphore(%run_scoped3A : memref<!tpu.dma_semaphore, #tpu.memory_space<semaphore_mem>>) src(%arg9 : memref<128x128xf32, #tpu.memory_space<vmem>>) dst(%dma_wait3A_79 : memref<10240x128xf32, #tpu.memory_space<vmem_shared>>)
        tpu.yield
      }) : () -> ()
      %add3A_58 = arith.constant 1 : i32
      %add3A_59 = arith.addi %add3A_45, %add3A_58 : i32
      %lt3A = arith.constant 40 : i32
      %lt3A_60 = arith.cmpi slt, %add3A_59, %lt3A : i32
      %convert_element_type3A = arith.extui %lt3A_60 : i1 to i32
      %cond3A = arith.constant 0 : i32
      %cond3A_61 = arith.cmpi ne, %convert_element_type3A, %cond3A : i32
      scf.if %cond3A_61 {
        %add3A_68 = arith.constant 1 : i32
        %add3A_69 = arith.addi %add3A_45, %add3A_68 : i32
        %dma_start3A_70 = arith.constant 0 : i32
        %dma_start3A_71 = tpu.memref_slice %arg7[%add3A_69, %dma_start3A_70] : memref<40x128xi32, #tpu.memory_space<vmem>> -> memref<1x128xi32, #tpu.memory_space<vmem>>
        %dma_start3A_72 = tpu.memref_squeeze %dma_start3A_71 : memref<1x128xi32, #tpu.memory_space<vmem>> -> memref<128xi32, #tpu.memory_space<vmem>>
        %dma_start3A_73 = arith.constant 0 : i32
        %dma_start3A_74 = arith.constant 0 : i32
        %dma_start3A_75 = tpu.memref_slice %arg2[%dma_start3A_73, %dma_start3A_74] : memref<10240x128xf32, #tpu.memory_space<hbm>> -> memref<10240x128xf32, #tpu.memory_space<hbm>>
        tpu.enqueue_indirect_dma source(%dma_start3A_75 : memref<10240x128xf32, #tpu.memory_space<hbm>>) target(%arg9 : memref<128x128xf32, #tpu.memory_space<vmem>>) offsets(%dma_start3A_72 : memref<128xi32, #tpu.memory_space<vmem>>) semaphore(%arg12 : memref<!tpu.dma_semaphore, #tpu.memory_space<semaphore_mem>>)
      } else {
      }
      %dma_wait3A_62 = arith.constant 0 : i32
      %dma_wait3A_63 = tpu.memref_slice %arg7[%add3A_45, %dma_wait3A_62] : memref<40x128xi32, #tpu.memory_space<vmem>> -> memref<1x128xi32, #tpu.memory_space<vmem>>
      %dma_wait3A_64 = tpu.memref_squeeze %dma_wait3A_63 : memref<1x128xi32, #tpu.memory_space<vmem>> -> memref<128xi32, #tpu.memory_space<vmem>>
      %dma_wait3A_65 = arith.constant 0 : i32
      %dma_wait3A_66 = arith.constant 0 : i32
      %dma_wait3A_67 = tpu.memref_slice %arg2[%dma_wait3A_65, %dma_wait3A_66] : memref<10240x128xf32, #tpu.memory_space<hbm>> -> memref<10240x128xf32, #tpu.memory_space<hbm>>
      tpu.wait_indirect_dma semaphore(%arg13 : memref<!tpu.dma_semaphore, #tpu.memory_space<semaphore_mem>>) src(%dma_wait3A_67 : memref<10240x128xf32, #tpu.memory_space<hbm>>) dst(%arg10 : memref<128x128xf32, #tpu.memory_space<vmem>>)
      "tpu.region"() ({
        %run_scoped3A = tpu.sem_alloc : memref<!tpu.dma_semaphore, #tpu.memory_space<semaphore_mem>>
        %dma_start3A_68 = arith.constant 0 : i32
        %dma_start3A_69 = tpu.memref_slice %arg8[%add3A_45, %dma_start3A_68] : memref<40x128xi32, #tpu.memory_space<vmem>> -> memref<1x128xi32, #tpu.memory_space<vmem>>
        %dma_start3A_70 = tpu.memref_squeeze %dma_start3A_69 : memref<1x128xi32, #tpu.memory_space<vmem>> -> memref<128xi32, #tpu.memory_space<vmem>>
        %dma_start3A_71 = arith.constant 0 : i32
        %dma_start3A_72 = arith.constant 0 : i32
        %dma_start3A_73 = tpu.memref_slice %arg11[%dma_start3A_71, %dma_start3A_72] : memref<10240x128xf32, #tpu.memory_space<vmem_shared>> -> memref<10240x128xf32, #tpu.memory_space<vmem_shared>>
        tpu.enqueue_indirect_dma source(%arg10 : memref<128x128xf32, #tpu.memory_space<vmem>>) target(%dma_start3A_73 : memref<10240x128xf32, #tpu.memory_space<vmem_shared>>) offsets(%dma_start3A_70 : memref<128xi32, #tpu.memory_space<vmem>>) semaphore(%run_scoped3A : memref<!tpu.dma_semaphore, #tpu.memory_space<semaphore_mem>>) {add = true}
        %dma_wait3A_74 = arith.constant 0 : i32
        %dma_wait3A_75 = tpu.memref_slice %arg8[%add3A_45, %dma_wait3A_74] : memref<40x128xi32, #tpu.memory_space<vmem>> -> memref<1x128xi32, #tpu.memory_space<vmem>>
        %dma_wait3A_76 = tpu.memref_squeeze %dma_wait3A_75 : memref<1x128xi32, #tpu.memory_space<vmem>> -> memref<128xi32, #tpu.memory_space<vmem>>
        %dma_wait3A_77 = arith.constant 0 : i32
        %dma_wait3A_78 = arith.constant 0 : i32
        %dma_wait3A_79 = tpu.memref_slice %arg11[%dma_wait3A_77, %dma_wait3A_78] : memref<10240x128xf32, #tpu.memory_space<vmem_shared>> -> memref<10240x128xf32, #tpu.memory_space<vmem_shared>>
        tpu.wait_indirect_dma semaphore(%run_scoped3A : memref<!tpu.dma_semaphore, #tpu.memory_space<semaphore_mem>>) src(%arg10 : memref<128x128xf32, #tpu.memory_space<vmem>>) dst(%dma_wait3A_79 : memref<10240x128xf32, #tpu.memory_space<vmem_shared>>)
        tpu.yield
      }) : () -> ()
    }
    %scan3A_35 = arith.constant 20 : i32
    %barrier3A_36 = arith.constant 0 : index
    tpu.barrier barrier_id(%barrier3A_36)
    %mul3A_37 = arith.constant 640 : i32
    %mul3A_38 = arith.muli %arg1, %mul3A_37 : i32
    %mul3A_39 = arith.constant 640 : i32
    %mul3A_40 = arith.muli %arg1, %mul3A_39 : i32
    "tpu.region"() ({
      %run_scoped3A = tpu.sem_alloc : memref<!tpu.dma_semaphore, #tpu.memory_space<semaphore_mem>>
      %dma_start3A_41 = arith.constant 0 : i32
      %dma_start3A_42 = tpu.memref_slice %arg6[%arg0, %mul3A_40, %dma_start3A_41] : memref<2x10240x128xf32, #tpu.memory_space<hbm>> -> memref<1x640x128xf32, #tpu.memory_space<hbm>>
      %dma_start3A_43 = tpu.memref_squeeze %dma_start3A_42 : memref<1x640x128xf32, #tpu.memory_space<hbm>> -> memref<640x128xf32, #tpu.memory_space<hbm>>
      %dma_start3A_44 = arith.constant 0 : i32
      %dma_start3A_45 = tpu.memref_slice %arg11[%mul3A_38, %dma_start3A_44] : memref<10240x128xf32, #tpu.memory_space<vmem_shared>> -> memref<640x128xf32, #tpu.memory_space<vmem_shared>>
      tpu.enqueue_dma source(%dma_start3A_45 : memref<640x128xf32, #tpu.memory_space<vmem_shared>>) target(%dma_start3A_43 : memref<640x128xf32, #tpu.memory_space<hbm>>) target_semaphore(%run_scoped3A : memref<!tpu.dma_semaphore, #tpu.memory_space<semaphore_mem>>)
      %dma_wait3A_46 = arith.constant 0 : i32
      %dma_wait3A_47 = tpu.memref_slice %arg6[%arg0, %mul3A_40, %dma_wait3A_46] : memref<2x10240x128xf32, #tpu.memory_space<hbm>> -> memref<1x640x128xf32, #tpu.memory_space<hbm>>
      %dma_wait3A_48 = tpu.memref_squeeze %dma_wait3A_47 : memref<1x640x128xf32, #tpu.memory_space<hbm>> -> memref<640x128xf32, #tpu.memory_space<hbm>>
      %dma_wait3A_49 = arith.constant 0 : i32
      %dma_wait3A_50 = tpu.memref_slice %arg11[%mul3A_38, %dma_wait3A_49] : memref<10240x128xf32, #tpu.memory_space<vmem_shared>> -> memref<640x128xf32, #tpu.memory_space<vmem_shared>>
      tpu.wait_dma2 semaphore(%run_scoped3A : memref<!tpu.dma_semaphore, #tpu.memory_space<semaphore_mem>>) src(%dma_wait3A_50 : memref<640x128xf32, #tpu.memory_space<vmem_shared>>) dst(%dma_wait3A_48 : memref<640x128xf32, #tpu.memory_space<hbm>>)
      tpu.yield
    }) : () -> ()
    return
  }
}

#map = affine_map<(d0, d1) -> (0, 0)>
#map1 = affine_map<(d0, d1) -> (0, 0, 0)>
module attributes {stable_mosaic.version = 14 : i64} {
  func.func @body(%arg0: i32, %arg1: i32, %arg2: memref<10240x128xf32, #tpu.memory_space<hbm>>, %arg3: memref<32x80x128xi32, #tpu.memory_space<hbm>>, %arg4: memref<32x80x128xi32, #tpu.memory_space<hbm>>, %arg5: memref<10240x128xf32, #tpu.memory_space<hbm>>, %arg6: memref<2x10240x128xf32, #tpu.memory_space<hbm>>, %arg7: memref<40x128xi32, #tpu.memory_space<vmem>>, %arg8: memref<40x128xi32, #tpu.memory_space<vmem>>, %arg9: memref<128x128xf32, #tpu.memory_space<vmem>>, %arg10: memref<128x128xf32, #tpu.memory_space<vmem>>, %arg11: memref<10240x128xf32, #tpu.memory_space<vmem_shared>>, %arg12: memref<!tpu.dma_semaphore, #tpu.memory_space<semaphore_mem>>, %arg13: memref<!tpu.dma_semaphore, #tpu.memory_space<semaphore_mem>>, %arg14: memref<!tpu.dma_semaphore, #tpu.memory_space<semaphore_mem>>) attributes {dimension_semantics = [#tpu.dimension_semantics<core_parallel>, #tpu.dimension_semantics<subcore_parallel>], iteration_bounds = array<i64: 2, 16>, scalar_prefetch = 0 : i64, scratch_operands = 8 : i64, tpu.core_type = #tpu.core_type<sc_vector_subcore>, window_params = [{transform_indices = #map}, {transform_indices = #map1}, {transform_indices = #map1}, {transform_indices = #map}, {transform_indices = #map1}]} {
    %mul3A = arith.constant 2 : i32
    %mul3A_0 = arith.muli %arg1, %mul3A : i32
    %add3A = arith.addi %mul3A_0, %arg0 : i32
    %mul3A_1 = arith.constant 640 : i32
    %mul3A_2 = arith.muli %arg1, %mul3A_1 : i32
    %mul3A_3 = arith.constant 640 : i32
    %mul3A_4 = arith.muli %arg1, %mul3A_3 : i32
    %dma_start3A = arith.constant 0 : i32
    %dma_start3A_5 = tpu.memref_slice %arg11[%mul3A_4, %dma_start3A] : memref<10240x128xf32, #tpu.memory_space<vmem_shared>> -> memref<640x128xf32, #tpu.memory_space<vmem_shared>>
    %dma_start3A_6 = arith.constant 0 : i32
    %dma_start3A_7 = tpu.memref_slice %arg5[%mul3A_2, %dma_start3A_6] : memref<10240x128xf32, #tpu.memory_space<hbm>> -> memref<640x128xf32, #tpu.memory_space<hbm>>
    tpu.enqueue_dma source(%dma_start3A_7 : memref<640x128xf32, #tpu.memory_space<hbm>>) target(%dma_start3A_5 : memref<640x128xf32, #tpu.memory_space<vmem_shared>>) target_semaphore(%arg14 : memref<!tpu.dma_semaphore, #tpu.memory_space<semaphore_mem>>)
    "tpu.region"() ({
      %run_scoped3A = tpu.sem_alloc : memref<!tpu.dma_semaphore, #tpu.memory_space<semaphore_mem>>
      %dma_start3A_41 = arith.constant 0 : i32
      %dma_start3A_42 = arith.constant 0 : i32
      %dma_start3A_43 = tpu.memref_slice %arg3[%add3A, %dma_start3A_41, %dma_start3A_42] : memref<32x80x128xi32, #tpu.memory_space<hbm>> -> memref<1x40x128xi32, #tpu.memory_space<hbm>>
      %dma_start3A_44 = tpu.memref_squeeze %dma_start3A_43 : memref<1x40x128xi32, #tpu.memory_space<hbm>> -> memref<40x128xi32, #tpu.memory_space<hbm>>
      %dma_start3A_45 = arith.constant 0 : i32
      %dma_start3A_46 = arith.constant 0 : i32
      %dma_start3A_47 = tpu.memref_slice %arg3[%add3A, %dma_start3A_45, %dma_start3A_46] : memref<32x80x128xi32, #tpu.memory_space<hbm>> -> memref<1x40x128xi32, #tpu.memory_space<hbm>>
      %dma_start3A_48 = tpu.memref_squeeze %dma_start3A_47 : memref<1x40x128xi32, #tpu.memory_space<hbm>> -> memref<40x128xi32, #tpu.memory_space<hbm>>
      tpu.enqueue_dma source(%dma_start3A_48 : memref<40x128xi32, #tpu.memory_space<hbm>>) target(%arg7 : memref<40x128xi32, #tpu.memory_space<vmem>>) target_semaphore(%run_scoped3A : memref<!tpu.dma_semaphore, #tpu.memory_space<semaphore_mem>>)
      %dma_wait3A_49 = arith.constant 0 : i32
      %dma_wait3A_50 = arith.constant 0 : i32
      %dma_wait3A_51 = tpu.memref_slice %arg3[%add3A, %dma_wait3A_49, %dma_wait3A_50] : memref<32x80x128xi32, #tpu.memory_space<hbm>> -> memref<1x40x128xi32, #tpu.memory_space<hbm>>
      %dma_wait3A_52 = tpu.memref_squeeze %dma_wait3A_51 : memref<1x40x128xi32, #tpu.memory_space<hbm>> -> memref<40x128xi32, #tpu.memory_space<hbm>>
      %dma_wait3A_53 = arith.constant 0 : i32
      %dma_wait3A_54 = arith.constant 0 : i32
      %dma_wait3A_55 = tpu.memref_slice %arg3[%add3A, %dma_wait3A_53, %dma_wait3A_54] : memref<32x80x128xi32, #tpu.memory_space<hbm>> -> memref<1x40x128xi32, #tpu.memory_space<hbm>>
      %dma_wait3A_56 = tpu.memref_squeeze %dma_wait3A_55 : memref<1x40x128xi32, #tpu.memory_space<hbm>> -> memref<40x128xi32, #tpu.memory_space<hbm>>
      tpu.wait_dma2 semaphore(%run_scoped3A : memref<!tpu.dma_semaphore, #tpu.memory_space<semaphore_mem>>) src(%dma_wait3A_56 : memref<40x128xi32, #tpu.memory_space<hbm>>) dst(%arg7 : memref<40x128xi32, #tpu.memory_space<vmem>>)
      tpu.yield
    }) : () -> ()
    "tpu.region"() ({
      %run_scoped3A = tpu.sem_alloc : memref<!tpu.dma_semaphore, #tpu.memory_space<semaphore_mem>>
      %dma_start3A_41 = arith.constant 0 : i32
      %dma_start3A_42 = arith.constant 0 : i32
      %dma_start3A_43 = tpu.memref_slice %arg4[%add3A, %dma_start3A_41, %dma_start3A_42] : memref<32x80x128xi32, #tpu.memory_space<hbm>> -> memref<1x40x128xi32, #tpu.memory_space<hbm>>
      %dma_start3A_44 = tpu.memref_squeeze %dma_start3A_43 : memref<1x40x128xi32, #tpu.memory_space<hbm>> -> memref<40x128xi32, #tpu.memory_space<hbm>>
      %dma_start3A_45 = arith.constant 0 : i32
      %dma_start3A_46 = arith.constant 0 : i32
      %dma_start3A_47 = tpu.memref_slice %arg4[%add3A, %dma_start3A_45, %dma_start3A_46] : memref<32x80x128xi32, #tpu.memory_space<hbm>> -> memref<1x40x128xi32, #tpu.memory_space<hbm>>
      %dma_start3A_48 = tpu.memref_squeeze %dma_start3A_47 : memref<1x40x128xi32, #tpu.memory_space<hbm>> -> memref<40x128xi32, #tpu.memory_space<hbm>>
      tpu.enqueue_dma source(%dma_start3A_48 : memref<40x128xi32, #tpu.memory_space<hbm>>) target(%arg8 : memref<40x128xi32, #tpu.memory_space<vmem>>) target_semaphore(%run_scoped3A : memref<!tpu.dma_semaphore, #tpu.memory_space<semaphore_mem>>)
      %dma_wait3A_49 = arith.constant 0 : i32
      %dma_wait3A_50 = arith.constant 0 : i32
      %dma_wait3A_51 = tpu.memref_slice %arg4[%add3A, %dma_wait3A_49, %dma_wait3A_50] : memref<32x80x128xi32, #tpu.memory_space<hbm>> -> memref<1x40x128xi32, #tpu.memory_space<hbm>>
      %dma_wait3A_52 = tpu.memref_squeeze %dma_wait3A_51 : memref<1x40x128xi32, #tpu.memory_space<hbm>> -> memref<40x128xi32, #tpu.memory_space<hbm>>
      %dma_wait3A_53 = arith.constant 0 : i32
      %dma_wait3A_54 = arith.constant 0 : i32
      %dma_wait3A_55 = tpu.memref_slice %arg4[%add3A, %dma_wait3A_53, %dma_wait3A_54] : memref<32x80x128xi32, #tpu.memory_space<hbm>> -> memref<1x40x128xi32, #tpu.memory_space<hbm>>
      %dma_wait3A_56 = tpu.memref_squeeze %dma_wait3A_55 : memref<1x40x128xi32, #tpu.memory_space<hbm>> -> memref<40x128xi32, #tpu.memory_space<hbm>>
      tpu.wait_dma2 semaphore(%run_scoped3A : memref<!tpu.dma_semaphore, #tpu.memory_space<semaphore_mem>>) src(%dma_wait3A_56 : memref<40x128xi32, #tpu.memory_space<hbm>>) dst(%arg8 : memref<40x128xi32, #tpu.memory_space<vmem>>)
      tpu.yield
    }) : () -> ()
    %dma_wait3A = arith.constant 0 : i32
    %dma_wait3A_8 = tpu.memref_slice %arg11[%mul3A_4, %dma_wait3A] : memref<10240x128xf32, #tpu.memory_space<vmem_shared>> -> memref<640x128xf32, #tpu.memory_space<vmem_shared>>
    %dma_wait3A_9 = arith.constant 0 : i32
    %dma_wait3A_10 = tpu.memref_slice %arg5[%mul3A_2, %dma_wait3A_9] : memref<10240x128xf32, #tpu.memory_space<hbm>> -> memref<640x128xf32, #tpu.memory_space<hbm>>
    tpu.wait_dma2 semaphore(%arg14 : memref<!tpu.dma_semaphore, #tpu.memory_space<semaphore_mem>>) src(%dma_wait3A_10 : memref<640x128xf32, #tpu.memory_space<hbm>>) dst(%dma_wait3A_8 : memref<640x128xf32, #tpu.memory_space<vmem_shared>>)
    %barrier3A = arith.constant 0 : index
    tpu.barrier barrier_id(%barrier3A)
    %dma_start3A_11 = arith.constant 0 : i32
    %dma_start3A_12 = arith.constant 0 : i32
    %dma_start3A_13 = tpu.memref_slice %arg7[%dma_start3A_11, %dma_start3A_12] : memref<40x128xi32, #tpu.memory_space<vmem>> -> memref<1x128xi32, #tpu.memory_space<vmem>>
    %dma_start3A_14 = tpu.memref_squeeze %dma_start3A_13 : memref<1x128xi32, #tpu.memory_space<vmem>> -> memref<128xi32, #tpu.memory_space<vmem>>
    %dma_start3A_15 = arith.constant 0 : i32
    %dma_start3A_16 = arith.constant 0 : i32
    %dma_start3A_17 = tpu.memref_slice %arg2[%dma_start3A_15, %dma_start3A_16] : memref<10240x128xf32, #tpu.memory_space<hbm>> -> memref<10240x128xf32, #tpu.memory_space<hbm>>
    tpu.enqueue_indirect_dma source(%dma_start3A_17 : memref<10240x128xf32, #tpu.memory_space<hbm>>) target(%arg9 : memref<128x128xf32, #tpu.memory_space<vmem>>) offsets(%dma_start3A_14 : memref<128xi32, #tpu.memory_space<vmem>>) semaphore(%arg12 : memref<!tpu.dma_semaphore, #tpu.memory_space<semaphore_mem>>)
    %scan3A = arith.constant 0 : i32
    %scan3A_18 = arith.constant 0 : i32
    %scan3A_19 = arith.constant 20 : i32
    %scan3A_20 = arith.addi %scan3A_18, %scan3A_19 : i32
    %scan3A_21 = arith.constant 1 : i32
    scf.for %scan3A_41 = %scan3A_18 to %scan3A_20 step %scan3A_21  : i32 {
      %mul3A_42 = arith.constant 2 : i32
      %mul3A_43 = arith.muli %mul3A_42, %scan3A_41 : i32
      %add3A_44 = arith.constant 1 : i32
      %add3A_45 = arith.addi %mul3A_43, %add3A_44 : i32
      %dma_start3A_46 = arith.constant 0 : i32
      %dma_start3A_47 = tpu.memref_slice %arg7[%add3A_45, %dma_start3A_46] : memref<40x128xi32, #tpu.memory_space<vmem>> -> memref<1x128xi32, #tpu.memory_space<vmem>>
      %dma_start3A_48 = tpu.memref_squeeze %dma_start3A_47 : memref<1x128xi32, #tpu.memory_space<vmem>> -> memref<128xi32, #tpu.memory_space<vmem>>
      %dma_start3A_49 = arith.constant 0 : i32
      %dma_start3A_50 = arith.constant 0 : i32
      %dma_start3A_51 = tpu.memref_slice %arg2[%dma_start3A_49, %dma_start3A_50] : memref<10240x128xf32, #tpu.memory_space<hbm>> -> memref<10240x128xf32, #tpu.memory_space<hbm>>
      tpu.enqueue_indirect_dma source(%dma_start3A_51 : memref<10240x128xf32, #tpu.memory_space<hbm>>) target(%arg10 : memref<128x128xf32, #tpu.memory_space<vmem>>) offsets(%dma_start3A_48 : memref<128xi32, #tpu.memory_space<vmem>>) semaphore(%arg13 : memref<!tpu.dma_semaphore, #tpu.memory_space<semaphore_mem>>)
      %dma_wait3A_52 = arith.constant 0 : i32
      %dma_wait3A_53 = tpu.memref_slice %arg7[%mul3A_43, %dma_wait3A_52] : memref<40x128xi32, #tpu.memory_space<vmem>> -> memref<1x128xi32, #tpu.memory_space<vmem>>
      %dma_wait3A_54 = tpu.memref_squeeze %dma_wait3A_53 : memref<1x128xi32, #tpu.memory_space<vmem>> -> memref<128xi32, #tpu.memory_space<vmem>>
      %dma_wait3A_55 = arith.constant 0 : i32
      %dma_wait3A_56 = arith.constant 0 : i32
      %dma_wait3A_57 = tpu.memref_slice %arg2[%dma_wait3A_55, %dma_wait3A_56] : memref<10240x128xf32, #tpu.memory_space<hbm>> -> memref<10240x128xf32, #tpu.memory_space<hbm>>
      tpu.wait_indirect_dma semaphore(%arg12 : memref<!tpu.dma_semaphore, #tpu.memory_space<semaphore_mem>>) src(%dma_wait3A_57 : memref<10240x128xf32, #tpu.memory_space<hbm>>) dst(%arg9 : memref<128x128xf32, #tpu.memory_space<vmem>>)
      "tpu.region"() ({
        %run_scoped3A = tpu.sem_alloc : memref<!tpu.dma_semaphore, #tpu.memory_space<semaphore_mem>>
        %dma_start3A_68 = arith.constant 0 : i32
        %dma_start3A_69 = tpu.memref_slice %arg8[%mul3A_43, %dma_start3A_68] : memref<40x128xi32, #tpu.memory_space<vmem>> -> memref<1x128xi32, #tpu.memory_space<vmem>>
        %dma_start3A_70 = tpu.memref_squeeze %dma_start3A_69 : memref<1x128xi32, #tpu.memory_space<vmem>> -> memref<128xi32, #tpu.memory_space<vmem>>
        %dma_start3A_71 = arith.constant 0 : i32
        %dma_start3A_72 = arith.constant 0 : i32
        %dma_start3A_73 = tpu.memref_slice %arg11[%dma_start3A_71, %dma_start3A_72] : memref<10240x128xf32, #tpu.memory_space<vmem_shared>> -> memref<10240x128xf32, #tpu.memory_space<vmem_shared>>
        tpu.enqueue_indirect_dma source(%arg9 : memref<128x128xf32, #tpu.memory_space<vmem>>) target(%dma_start3A_73 : memref<10240x128xf32, #tpu.memory_space<vmem_shared>>) offsets(%dma_start3A_70 : memref<128xi32, #tpu.memory_space<vmem>>) semaphore(%run_scoped3A : memref<!tpu.dma_semaphore, #tpu.memory_space<semaphore_mem>>) {add = true}
        %dma_wait3A_74 = arith.constant 0 : i32
        %dma_wait3A_75 = tpu.memref_slice %arg8[%mul3A_43, %dma_wait3A_74] : memref<40x128xi32, #tpu.memory_space<vmem>> -> memref<1x128xi32, #tpu.memory_space<vmem>>
        %dma_wait3A_76 = tpu.memref_squeeze %dma_wait3A_75 : memref<1x128xi32, #tpu.memory_space<vmem>> -> memref<128xi32, #tpu.memory_space<vmem>>
        %dma_wait3A_77 = arith.constant 0 : i32
        %dma_wait3A_78 = arith.constant 0 : i32
        %dma_wait3A_79 = tpu.memref_slice %arg11[%dma_wait3A_77, %dma_wait3A_78] : memref<10240x128xf32, #tpu.memory_space<vmem_shared>> -> memref<10240x128xf32, #tpu.memory_space<vmem_shared>>
        tpu.wait_indirect_dma semaphore(%run_scoped3A : memref<!tpu.dma_semaphore, #tpu.memory_space<semaphore_mem>>) src(%arg9 : memref<128x128xf32, #tpu.memory_space<vmem>>) dst(%dma_wait3A_79 : memref<10240x128xf32, #tpu.memory_space<vmem_shared>>)
        tpu.yield
      }) : () -> ()
      %add3A_58 = arith.constant 1 : i32
      %add3A_59 = arith.addi %add3A_45, %add3A_58 : i32
      %lt3A = arith.constant 40 : i32
      %lt3A_60 = arith.cmpi slt, %add3A_59, %lt3A : i32
      %convert_element_type3A = arith.extui %lt3A_60 : i1 to i32
      %cond3A = arith.constant 0 : i32
      %cond3A_61 = arith.cmpi ne, %convert_element_type3A, %cond3A : i32
      scf.if %cond3A_61 {
        %add3A_68 = arith.constant 1 : i32
        %add3A_69 = arith.addi %add3A_45, %add3A_68 : i32
        %dma_start3A_70 = arith.constant 0 : i32
        %dma_start3A_71 = tpu.memref_slice %arg7[%add3A_69, %dma_start3A_70] : memref<40x128xi32, #tpu.memory_space<vmem>> -> memref<1x128xi32, #tpu.memory_space<vmem>>
        %dma_start3A_72 = tpu.memref_squeeze %dma_start3A_71 : memref<1x128xi32, #tpu.memory_space<vmem>> -> memref<128xi32, #tpu.memory_space<vmem>>
        %dma_start3A_73 = arith.constant 0 : i32
        %dma_start3A_74 = arith.constant 0 : i32
        %dma_start3A_75 = tpu.memref_slice %arg2[%dma_start3A_73, %dma_start3A_74] : memref<10240x128xf32, #tpu.memory_space<hbm>> -> memref<10240x128xf32, #tpu.memory_space<hbm>>
        tpu.enqueue_indirect_dma source(%dma_start3A_75 : memref<10240x128xf32, #tpu.memory_space<hbm>>) target(%arg9 : memref<128x128xf32, #tpu.memory_space<vmem>>) offsets(%dma_start3A_72 : memref<128xi32, #tpu.memory_space<vmem>>) semaphore(%arg12 : memref<!tpu.dma_semaphore, #tpu.memory_space<semaphore_mem>>)
      } else {
      }
      %dma_wait3A_62 = arith.constant 0 : i32
      %dma_wait3A_63 = tpu.memref_slice %arg7[%add3A_45, %dma_wait3A_62] : memref<40x128xi32, #tpu.memory_space<vmem>> -> memref<1x128xi32, #tpu.memory_space<vmem>>
      %dma_wait3A_64 = tpu.memref_squeeze %dma_wait3A_63 : memref<1x128xi32, #tpu.memory_space<vmem>> -> memref<128xi32, #tpu.memory_space<vmem>>
      %dma_wait3A_65 = arith.constant 0 : i32
      %dma_wait3A_66 = arith.constant 0 : i32
      %dma_wait3A_67 = tpu.memref_slice %arg2[%dma_wait3A_65, %dma_wait3A_66] : memref<10240x128xf32, #tpu.memory_space<hbm>> -> memref<10240x128xf32, #tpu.memory_space<hbm>>
      tpu.wait_indirect_dma semaphore(%arg13 : memref<!tpu.dma_semaphore, #tpu.memory_space<semaphore_mem>>) src(%dma_wait3A_67 : memref<10240x128xf32, #tpu.memory_space<hbm>>) dst(%arg10 : memref<128x128xf32, #tpu.memory_space<vmem>>)
      "tpu.region"() ({
        %run_scoped3A = tpu.sem_alloc : memref<!tpu.dma_semaphore, #tpu.memory_space<semaphore_mem>>
        %dma_start3A_68 = arith.constant 0 : i32
        %dma_start3A_69 = tpu.memref_slice %arg8[%add3A_45, %dma_start3A_68] : memref<40x128xi32, #tpu.memory_space<vmem>> -> memref<1x128xi32, #tpu.memory_space<vmem>>
        %dma_start3A_70 = tpu.memref_squeeze %dma_start3A_69 : memref<1x128xi32, #tpu.memory_space<vmem>> -> memref<128xi32, #tpu.memory_space<vmem>>
        %dma_start3A_71 = arith.constant 0 : i32
        %dma_start3A_72 = arith.constant 0 : i32
        %dma_start3A_73 = tpu.memref_slice %arg11[%dma_start3A_71, %dma_start3A_72] : memref<10240x128xf32, #tpu.memory_space<vmem_shared>> -> memref<10240x128xf32, #tpu.memory_space<vmem_shared>>
        tpu.enqueue_indirect_dma source(%arg10 : memref<128x128xf32, #tpu.memory_space<vmem>>) target(%dma_start3A_73 : memref<10240x128xf32, #tpu.memory_space<vmem_shared>>) offsets(%dma_start3A_70 : memref<128xi32, #tpu.memory_space<vmem>>) semaphore(%run_scoped3A : memref<!tpu.dma_semaphore, #tpu.memory_space<semaphore_mem>>) {add = true}
        %dma_wait3A_74 = arith.constant 0 : i32
        %dma_wait3A_75 = tpu.memref_slice %arg8[%add3A_45, %dma_wait3A_74] : memref<40x128xi32, #tpu.memory_space<vmem>> -> memref<1x128xi32, #tpu.memory_space<vmem>>
        %dma_wait3A_76 = tpu.memref_squeeze %dma_wait3A_75 : memref<1x128xi32, #tpu.memory_space<vmem>> -> memref<128xi32, #tpu.memory_space<vmem>>
        %dma_wait3A_77 = arith.constant 0 : i32
        %dma_wait3A_78 = arith.constant 0 : i32
        %dma_wait3A_79 = tpu.memref_slice %arg11[%dma_wait3A_77, %dma_wait3A_78] : memref<10240x128xf32, #tpu.memory_space<vmem_shared>> -> memref<10240x128xf32, #tpu.memory_space<vmem_shared>>
        tpu.wait_indirect_dma semaphore(%run_scoped3A : memref<!tpu.dma_semaphore, #tpu.memory_space<semaphore_mem>>) src(%arg10 : memref<128x128xf32, #tpu.memory_space<vmem>>) dst(%dma_wait3A_79 : memref<10240x128xf32, #tpu.memory_space<vmem_shared>>)
        tpu.yield
      }) : () -> ()
    }
    %scan3A_22 = arith.constant 20 : i32
    "tpu.region"() ({
      %run_scoped3A = tpu.sem_alloc : memref<!tpu.dma_semaphore, #tpu.memory_space<semaphore_mem>>
      %dma_start3A_41 = arith.constant 40 : i32
      %dma_start3A_42 = arith.constant 0 : i32
      %dma_start3A_43 = tpu.memref_slice %arg3[%add3A, %dma_start3A_41, %dma_start3A_42] : memref<32x80x128xi32, #tpu.memory_space<hbm>> -> memref<1x40x128xi32, #tpu.memory_space<hbm>>
      %dma_start3A_44 = tpu.memref_squeeze %dma_start3A_43 : memref<1x40x128xi32, #tpu.memory_space<hbm>> -> memref<40x128xi32, #tpu.memory_space<hbm>>
      %dma_start3A_45 = arith.constant 40 : i32
      %dma_start3A_46 = arith.constant 0 : i32
      %dma_start3A_47 = tpu.memref_slice %arg3[%add3A, %dma_start3A_45, %dma_start3A_46] : memref<32x80x128xi32, #tpu.memory_space<hbm>> -> memref<1x40x128xi32, #tpu.memory_space<hbm>>
      %dma_start3A_48 = tpu.memref_squeeze %dma_start3A_47 : memref<1x40x128xi32, #tpu.memory_space<hbm>> -> memref<40x128xi32, #tpu.memory_space<hbm>>
      tpu.enqueue_dma source(%dma_start3A_48 : memref<40x128xi32, #tpu.memory_space<hbm>>) target(%arg7 : memref<40x128xi32, #tpu.memory_space<vmem>>) target_semaphore(%run_scoped3A : memref<!tpu.dma_semaphore, #tpu.memory_space<semaphore_mem>>)
      %dma_wait3A_49 = arith.constant 40 : i32
      %dma_wait3A_50 = arith.constant 0 : i32
      %dma_wait3A_51 = tpu.memref_slice %arg3[%add3A, %dma_wait3A_49, %dma_wait3A_50] : memref<32x80x128xi32, #tpu.memory_space<hbm>> -> memref<1x40x128xi32, #tpu.memory_space<hbm>>
      %dma_wait3A_52 = tpu.memref_squeeze %dma_wait3A_51 : memref<1x40x128xi32, #tpu.memory_space<hbm>> -> memref<40x128xi32, #tpu.memory_space<hbm>>
      %dma_wait3A_53 = arith.constant 40 : i32
      %dma_wait3A_54 = arith.constant 0 : i32
      %dma_wait3A_55 = tpu.memref_slice %arg3[%add3A, %dma_wait3A_53, %dma_wait3A_54] : memref<32x80x128xi32, #tpu.memory_space<hbm>> -> memref<1x40x128xi32, #tpu.memory_space<hbm>>
      %dma_wait3A_56 = tpu.memref_squeeze %dma_wait3A_55 : memref<1x40x128xi32, #tpu.memory_space<hbm>> -> memref<40x128xi32, #tpu.memory_space<hbm>>
      tpu.wait_dma2 semaphore(%run_scoped3A : memref<!tpu.dma_semaphore, #tpu.memory_space<semaphore_mem>>) src(%dma_wait3A_56 : memref<40x128xi32, #tpu.memory_space<hbm>>) dst(%arg7 : memref<40x128xi32, #tpu.memory_space<vmem>>)
      tpu.yield
    }) : () -> ()
    "tpu.region"() ({
      %run_scoped3A = tpu.sem_alloc : memref<!tpu.dma_semaphore, #tpu.memory_space<semaphore_mem>>
      %dma_start3A_41 = arith.constant 40 : i32
      %dma_start3A_42 = arith.constant 0 : i32
      %dma_start3A_43 = tpu.memref_slice %arg4[%add3A, %dma_start3A_41, %dma_start3A_42] : memref<32x80x128xi32, #tpu.memory_space<hbm>> -> memref<1x40x128xi32, #tpu.memory_space<hbm>>
      %dma_start3A_44 = tpu.memref_squeeze %dma_start3A_43 : memref<1x40x128xi32, #tpu.memory_space<hbm>> -> memref<40x128xi32, #tpu.memory_space<hbm>>
      %dma_start3A_45 = arith.constant 40 : i32
      %dma_start3A_46 = arith.constant 0 : i32
      %dma_start3A_47 = tpu.memref_slice %arg4[%add3A, %dma_start3A_45, %dma_start3A_46] : memref<32x80x128xi32, #tpu.memory_space<hbm>> -> memref<1x40x128xi32, #tpu.memory_space<hbm>>
      %dma_start3A_48 = tpu.memref_squeeze %dma_start3A_47 : memref<1x40x128xi32, #tpu.memory_space<hbm>> -> memref<40x128xi32, #tpu.memory_space<hbm>>
      tpu.enqueue_dma source(%dma_start3A_48 : memref<40x128xi32, #tpu.memory_space<hbm>>) target(%arg8 : memref<40x128xi32, #tpu.memory_space<vmem>>) target_semaphore(%run_scoped3A : memref<!tpu.dma_semaphore, #tpu.memory_space<semaphore_mem>>)
      %dma_wait3A_49 = arith.constant 40 : i32
      %dma_wait3A_50 = arith.constant 0 : i32
      %dma_wait3A_51 = tpu.memref_slice %arg4[%add3A, %dma_wait3A_49, %dma_wait3A_50] : memref<32x80x128xi32, #tpu.memory_space<hbm>> -> memref<1x40x128xi32, #tpu.memory_space<hbm>>
      %dma_wait3A_52 = tpu.memref_squeeze %dma_wait3A_51 : memref<1x40x128xi32, #tpu.memory_space<hbm>> -> memref<40x128xi32, #tpu.memory_space<hbm>>
      %dma_wait3A_53 = arith.constant 40 : i32
      %dma_wait3A_54 = arith.constant 0 : i32
      %dma_wait3A_55 = tpu.memref_slice %arg4[%add3A, %dma_wait3A_53, %dma_wait3A_54] : memref<32x80x128xi32, #tpu.memory_space<hbm>> -> memref<1x40x128xi32, #tpu.memory_space<hbm>>
      %dma_wait3A_56 = tpu.memref_squeeze %dma_wait3A_55 : memref<1x40x128xi32, #tpu.memory_space<hbm>> -> memref<40x128xi32, #tpu.memory_space<hbm>>
      tpu.wait_dma2 semaphore(%run_scoped3A : memref<!tpu.dma_semaphore, #tpu.memory_space<semaphore_mem>>) src(%dma_wait3A_56 : memref<40x128xi32, #tpu.memory_space<hbm>>) dst(%arg8 : memref<40x128xi32, #tpu.memory_space<vmem>>)
      tpu.yield
    }) : () -> ()
    %dma_start3A_23 = arith.constant 0 : i32
    %dma_start3A_24 = arith.constant 0 : i32
    %dma_start3A_25 = tpu.memref_slice %arg7[%dma_start3A_23, %dma_start3A_24] : memref<40x128xi32, #tpu.memory_space<vmem>> -> memref<1x128xi32, #tpu.memory_space<vmem>>
    %dma_start3A_26 = tpu.memref_squeeze %dma_start3A_25 : memref<1x128xi32, #tpu.memory_space<vmem>> -> memref<128xi32, #tpu.memory_space<vmem>>
    %dma_start3A_27 = arith.constant 0 : i32
    %dma_start3A_28 = arith.constant 0 : i32
    %dma_start3A_29 = tpu.memref_slice %arg2[%dma_start3A_27, %dma_start3A_28] : memref<10240x128xf32, #tpu.memory_space<hbm>> -> memref<10240x128xf32, #tpu.memory_space<hbm>>
    tpu.enqueue_indirect_dma source(%dma_start3A_29 : memref<10240x128xf32, #tpu.memory_space<hbm>>) target(%arg9 : memref<128x128xf32, #tpu.memory_space<vmem>>) offsets(%dma_start3A_26 : memref<128xi32, #tpu.memory_space<vmem>>) semaphore(%arg12 : memref<!tpu.dma_semaphore, #tpu.memory_space<semaphore_mem>>)
    %scan3A_30 = arith.constant 0 : i32
    %scan3A_31 = arith.constant 0 : i32
    %scan3A_32 = arith.constant 20 : i32
    %scan3A_33 = arith.addi %scan3A_31, %scan3A_32 : i32
    %scan3A_34 = arith.constant 1 : i32
    scf.for %scan3A_41 = %scan3A_31 to %scan3A_33 step %scan3A_34  : i32 {
      %mul3A_42 = arith.constant 2 : i32
      %mul3A_43 = arith.muli %mul3A_42, %scan3A_41 : i32
      %add3A_44 = arith.constant 1 : i32
      %add3A_45 = arith.addi %mul3A_43, %add3A_44 : i32
      %dma_start3A_46 = arith.constant 0 : i32
      %dma_start3A_47 = tpu.memref_slice %arg7[%add3A_45, %dma_start3A_46] : memref<40x128xi32, #tpu.memory_space<vmem>> -> memref<1x128xi32, #tpu.memory_space<vmem>>
      %dma_start3A_48 = tpu.memref_squeeze %dma_start3A_47 : memref<1x128xi32, #tpu.memory_space<vmem>> -> memref<128xi32, #tpu.memory_space<vmem>>
      %dma_start3A_49 = arith.constant 0 : i32
      %dma_start3A_50 = arith.constant 0 : i32
      %dma_start3A_51 = tpu.memref_slice %arg2[%dma_start3A_49, %dma_start3A_50] : memref<10240x128xf32, #tpu.memory_space<hbm>> -> memref<10240x128xf32, #tpu.memory_space<hbm>>
      tpu.enqueue_indirect_dma source(%dma_start3A_51 : memref<10240x128xf32, #tpu.memory_space<hbm>>) target(%arg10 : memref<128x128xf32, #tpu.memory_space<vmem>>) offsets(%dma_start3A_48 : memref<128xi32, #tpu.memory_space<vmem>>) semaphore(%arg13 : memref<!tpu.dma_semaphore, #tpu.memory_space<semaphore_mem>>)
      %dma_wait3A_52 = arith.constant 0 : i32
      %dma_wait3A_53 = tpu.memref_slice %arg7[%mul3A_43, %dma_wait3A_52] : memref<40x128xi32, #tpu.memory_space<vmem>> -> memref<1x128xi32, #tpu.memory_space<vmem>>
      %dma_wait3A_54 = tpu.memref_squeeze %dma_wait3A_53 : memref<1x128xi32, #tpu.memory_space<vmem>> -> memref<128xi32, #tpu.memory_space<vmem>>
      %dma_wait3A_55 = arith.constant 0 : i32
      %dma_wait3A_56 = arith.constant 0 : i32
      %dma_wait3A_57 = tpu.memref_slice %arg2[%dma_wait3A_55, %dma_wait3A_56] : memref<10240x128xf32, #tpu.memory_space<hbm>> -> memref<10240x128xf32, #tpu.memory_space<hbm>>
      tpu.wait_indirect_dma semaphore(%arg12 : memref<!tpu.dma_semaphore, #tpu.memory_space<semaphore_mem>>) src(%dma_wait3A_57 : memref<10240x128xf32, #tpu.memory_space<hbm>>) dst(%arg9 : memref<128x128xf32, #tpu.memory_space<vmem>>)
      "tpu.region"() ({
        %run_scoped3A = tpu.sem_alloc : memref<!tpu.dma_semaphore, #tpu.memory_space<semaphore_mem>>
        %dma_start3A_68 = arith.constant 0 : i32
        %dma_start3A_69 = tpu.memref_slice %arg8[%mul3A_43, %dma_start3A_68] : memref<40x128xi32, #tpu.memory_space<vmem>> -> memref<1x128xi32, #tpu.memory_space<vmem>>
        %dma_start3A_70 = tpu.memref_squeeze %dma_start3A_69 : memref<1x128xi32, #tpu.memory_space<vmem>> -> memref<128xi32, #tpu.memory_space<vmem>>
        %dma_start3A_71 = arith.constant 0 : i32
        %dma_start3A_72 = arith.constant 0 : i32
        %dma_start3A_73 = tpu.memref_slice %arg11[%dma_start3A_71, %dma_start3A_72] : memref<10240x128xf32, #tpu.memory_space<vmem_shared>> -> memref<10240x128xf32, #tpu.memory_space<vmem_shared>>
        tpu.enqueue_indirect_dma source(%arg9 : memref<128x128xf32, #tpu.memory_space<vmem>>) target(%dma_start3A_73 : memref<10240x128xf32, #tpu.memory_space<vmem_shared>>) offsets(%dma_start3A_70 : memref<128xi32, #tpu.memory_space<vmem>>) semaphore(%run_scoped3A : memref<!tpu.dma_semaphore, #tpu.memory_space<semaphore_mem>>) {add = true}
        %dma_wait3A_74 = arith.constant 0 : i32
        %dma_wait3A_75 = tpu.memref_slice %arg8[%mul3A_43, %dma_wait3A_74] : memref<40x128xi32, #tpu.memory_space<vmem>> -> memref<1x128xi32, #tpu.memory_space<vmem>>
        %dma_wait3A_76 = tpu.memref_squeeze %dma_wait3A_75 : memref<1x128xi32, #tpu.memory_space<vmem>> -> memref<128xi32, #tpu.memory_space<vmem>>
        %dma_wait3A_77 = arith.constant 0 : i32
        %dma_wait3A_78 = arith.constant 0 : i32
        %dma_wait3A_79 = tpu.memref_slice %arg11[%dma_wait3A_77, %dma_wait3A_78] : memref<10240x128xf32, #tpu.memory_space<vmem_shared>> -> memref<10240x128xf32, #tpu.memory_space<vmem_shared>>
        tpu.wait_indirect_dma semaphore(%run_scoped3A : memref<!tpu.dma_semaphore, #tpu.memory_space<semaphore_mem>>) src(%arg9 : memref<128x128xf32, #tpu.memory_space<vmem>>) dst(%dma_wait3A_79 : memref<10240x128xf32, #tpu.memory_space<vmem_shared>>)
        tpu.yield
      }) : () -> ()
      %add3A_58 = arith.constant 1 : i32
      %add3A_59 = arith.addi %add3A_45, %add3A_58 : i32
      %lt3A = arith.constant 40 : i32
      %lt3A_60 = arith.cmpi slt, %add3A_59, %lt3A : i32
      %convert_element_type3A = arith.extui %lt3A_60 : i1 to i32
      %cond3A = arith.constant 0 : i32
      %cond3A_61 = arith.cmpi ne, %convert_element_type3A, %cond3A : i32
      scf.if %cond3A_61 {
        %add3A_68 = arith.constant 1 : i32
        %add3A_69 = arith.addi %add3A_45, %add3A_68 : i32
        %dma_start3A_70 = arith.constant 0 : i32
        %dma_start3A_71 = tpu.memref_slice %arg7[%add3A_69, %dma_start3A_70] : memref<40x128xi32, #tpu.memory_space<vmem>> -> memref<1x128xi32, #tpu.memory_space<vmem>>
        %dma_start3A_72 = tpu.memref_squeeze %dma_start3A_71 : memref<1x128xi32, #tpu.memory_space<vmem>> -> memref<128xi32, #tpu.memory_space<vmem>>
        %dma_start3A_73 = arith.constant 0 : i32
        %dma_start3A_74 = arith.constant 0 : i32
        %dma_start3A_75 = tpu.memref_slice %arg2[%dma_start3A_73, %dma_start3A_74] : memref<10240x128xf32, #tpu.memory_space<hbm>> -> memref<10240x128xf32, #tpu.memory_space<hbm>>
        tpu.enqueue_indirect_dma source(%dma_start3A_75 : memref<10240x128xf32, #tpu.memory_space<hbm>>) target(%arg9 : memref<128x128xf32, #tpu.memory_space<vmem>>) offsets(%dma_start3A_72 : memref<128xi32, #tpu.memory_space<vmem>>) semaphore(%arg12 : memref<!tpu.dma_semaphore, #tpu.memory_space<semaphore_mem>>)
      } else {
      }
      %dma_wait3A_62 = arith.constant 0 : i32
      %dma_wait3A_63 = tpu.memref_slice %arg7[%add3A_45, %dma_wait3A_62] : memref<40x128xi32, #tpu.memory_space<vmem>> -> memref<1x128xi32, #tpu.memory_space<vmem>>
      %dma_wait3A_64 = tpu.memref_squeeze %dma_wait3A_63 : memref<1x128xi32, #tpu.memory_space<vmem>> -> memref<128xi32, #tpu.memory_space<vmem>>
      %dma_wait3A_65 = arith.constant 0 : i32
      %dma_wait3A_66 = arith.constant 0 : i32
      %dma_wait3A_67 = tpu.memref_slice %arg2[%dma_wait3A_65, %dma_wait3A_66] : memref<10240x128xf32, #tpu.memory_space<hbm>> -> memref<10240x128xf32, #tpu.memory_space<hbm>>
      tpu.wait_indirect_dma semaphore(%arg13 : memref<!tpu.dma_semaphore, #tpu.memory_space<semaphore_mem>>) src(%dma_wait3A_67 : memref<10240x128xf32, #tpu.memory_space<hbm>>) dst(%arg10 : memref<128x128xf32, #tpu.memory_space<vmem>>)
      "tpu.region"() ({
        %run_scoped3A = tpu.sem_alloc : memref<!tpu.dma_semaphore, #tpu.memory_space<semaphore_mem>>
        %dma_start3A_68 = arith.constant 0 : i32
        %dma_start3A_69 = tpu.memref_slice %arg8[%add3A_45, %dma_start3A_68] : memref<40x128xi32, #tpu.memory_space<vmem>> -> memref<1x128xi32, #tpu.memory_space<vmem>>
        %dma_start3A_70 = tpu.memref_squeeze %dma_start3A_69 : memref<1x128xi32, #tpu.memory_space<vmem>> -> memref<128xi32, #tpu.memory_space<vmem>>
        %dma_start3A_71 = arith.constant 0 : i32
        %dma_start3A_72 = arith.constant 0 : i32
        %dma_start3A_73 = tpu.memref_slice %arg11[%dma_start3A_71, %dma_start3A_72] : memref<10240x128xf32, #tpu.memory_space<vmem_shared>> -> memref<10240x128xf32, #tpu.memory_space<vmem_shared>>
        tpu.enqueue_indirect_dma source(%arg10 : memref<128x128xf32, #tpu.memory_space<vmem>>) target(%dma_start3A_73 : memref<10240x128xf32, #tpu.memory_space<vmem_shared>>) offsets(%dma_start3A_70 : memref<128xi32, #tpu.memory_space<vmem>>) semaphore(%run_scoped3A : memref<!tpu.dma_semaphore, #tpu.memory_space<semaphore_mem>>) {add = true}
        %dma_wait3A_74 = arith.constant 0 : i32
        %dma_wait3A_75 = tpu.memref_slice %arg8[%add3A_45, %dma_wait3A_74] : memref<40x128xi32, #tpu.memory_space<vmem>> -> memref<1x128xi32, #tpu.memory_space<vmem>>
        %dma_wait3A_76 = tpu.memref_squeeze %dma_wait3A_75 : memref<1x128xi32, #tpu.memory_space<vmem>> -> memref<128xi32, #tpu.memory_space<vmem>>
        %dma_wait3A_77 = arith.constant 0 : i32
        %dma_wait3A_78 = arith.constant 0 : i32
        %dma_wait3A_79 = tpu.memref_slice %arg11[%dma_wait3A_77, %dma_wait3A_78] : memref<10240x128xf32, #tpu.memory_space<vmem_shared>> -> memref<10240x128xf32, #tpu.memory_space<vmem_shared>>
        tpu.wait_indirect_dma semaphore(%run_scoped3A : memref<!tpu.dma_semaphore, #tpu.memory_space<semaphore_mem>>) src(%arg10 : memref<128x128xf32, #tpu.memory_space<vmem>>) dst(%dma_wait3A_79 : memref<10240x128xf32, #tpu.memory_space<vmem_shared>>)
        tpu.yield
      }) : () -> ()
    }
    %scan3A_35 = arith.constant 20 : i32
    %barrier3A_36 = arith.constant 0 : index
    tpu.barrier barrier_id(%barrier3A_36)
    %mul3A_37 = arith.constant 640 : i32
    %mul3A_38 = arith.muli %arg1, %mul3A_37 : i32
    %mul3A_39 = arith.constant 640 : i32
    %mul3A_40 = arith.muli %arg1, %mul3A_39 : i32
    "tpu.region"() ({
      %run_scoped3A = tpu.sem_alloc : memref<!tpu.dma_semaphore, #tpu.memory_space<semaphore_mem>>
      %dma_start3A_41 = arith.constant 0 : i32
      %dma_start3A_42 = tpu.memref_slice %arg6[%arg0, %mul3A_40, %dma_start3A_41] : memref<2x10240x128xf32, #tpu.memory_space<hbm>> -> memref<1x640x128xf32, #tpu.memory_space<hbm>>
      %dma_start3A_43 = tpu.memref_squeeze %dma_start3A_42 : memref<1x640x128xf32, #tpu.memory_space<hbm>> -> memref<640x128xf32, #tpu.memory_space<hbm>>
      %dma_start3A_44 = arith.constant 0 : i32
      %dma_start3A_45 = tpu.memref_slice %arg11[%mul3A_38, %dma_start3A_44] : memref<10240x128xf32, #tpu.memory_space<vmem_shared>> -> memref<640x128xf32, #tpu.memory_space<vmem_shared>>
      tpu.enqueue_dma source(%dma_start3A_45 : memref<640x128xf32, #tpu.memory_space<vmem_shared>>) target(%dma_start3A_43 : memref<640x128xf32, #tpu.memory_space<hbm>>) target_semaphore(%run_scoped3A : memref<!tpu.dma_semaphore, #tpu.memory_space<semaphore_mem>>)
      %dma_wait3A_46 = arith.constant 0 : i32
      %dma_wait3A_47 = tpu.memref_slice %arg6[%arg0, %mul3A_40, %dma_wait3A_46] : memref<2x10240x128xf32, #tpu.memory_space<hbm>> -> memref<1x640x128xf32, #tpu.memory_space<hbm>>
      %dma_wait3A_48 = tpu.memref_squeeze %dma_wait3A_47 : memref<1x640x128xf32, #tpu.memory_space<hbm>> -> memref<640x128xf32, #tpu.memory_space<hbm>>
      %dma_wait3A_49 = arith.constant 0 : i32
      %dma_wait3A_50 = tpu.memref_slice %arg11[%mul3A_38, %dma_wait3A_49] : memref<10240x128xf32, #tpu.memory_space<vmem_shared>> -> memref<640x128xf32, #tpu.memory_space<vmem_shared>>
      tpu.wait_dma2 semaphore(%run_scoped3A : memref<!tpu.dma_semaphore, #tpu.memory_space<semaphore_mem>>) src(%dma_wait3A_50 : memref<640x128xf32, #tpu.memory_space<vmem_shared>>) dst(%dma_wait3A_48 : memref<640x128xf32, #tpu.memory_space<hbm>>)
      tpu.yield
    }) : () -> ()
    return
  }
}

module attributes {stable_mosaic.version = 14 : i64} {
  func.func @_head_mm_body(%arg0: memref<10000x128xf32, #tpu.memory_space<vmem>>, %arg1: memref<128x128xf32, #tpu.memory_space<vmem>>, %arg2: memref<128x128xf32, #tpu.memory_space<vmem>>, %arg3: memref<10000x128xf32, #tpu.memory_space<vmem>>) attributes {dimension_semantics = [], scalar_prefetch = 0 : i64, scratch_operands = 0 : i64, tpu.core_type = #tpu.core_type<tc>} {
    %get3A = arith.constant 0 : index
    %get3A_0 = arith.constant 0 : index
    %get3A_1 = vector.load %arg0[%get3A, %get3A_0] : memref<10000x128xf32, #tpu.memory_space<vmem>>, vector<10000x128xf32>
    %reduce_sum3A = arith.constant dense<0.000000e+00> : vector<128xf32>
    %reduce_sum3A_2 = vector.multi_reduction <add>, %get3A_1, %reduce_sum3A [0] : vector<10000x128xf32> to vector<128xf32>
    %broadcast_in_dim3A = vector.shape_cast %reduce_sum3A_2 : vector<128xf32> to vector<1x128xf32>
    %div3A = arith.constant 1.000000e+04 : f32
    %div3A_3 = vector.broadcast %div3A : f32 to vector<1x128xf32>
    %div3A_4 = arith.divf %broadcast_in_dim3A, %div3A_3 : vector<1x128xf32>
    %sub3A = vector.broadcast %div3A_4 : vector<1x128xf32> to vector<10000x128xf32>
    %sub3A_5 = arith.subf %get3A_1, %sub3A : vector<10000x128xf32>
    %integer_pow3A = arith.mulf %sub3A_5, %sub3A_5 : vector<10000x128xf32>
    %reduce_sum3A_6 = arith.constant dense<0.000000e+00> : vector<128xf32>
    %reduce_sum3A_7 = vector.multi_reduction <add>, %integer_pow3A, %reduce_sum3A_6 [0] : vector<10000x128xf32> to vector<128xf32>
    %broadcast_in_dim3A_8 = vector.shape_cast %reduce_sum3A_7 : vector<128xf32> to vector<1x128xf32>
    %div3A_9 = arith.constant 1.000000e+04 : f32
    %div3A_10 = vector.broadcast %div3A_9 : f32 to vector<1x128xf32>
    %div3A_11 = arith.divf %broadcast_in_dim3A_8, %div3A_10 : vector<1x128xf32>
    %sub3A_12 = vector.broadcast %div3A_4 : vector<1x128xf32> to vector<10000x128xf32>
    %sub3A_13 = arith.subf %get3A_1, %sub3A_12 : vector<10000x128xf32>
    %add3A = arith.constant 9.99999974E-6 : f32
    %add3A_14 = vector.broadcast %add3A : f32 to vector<1x128xf32>
    %add3A_15 = arith.addf %div3A_11, %add3A_14 : vector<1x128xf32>
    %rsqrt3A = math.rsqrt %add3A_15 : vector<1x128xf32>
    %mul3A = vector.broadcast %rsqrt3A : vector<1x128xf32> to vector<10000x128xf32>
    %mul3A_16 = arith.mulf %sub3A_13, %mul3A : vector<10000x128xf32>
    %add3A_17 = arith.constant 9.99999974E-5 : f32
    %add3A_18 = vector.broadcast %add3A_17 : f32 to vector<10000x128xf32>
    %add3A_19 = arith.addf %mul3A_16, %add3A_18 : vector<10000x128xf32>
    %get3A_20 = arith.constant 0 : index
    %get3A_21 = arith.constant 0 : index
    %get3A_22 = vector.load %arg1[%get3A_20, %get3A_21] : memref<128x128xf32, #tpu.memory_space<vmem>>, vector<128x128xf32>
    %dot_general3A = arith.constant dense<0.000000e+00> : vector<10000x128xf32>
    %dot_general3A_23 = tpu.matmul %add3A_19, %get3A_22, %dot_general3A {dimension_numbers = #tpu.dot_dimension_numbers<[1], [0], [0], [1], [0, 0, 1, 1], [], []>, transpose_lhs_hint = false} : vector<10000x128xf32>, vector<128x128xf32>, vector<10000x128xf32> -> vector<10000x128xf32>
    %max3A = arith.constant 0.000000e+00 : f32
    %max3A_24 = vector.broadcast %max3A : f32 to vector<10000x128xf32>
    %max3A_25 = arith.maximumf %dot_general3A_23, %max3A_24 : vector<10000x128xf32>
    %reduce_sum3A_26 = arith.constant dense<0.000000e+00> : vector<128xf32>
    %reduce_sum3A_27 = vector.multi_reduction <add>, %max3A_25, %reduce_sum3A_26 [0] : vector<10000x128xf32> to vector<128xf32>
    %broadcast_in_dim3A_28 = vector.shape_cast %reduce_sum3A_27 : vector<128xf32> to vector<1x128xf32>
    %div3A_29 = arith.constant 1.000000e+04 : f32
    %div3A_30 = vector.broadcast %div3A_29 : f32 to vector<1x128xf32>
    %div3A_31 = arith.divf %broadcast_in_dim3A_28, %div3A_30 : vector<1x128xf32>
    %sub3A_32 = vector.broadcast %div3A_31 : vector<1x128xf32> to vector<10000x128xf32>
    %sub3A_33 = arith.subf %max3A_25, %sub3A_32 : vector<10000x128xf32>
    %integer_pow3A_34 = arith.mulf %sub3A_33, %sub3A_33 : vector<10000x128xf32>
    %reduce_sum3A_35 = arith.constant dense<0.000000e+00> : vector<128xf32>
    %reduce_sum3A_36 = vector.multi_reduction <add>, %integer_pow3A_34, %reduce_sum3A_35 [0] : vector<10000x128xf32> to vector<128xf32>
    %broadcast_in_dim3A_37 = vector.shape_cast %reduce_sum3A_36 : vector<128xf32> to vector<1x128xf32>
    %div3A_38 = arith.constant 1.000000e+04 : f32
    %div3A_39 = vector.broadcast %div3A_38 : f32 to vector<1x128xf32>
    %div3A_40 = arith.divf %broadcast_in_dim3A_37, %div3A_39 : vector<1x128xf32>
    %sub3A_41 = vector.broadcast %div3A_31 : vector<1x128xf32> to vector<10000x128xf32>
    %sub3A_42 = arith.subf %max3A_25, %sub3A_41 : vector<10000x128xf32>
    %add3A_43 = arith.constant 9.99999974E-6 : f32
    %add3A_44 = vector.broadcast %add3A_43 : f32 to vector<1x128xf32>
    %add3A_45 = arith.addf %div3A_40, %add3A_44 : vector<1x128xf32>
    %rsqrt3A_46 = math.rsqrt %add3A_45 : vector<1x128xf32>
    %mul3A_47 = vector.broadcast %rsqrt3A_46 : vector<1x128xf32> to vector<10000x128xf32>
    %mul3A_48 = arith.mulf %sub3A_42, %mul3A_47 : vector<10000x128xf32>
    %add3A_49 = arith.constant 9.99999974E-5 : f32
    %add3A_50 = vector.broadcast %add3A_49 : f32 to vector<10000x128xf32>
    %add3A_51 = arith.addf %mul3A_48, %add3A_50 : vector<10000x128xf32>
    %get3A_52 = arith.constant 0 : index
    %get3A_53 = arith.constant 0 : index
    %get3A_54 = vector.load %arg2[%get3A_52, %get3A_53] : memref<128x128xf32, #tpu.memory_space<vmem>>, vector<128x128xf32>
    %dot_general3A_55 = arith.constant dense<0.000000e+00> : vector<10000x128xf32>
    %dot_general3A_56 = tpu.matmul %add3A_51, %get3A_54, %dot_general3A_55 {dimension_numbers = #tpu.dot_dimension_numbers<[1], [0], [0], [1], [0, 0, 1, 1], [], []>, transpose_lhs_hint = false} : vector<10000x128xf32>, vector<128x128xf32>, vector<10000x128xf32> -> vector<10000x128xf32>
    %swap3A = arith.constant 0 : index
    %swap3A_57 = arith.constant 0 : index
    %swap3A_58 = vector.load %arg3[%swap3A, %swap3A_57] : memref<10000x128xf32, #tpu.memory_space<vmem>>, vector<10000x128xf32>
    tpu.vector_store %arg3[%swap3A, %swap3A_57], %dot_general3A_56 {strides = array<i32>} : memref<10000x128xf32, #tpu.memory_space<vmem>>, vector<10000x128xf32>,
    return
  }
}

module attributes {stable_mosaic.version = 14 : i64} {
  func.func @_head_scale_body(%arg0: memref<10000x128xf32, #tpu.memory_space<vmem>>, %arg1: memref<20480xf32, #tpu.memory_space<vmem>>, %arg2: memref<10240x128xf32, #tpu.memory_space<vmem>>) attributes {dimension_semantics = [], scalar_prefetch = 0 : i64, scratch_operands = 0 : i64, tpu.core_type = #tpu.core_type<tc>} {
    %get3A = arith.constant 0 : index
    %get3A_0 = arith.constant 0 : index
    %get3A_1 = vector.load %arg0[%get3A, %get3A_0] : memref<10000x128xf32, #tpu.memory_space<vmem>>, vector<10000x128xf32>
    %get3A_2 = arith.constant 0 : index
    %get3A_3 = vector.load %arg1[%get3A_2] : memref<20480xf32, #tpu.memory_space<vmem>>, vector<10000xf32>
    %get3A_4 = arith.constant 10240 : index
    %get3A_5 = vector.load %arg1[%get3A_4] : memref<20480xf32, #tpu.memory_space<vmem>>, vector<10000xf32>
    %add3A = arith.addf %get3A_3, %get3A_5 : vector<10000xf32>
    %add3A_6 = arith.constant 1.000000e+00 : f32
    %add3A_7 = vector.broadcast %add3A_6 : f32 to vector<10000xf32>
    %add3A_8 = arith.addf %add3A, %add3A_7 : vector<10000xf32>
    %rsqrt3A = math.rsqrt %add3A_8 : vector<10000xf32>
    %reshape3A = vector.shape_cast %rsqrt3A : vector<10000xf32> to vector<10000x1xf32>
    %mul3A = vector.broadcast %reshape3A : vector<10000x1xf32> to vector<10000x128xf32>
    %mul3A_9 = arith.mulf %get3A_1, %mul3A : vector<10000x128xf32>
    %swap3A = arith.constant 0 : index
    %swap3A_10 = arith.constant 0 : index
    %swap3A_11 = vector.load %arg2[%swap3A, %swap3A_10] : memref<10240x128xf32, #tpu.memory_space<vmem>>, vector<10000x128xf32>
    tpu.vector_store %arg2[%swap3A, %swap3A_10], %mul3A_9 {strides = array<i32>} : memref<10240x128xf32, #tpu.memory_space<vmem>>, vector<10000x128xf32>,
    %broadcast_in_dim3A = arith.constant 0.000000e+00 : f32
    %broadcast_in_dim3A_12 = vector.broadcast %broadcast_in_dim3A : f32 to vector<240x128xf32>
    %swap3A_13 = arith.constant 10000 : index
    %swap3A_14 = arith.constant 0 : index
    %swap3A_15 = vector.load %arg2[%swap3A_13, %swap3A_14] : memref<10240x128xf32, #tpu.memory_space<vmem>>, vector<240x128xf32>
    tpu.vector_store %arg2[%swap3A_13, %swap3A_14], %broadcast_in_dim3A_12 {strides = array<i32>} : memref<10240x128xf32, #tpu.memory_space<vmem>>, vector<240x128xf32>,
    return
  }
}

module attributes {stable_mosaic.version = 14 : i64} {
  func.func @_mid_body(%arg0: memref<2x10240x128xf32, #tpu.memory_space<vmem>>, %arg1: memref<10240x128xf32, #tpu.memory_space<vmem>>, %arg2: memref<20480xf32, #tpu.memory_space<vmem>>, %arg3: memref<1x128xf32, #tpu.memory_space<vmem>>, %arg4: memref<128x128xf32, #tpu.memory_space<vmem>>, %arg5: memref<10240x128xf32, #tpu.memory_space<vmem>>) attributes {dimension_semantics = [], scalar_prefetch = 0 : i64, scratch_operands = 0 : i64, tpu.core_type = #tpu.core_type<tc>} {
    %get3A = arith.constant 0 : index
    %get3A_0 = arith.constant 0 : index
    %get3A_1 = arith.constant 0 : index
    %get3A_2 = vector.load %arg0[%get3A, %get3A_0, %get3A_1] : memref<2x10240x128xf32, #tpu.memory_space<vmem>>, vector<2x10240x128xf32>
    %get3A_3 = arith.constant 0 : index
    %get3A_4 = vector.load %arg2[%get3A_3] : memref<20480xf32, #tpu.memory_space<vmem>>, vector<10000xf32>
    %get3A_5 = arith.constant 10240 : index
    %get3A_6 = vector.load %arg2[%get3A_5] : memref<20480xf32, #tpu.memory_space<vmem>>, vector<10000xf32>
    %add3A = arith.addf %get3A_4, %get3A_6 : vector<10000xf32>
    %add3A_7 = arith.constant 1.000000e+00 : f32
    %add3A_8 = vector.broadcast %add3A_7 : f32 to vector<10000xf32>
    %add3A_9 = arith.addf %add3A, %add3A_8 : vector<10000xf32>
    %rsqrt3A = math.rsqrt %add3A_9 : vector<10000xf32>
    %reshape3A = vector.shape_cast %rsqrt3A : vector<10000xf32> to vector<10000x1xf32>
    %slice3A = vector.extract_strided_slice %get3A_2 {offsets = [0, 0, 0], sizes = [1, 10240, 128], strides = [1, 1, 1]} : vector<2x10240x128xf32> to vector<1x10240x128xf32>
    %squeeze3A = vector.shape_cast %slice3A : vector<1x10240x128xf32> to vector<10240x128xf32>
    %slice3A_10 = vector.extract_strided_slice %squeeze3A {offsets = [0, 0], sizes = [10000, 128], strides = [1, 1]} : vector<10240x128xf32> to vector<10000x128xf32>
    %slice3A_11 = vector.extract_strided_slice %get3A_2 {offsets = [1, 0, 0], sizes = [1, 10240, 128], strides = [1, 1, 1]} : vector<2x10240x128xf32> to vector<1x10240x128xf32>
    %squeeze3A_12 = vector.shape_cast %slice3A_11 : vector<1x10240x128xf32> to vector<10240x128xf32>
    %slice3A_13 = vector.extract_strided_slice %squeeze3A_12 {offsets = [0, 0], sizes = [10000, 128], strides = [1, 1]} : vector<10240x128xf32> to vector<10000x128xf32>
    %add3A_14 = arith.addf %slice3A_10, %slice3A_13 : vector<10000x128xf32>
    %get3A_15 = arith.constant 0 : index
    %get3A_16 = arith.constant 0 : index
    %get3A_17 = vector.load %arg1[%get3A_15, %get3A_16] : memref<10240x128xf32, #tpu.memory_space<vmem>>, vector<10240x128xf32>
    %slice3A_18 = vector.extract_strided_slice %get3A_17 {offsets = [0, 0], sizes = [10000, 128], strides = [1, 1]} : vector<10240x128xf32> to vector<10000x128xf32>
    %add3A_19 = arith.addf %add3A_14, %slice3A_18 : vector<10000x128xf32>
    %mul3A = vector.broadcast %reshape3A : vector<10000x1xf32> to vector<10000x128xf32>
    %mul3A_20 = arith.mulf %add3A_19, %mul3A : vector<10000x128xf32>
    %get3A_21 = arith.constant 0 : index
    %get3A_22 = arith.constant 0 : index
    %get3A_23 = vector.load %arg3[%get3A_21, %get3A_22] : memref<1x128xf32, #tpu.memory_space<vmem>>, vector<1x128xf32>
    %add3A_24 = vector.broadcast %get3A_23 : vector<1x128xf32> to vector<10000x128xf32>
    %add3A_25 = arith.addf %mul3A_20, %add3A_24 : vector<10000x128xf32>
    %max3A = arith.constant 0.000000e+00 : f32
    %max3A_26 = vector.broadcast %max3A : f32 to vector<10000x128xf32>
    %max3A_27 = arith.maximumf %add3A_25, %max3A_26 : vector<10000x128xf32>
    %reduce_sum3A = arith.constant dense<0.000000e+00> : vector<128xf32>
    %reduce_sum3A_28 = vector.multi_reduction <add>, %max3A_27, %reduce_sum3A [0] : vector<10000x128xf32> to vector<128xf32>
    %broadcast_in_dim3A = vector.shape_cast %reduce_sum3A_28 : vector<128xf32> to vector<1x128xf32>
    %div3A = arith.constant 1.000000e+04 : f32
    %div3A_29 = vector.broadcast %div3A : f32 to vector<1x128xf32>
    %div3A_30 = arith.divf %broadcast_in_dim3A, %div3A_29 : vector<1x128xf32>
    %sub3A = vector.broadcast %div3A_30 : vector<1x128xf32> to vector<10000x128xf32>
    %sub3A_31 = arith.subf %max3A_27, %sub3A : vector<10000x128xf32>
    %integer_pow3A = arith.mulf %sub3A_31, %sub3A_31 : vector<10000x128xf32>
    %reduce_sum3A_32 = arith.constant dense<0.000000e+00> : vector<128xf32>
    %reduce_sum3A_33 = vector.multi_reduction <add>, %integer_pow3A, %reduce_sum3A_32 [0] : vector<10000x128xf32> to vector<128xf32>
    %broadcast_in_dim3A_34 = vector.shape_cast %reduce_sum3A_33 : vector<128xf32> to vector<1x128xf32>
    %div3A_35 = arith.constant 1.000000e+04 : f32
    %div3A_36 = vector.broadcast %div3A_35 : f32 to vector<1x128xf32>
    %div3A_37 = arith.divf %broadcast_in_dim3A_34, %div3A_36 : vector<1x128xf32>
    %sub3A_38 = vector.broadcast %div3A_30 : vector<1x128xf32> to vector<10000x128xf32>
    %sub3A_39 = arith.subf %max3A_27, %sub3A_38 : vector<10000x128xf32>
    %add3A_40 = arith.constant 9.99999974E-6 : f32
    %add3A_41 = vector.broadcast %add3A_40 : f32 to vector<1x128xf32>
    %add3A_42 = arith.addf %div3A_37, %add3A_41 : vector<1x128xf32>
    %rsqrt3A_43 = math.rsqrt %add3A_42 : vector<1x128xf32>
    %mul3A_44 = vector.broadcast %rsqrt3A_43 : vector<1x128xf32> to vector<10000x128xf32>
    %mul3A_45 = arith.mulf %sub3A_39, %mul3A_44 : vector<10000x128xf32>
    %add3A_46 = arith.constant 9.99999974E-5 : f32
    %add3A_47 = vector.broadcast %add3A_46 : f32 to vector<10000x128xf32>
    %add3A_48 = arith.addf %mul3A_45, %add3A_47 : vector<10000x128xf32>
    %get3A_49 = arith.constant 0 : index
    %get3A_50 = arith.constant 0 : index
    %get3A_51 = vector.load %arg4[%get3A_49, %get3A_50] : memref<128x128xf32, #tpu.memory_space<vmem>>, vector<128x128xf32>
    %dot_general3A = arith.constant dense<0.000000e+00> : vector<10000x128xf32>
    %dot_general3A_52 = tpu.matmul %add3A_48, %get3A_51, %dot_general3A {dimension_numbers = #tpu.dot_dimension_numbers<[1], [0], [0], [1], [0, 0, 1, 1], [], []>, transpose_lhs_hint = false} : vector<10000x128xf32>, vector<128x128xf32>, vector<10000x128xf32> -> vector<10000x128xf32>
    %mul3A_53 = vector.broadcast %reshape3A : vector<10000x1xf32> to vector<10000x128xf32>
    %mul3A_54 = arith.mulf %dot_general3A_52, %mul3A_53 : vector<10000x128xf32>
    %swap3A = arith.constant 0 : index
    %swap3A_55 = arith.constant 0 : index
    %swap3A_56 = vector.load %arg5[%swap3A, %swap3A_55] : memref<10240x128xf32, #tpu.memory_space<vmem>>, vector<10000x128xf32>
    tpu.vector_store %arg5[%swap3A, %swap3A_55], %mul3A_54 {strides = array<i32>} : memref<10240x128xf32, #tpu.memory_space<vmem>>, vector<10000x128xf32>,
    %broadcast_in_dim3A_57 = arith.constant 0.000000e+00 : f32
    %broadcast_in_dim3A_58 = vector.broadcast %broadcast_in_dim3A_57 : f32 to vector<240x128xf32>
    %swap3A_59 = arith.constant 10000 : index
    %swap3A_60 = arith.constant 0 : index
    %swap3A_61 = vector.load %arg5[%swap3A_59, %swap3A_60] : memref<10240x128xf32, #tpu.memory_space<vmem>>, vector<240x128xf32>
    tpu.vector_store %arg5[%swap3A_59, %swap3A_60], %broadcast_in_dim3A_58 {strides = array<i32>} : memref<10240x128xf32, #tpu.memory_space<vmem>>, vector<240x128xf32>,
    return
  }
}

module attributes {stable_mosaic.version = 14 : i64} {
  func.func @_tail_body(%arg0: memref<2x10240x128xf32, #tpu.memory_space<vmem>>, %arg1: memref<10240x128xf32, #tpu.memory_space<vmem>>, %arg2: memref<20480xf32, #tpu.memory_space<vmem>>, %arg3: memref<1x128xf32, #tpu.memory_space<vmem>>, %arg4: memref<1x10000xi32, #tpu.memory_space<vmem>>, %arg5: memref<128x128xf32, #tpu.memory_space<vmem>>, %arg6: memref<1x128xf32, #tpu.memory_space<vmem>>, %arg7: memref<128x10xf32, #tpu.memory_space<vmem>>, %arg8: memref<1x10xf32, #tpu.memory_space<vmem>>, %arg9: memref<64x10xf32, #tpu.memory_space<vmem>>) attributes {dimension_semantics = [], scalar_prefetch = 0 : i64, scratch_operands = 0 : i64, tpu.core_type = #tpu.core_type<tc>} {
    %get3A = arith.constant 0 : index
    %get3A_0 = arith.constant 0 : index
    %get3A_1 = arith.constant 0 : index
    %get3A_2 = vector.load %arg0[%get3A, %get3A_0, %get3A_1] : memref<2x10240x128xf32, #tpu.memory_space<vmem>>, vector<2x10240x128xf32>
    %slice3A = vector.extract_strided_slice %get3A_2 {offsets = [0, 0, 0], sizes = [1, 10240, 128], strides = [1, 1, 1]} : vector<2x10240x128xf32> to vector<1x10240x128xf32>
    %squeeze3A = vector.shape_cast %slice3A : vector<1x10240x128xf32> to vector<10240x128xf32>
    %slice3A_3 = vector.extract_strided_slice %squeeze3A {offsets = [0, 0], sizes = [10000, 128], strides = [1, 1]} : vector<10240x128xf32> to vector<10000x128xf32>
    %slice3A_4 = vector.extract_strided_slice %get3A_2 {offsets = [1, 0, 0], sizes = [1, 10240, 128], strides = [1, 1, 1]} : vector<2x10240x128xf32> to vector<1x10240x128xf32>
    %squeeze3A_5 = vector.shape_cast %slice3A_4 : vector<1x10240x128xf32> to vector<10240x128xf32>
    %slice3A_6 = vector.extract_strided_slice %squeeze3A_5 {offsets = [0, 0], sizes = [10000, 128], strides = [1, 1]} : vector<10240x128xf32> to vector<10000x128xf32>
    %add3A = arith.addf %slice3A_3, %slice3A_6 : vector<10000x128xf32>
    %get3A_7 = arith.constant 0 : index
    %get3A_8 = arith.constant 0 : index
    %get3A_9 = vector.load %arg1[%get3A_7, %get3A_8] : memref<10240x128xf32, #tpu.memory_space<vmem>>, vector<10240x128xf32>
    %slice3A_10 = vector.extract_strided_slice %get3A_9 {offsets = [0, 0], sizes = [10000, 128], strides = [1, 1]} : vector<10240x128xf32> to vector<10000x128xf32>
    %add3A_11 = arith.addf %add3A, %slice3A_10 : vector<10000x128xf32>
    %get3A_12 = arith.constant 0 : index
    %get3A_13 = vector.load %arg2[%get3A_12] : memref<20480xf32, #tpu.memory_space<vmem>>, vector<10000xf32>
    %get3A_14 = arith.constant 10240 : index
    %get3A_15 = vector.load %arg2[%get3A_14] : memref<20480xf32, #tpu.memory_space<vmem>>, vector<10000xf32>
    %add3A_16 = arith.addf %get3A_13, %get3A_15 : vector<10000xf32>
    %add3A_17 = arith.constant 1.000000e+00 : f32
    %add3A_18 = vector.broadcast %add3A_17 : f32 to vector<10000xf32>
    %add3A_19 = arith.addf %add3A_16, %add3A_18 : vector<10000xf32>
    %rsqrt3A = math.rsqrt %add3A_19 : vector<10000xf32>
    %reshape3A = vector.shape_cast %rsqrt3A : vector<10000xf32> to vector<10000x1xf32>
    %mul3A = vector.broadcast %reshape3A : vector<10000x1xf32> to vector<10000x128xf32>
    %mul3A_20 = arith.mulf %add3A_11, %mul3A : vector<10000x128xf32>
    %get3A_21 = arith.constant 0 : index
    %get3A_22 = arith.constant 0 : index
    %get3A_23 = vector.load %arg3[%get3A_21, %get3A_22] : memref<1x128xf32, #tpu.memory_space<vmem>>, vector<1x128xf32>
    %add3A_24 = vector.broadcast %get3A_23 : vector<1x128xf32> to vector<10000x128xf32>
    %add3A_25 = arith.addf %mul3A_20, %add3A_24 : vector<10000x128xf32>
    %max3A = arith.constant 0.000000e+00 : f32
    %max3A_26 = vector.broadcast %max3A : f32 to vector<10000x128xf32>
    %max3A_27 = arith.maximumf %add3A_25, %max3A_26 : vector<10000x128xf32>
    %get3A_28 = arith.constant 0 : index
    %get3A_29 = arith.constant 0 : index
    %get3A_30 = vector.load %arg4[%get3A_28, %get3A_29] : memref<1x10000xi32, #tpu.memory_space<vmem>>, vector<1x10000xi32>
    %broadcast_in_dim3A = vector.shape_cast %get3A_30 : vector<1x10000xi32> to vector<1x10000xi32>
    %broadcast_in_dim3A_31 = vector.broadcast %broadcast_in_dim3A : vector<1x10000xi32> to vector<64x10000xi32>
    %iota3A = tpu.iota {dimensions = array<i32: 0>} : vector<64x10000xi32>
    %eq3A = arith.cmpi eq, %broadcast_in_dim3A_31, %iota3A : vector<64x10000xi32>
    %convert_element_type3A = arith.extui %eq3A : vector<64x10000xi1> to vector<64x10000xi32>
    %convert_element_type3A_32 = arith.sitofp %convert_element_type3A : vector<64x10000xi32> to vector<64x10000xf32>
    %dot_general3A = arith.constant dense<0.000000e+00> : vector<64x128xf32>
    %dot_general3A_33 = tpu.matmul %convert_element_type3A_32, %max3A_27, %dot_general3A {dimension_numbers = #tpu.dot_dimension_numbers<[1], [0], [0], [1], [0, 0, 1, 1], [], []>, transpose_lhs_hint = false} : vector<64x10000xf32>, vector<10000x128xf32>, vector<64x128xf32> -> vector<64x128xf32>
    %reduce_sum3A = arith.constant dense<0.000000e+00> : vector<128xf32>
    %reduce_sum3A_34 = vector.multi_reduction <add>, %dot_general3A_33, %reduce_sum3A [0] : vector<64x128xf32> to vector<128xf32>
    %broadcast_in_dim3A_35 = vector.shape_cast %reduce_sum3A_34 : vector<128xf32> to vector<1x128xf32>
    %div3A = arith.constant 6.400000e+01 : f32
    %div3A_36 = vector.broadcast %div3A : f32 to vector<1x128xf32>
    %div3A_37 = arith.divf %broadcast_in_dim3A_35, %div3A_36 : vector<1x128xf32>
    %sub3A = vector.broadcast %div3A_37 : vector<1x128xf32> to vector<64x128xf32>
    %sub3A_38 = arith.subf %dot_general3A_33, %sub3A : vector<64x128xf32>
    %integer_pow3A = arith.mulf %sub3A_38, %sub3A_38 : vector<64x128xf32>
    %reduce_sum3A_39 = arith.constant dense<0.000000e+00> : vector<128xf32>
    %reduce_sum3A_40 = vector.multi_reduction <add>, %integer_pow3A, %reduce_sum3A_39 [0] : vector<64x128xf32> to vector<128xf32>
    %broadcast_in_dim3A_41 = vector.shape_cast %reduce_sum3A_40 : vector<128xf32> to vector<1x128xf32>
    %div3A_42 = arith.constant 6.400000e+01 : f32
    %div3A_43 = vector.broadcast %div3A_42 : f32 to vector<1x128xf32>
    %div3A_44 = arith.divf %broadcast_in_dim3A_41, %div3A_43 : vector<1x128xf32>
    %sub3A_45 = vector.broadcast %div3A_37 : vector<1x128xf32> to vector<64x128xf32>
    %sub3A_46 = arith.subf %dot_general3A_33, %sub3A_45 : vector<64x128xf32>
    %add3A_47 = arith.constant 9.99999974E-6 : f32
    %add3A_48 = vector.broadcast %add3A_47 : f32 to vector<1x128xf32>
    %add3A_49 = arith.addf %div3A_44, %add3A_48 : vector<1x128xf32>
    %rsqrt3A_50 = math.rsqrt %add3A_49 : vector<1x128xf32>
    %mul3A_51 = vector.broadcast %rsqrt3A_50 : vector<1x128xf32> to vector<64x128xf32>
    %mul3A_52 = arith.mulf %sub3A_46, %mul3A_51 : vector<64x128xf32>
    %add3A_53 = arith.constant 9.99999974E-5 : f32
    %add3A_54 = vector.broadcast %add3A_53 : f32 to vector<64x128xf32>
    %add3A_55 = arith.addf %mul3A_52, %add3A_54 : vector<64x128xf32>
    %get3A_56 = arith.constant 0 : index
    %get3A_57 = arith.constant 0 : index
    %get3A_58 = vector.load %arg5[%get3A_56, %get3A_57] : memref<128x128xf32, #tpu.memory_space<vmem>>, vector<128x128xf32>
    %dot_general3A_59 = arith.constant dense<0.000000e+00> : vector<64x128xf32>
    %dot_general3A_60 = tpu.matmul %add3A_55, %get3A_58, %dot_general3A_59 {dimension_numbers = #tpu.dot_dimension_numbers<[1], [0], [0], [1], [0, 0, 1, 1], [], []>, transpose_lhs_hint = false} : vector<64x128xf32>, vector<128x128xf32>, vector<64x128xf32> -> vector<64x128xf32>
    %get3A_61 = arith.constant 0 : index
    %get3A_62 = arith.constant 0 : index
    %get3A_63 = vector.load %arg6[%get3A_61, %get3A_62] : memref<1x128xf32, #tpu.memory_space<vmem>>, vector<1x128xf32>
    %add3A_64 = vector.broadcast %get3A_63 : vector<1x128xf32> to vector<64x128xf32>
    %add3A_65 = arith.addf %dot_general3A_60, %add3A_64 : vector<64x128xf32>
    %max3A_66 = arith.constant 0.000000e+00 : f32
    %max3A_67 = vector.broadcast %max3A_66 : f32 to vector<64x128xf32>
    %max3A_68 = arith.maximumf %add3A_65, %max3A_67 : vector<64x128xf32>
    %reduce_sum3A_69 = arith.constant dense<0.000000e+00> : vector<128xf32>
    %reduce_sum3A_70 = vector.multi_reduction <add>, %max3A_68, %reduce_sum3A_69 [0] : vector<64x128xf32> to vector<128xf32>
    %broadcast_in_dim3A_71 = vector.shape_cast %reduce_sum3A_70 : vector<128xf32> to vector<1x128xf32>
    %div3A_72 = arith.constant 6.400000e+01 : f32
    %div3A_73 = vector.broadcast %div3A_72 : f32 to vector<1x128xf32>
    %div3A_74 = arith.divf %broadcast_in_dim3A_71, %div3A_73 : vector<1x128xf32>
    %sub3A_75 = vector.broadcast %div3A_74 : vector<1x128xf32> to vector<64x128xf32>
    %sub3A_76 = arith.subf %max3A_68, %sub3A_75 : vector<64x128xf32>
    %integer_pow3A_77 = arith.mulf %sub3A_76, %sub3A_76 : vector<64x128xf32>
    %reduce_sum3A_78 = arith.constant dense<0.000000e+00> : vector<128xf32>
    %reduce_sum3A_79 = vector.multi_reduction <add>, %integer_pow3A_77, %reduce_sum3A_78 [0] : vector<64x128xf32> to vector<128xf32>
    %broadcast_in_dim3A_80 = vector.shape_cast %reduce_sum3A_79 : vector<128xf32> to vector<1x128xf32>
    %div3A_81 = arith.constant 6.400000e+01 : f32
    %div3A_82 = vector.broadcast %div3A_81 : f32 to vector<1x128xf32>
    %div3A_83 = arith.divf %broadcast_in_dim3A_80, %div3A_82 : vector<1x128xf32>
    %sub3A_84 = vector.broadcast %div3A_74 : vector<1x128xf32> to vector<64x128xf32>
    %sub3A_85 = arith.subf %max3A_68, %sub3A_84 : vector<64x128xf32>
    %add3A_86 = arith.constant 9.99999974E-6 : f32
    %add3A_87 = vector.broadcast %add3A_86 : f32 to vector<1x128xf32>
    %add3A_88 = arith.addf %div3A_83, %add3A_87 : vector<1x128xf32>
    %rsqrt3A_89 = math.rsqrt %add3A_88 : vector<1x128xf32>
    %mul3A_90 = vector.broadcast %rsqrt3A_89 : vector<1x128xf32> to vector<64x128xf32>
    %mul3A_91 = arith.mulf %sub3A_85, %mul3A_90 : vector<64x128xf32>
    %add3A_92 = arith.constant 9.99999974E-5 : f32
    %add3A_93 = vector.broadcast %add3A_92 : f32 to vector<64x128xf32>
    %add3A_94 = arith.addf %mul3A_91, %add3A_93 : vector<64x128xf32>
    %get3A_95 = arith.constant 0 : index
    %get3A_96 = arith.constant 0 : index
    %get3A_97 = vector.load %arg7[%get3A_95, %get3A_96] : memref<128x10xf32, #tpu.memory_space<vmem>>, vector<128x10xf32>
    %dot_general3A_98 = arith.constant dense<0.000000e+00> : vector<64x10xf32>
    %dot_general3A_99 = tpu.matmul %add3A_94, %get3A_97, %dot_general3A_98 {dimension_numbers = #tpu.dot_dimension_numbers<[1], [0], [0], [1], [0, 0, 1, 1], [], []>, transpose_lhs_hint = false} : vector<64x128xf32>, vector<128x10xf32>, vector<64x10xf32> -> vector<64x10xf32>
    %get3A_100 = arith.constant 0 : index
    %get3A_101 = arith.constant 0 : index
    %get3A_102 = vector.load %arg8[%get3A_100, %get3A_101] : memref<1x10xf32, #tpu.memory_space<vmem>>, vector<1x10xf32>
    %add3A_103 = vector.broadcast %get3A_102 : vector<1x10xf32> to vector<64x10xf32>
    %add3A_104 = arith.addf %dot_general3A_99, %add3A_103 : vector<64x10xf32>
    %reduce_max3A = arith.constant dense<0xFF800000> : vector<64xf32>
    %reduce_max3A_105 = vector.multi_reduction <maximumf>, %add3A_104, %reduce_max3A [1] : vector<64x10xf32> to vector<64xf32>
    %broadcast_in_dim3A_106 = vector.shape_cast %reduce_max3A_105 : vector<64xf32> to vector<64x1xf32>
    %sub3A_107 = vector.broadcast %broadcast_in_dim3A_106 : vector<64x1xf32> to vector<64x10xf32>
    %sub3A_108 = arith.subf %add3A_104, %sub3A_107 : vector<64x10xf32>
    %exp3A = math.exp %sub3A_108 : vector<64x10xf32>
    %reduce_sum3A_109 = arith.constant dense<0.000000e+00> : vector<64xf32>
    %reduce_sum3A_110 = vector.multi_reduction <add>, %exp3A, %reduce_sum3A_109 [1] : vector<64x10xf32> to vector<64xf32>
    %broadcast_in_dim3A_111 = vector.shape_cast %reduce_sum3A_110 : vector<64xf32> to vector<64x1xf32>
    %log3A = math.log %broadcast_in_dim3A_111 : vector<64x1xf32>
    %add3A_112 = arith.addf %broadcast_in_dim3A_106, %log3A : vector<64x1xf32>
    %sub3A_113 = vector.broadcast %add3A_112 : vector<64x1xf32> to vector<64x10xf32>
    %sub3A_114 = arith.subf %add3A_104, %sub3A_113 : vector<64x10xf32>
    %swap3A = arith.constant 0 : index
    %swap3A_115 = arith.constant 0 : index
    %swap3A_116 = vector.load %arg9[%swap3A, %swap3A_115] : memref<64x10xf32, #tpu.memory_space<vmem>>, vector<64x10xf32>
    tpu.vector_store %arg9[%swap3A, %swap3A_115], %sub3A_114 {strides = array<i32>} : memref<64x10xf32, #tpu.memory_space<vmem>>, vector<64x10xf32>,
    return
  }
}

</mosaic_0001>

<sc_bundles>
// kernel: kernel.11.cloned.1.call-start
scs
__scs_entry_jumppad:
0x0: {  	(pc) =	sbr.rel $0x88, $3  }
0x1: {  	(tag) =	ssettag $0x0;
	lr =	simm.s32 $0x1  }
0x2: {  	[smem:$0x3F93] =	sst lr;
	_ =	strace $0xD0000000  }
0x3: {  	_ = 	snop  }
0x4: {  	_ = 	snop  }
0x5: {  	_ = 	snop  }
0x6: {  	_ = 	snop  }
0x7: {  	_ = 	snop  }
__scs_overlays_trampoline_lowered:
0x8: {  	[smem:$0x3FA2] =	sst s0  }
0x9: {  	[smem:$0x3FA3] =	sst s1  }
0xa: {  	[smem:$0x3FA4] =	sst s2  }
0xb: {  	[smem:$0x3FA5] =	sst s3  }
0xc: {  	[smem:$0x3FA6] =	sst s4  }
0xd: {  	[smem:$0x3FA7] =	sst s5  }
0xe: {  	[smem:$0x3FA8] =	sst s6  }
0xf: {  	[smem:$0x3FA9] =	sst s7  }
0x10: {  	[smem:$0x3FAA] =	sst s8  }
0x11: {  	[smem:$0x3FAB] =	sst s9;
	s0 =	simm.s32 @!p0 $0x0  }
0x12: {  	s1 =	sld [smem:$0x3F91];
	s0 =	simm.s32 @p0 $0x1  }
0x13: {  	[smem:$0x3FAC] =	sst s0;
	s0 =	simm.s32 @!p1 $0x0  }
0x14: {  	s2 =	sld [smem:$0x3F90];
	s0 =	simm.s32 @p1 $0x1  }
0x15: {  	[smem:$0x3FAD] =	sst s0;
	s0 =	simm.s32 @!p2 $0x0  }
0x16: {  	s3 =	sld [smem:$0x3FDB];
	s0 =	simm.s32 @p2 $0x1  }
0x17: {  	s4 =	simm.s32 $0x1BF5;
	[smem:$0x3FAF] =	sst s0  }
0x18: {  	s0 =	sld [smem:$0x3F92];
	_ =	swait.ge [sflag:s4], $0x0  }
0x19: {  	s7 =	sld [smem:$0x3F93]  }
0x1a: {  	s8 =	sadd.s32 $0xFFFFE003, lr  }
0x1b: {  	s9 =	sadd.s32 $0xFFFFFEF7, lr;
	s5 =	simm.s32 $0xFFFFFFFF;
	p2 =	slt.u32 s8, $0xFFFFF086  }
0x1c: {  	p1 =	slt.u32 s9, $0xF7A;
	s5 =	simm.s32 @!p2 $0x0  }
0x1d: {  	s5 =	simm.s32 @p1 $0x1;
	p0 =	seq.s32 s7, s2  }
0x1e: {  	s7 =	smul.u32 @!p0 $0xF7A, s2;
	p2 =	seq.s32 @!p0 s5, $0x0  }
0x1f: {  	s9 =	smul.u32 $0xF7A, s1;
	s8 =	simm.s32 @!p0 $0x1BF5;
	p2 =	por !p2, p0  }
0x20: {  	[sflag:s8] =	ssyncset.s32 @!p0 $0xFFFFF086;
	s6 =	sadd.s32 @!p0 s3, s7;
	s7 =	simm.s32 @!p0 $0x108  }
0x21: {  	s3 =	sadd.s32 s3, s9;
	s6 =	sadd.s32 @!p0 $0x88, s6;
	s7 =	simm.s32 @p2 $0x1082  }
0x22: {  	[simem:s7], [sflag:s8] =	dma.local @!p0 [hbm:s6], $0xF7A  }
0x23: {  	s9 =	sor.u32 $0xD0000000, s2;
	s6 =	simm.s32 $0x108;
	_ =	swait.ge @!p0 [sflag:s8], $0x0  }
0x24: {  	s3 =	sadd.s32 $0x88, s3;
	s6 =	simm.s32 @!p1 $0x1082;
	[sflag:s4] =	ssyncset.s32 $0xFFFFF086  }
0x25: {  	[simem:s6], [sflag:s4] =	dma.local [hbm:s3], $0xF7A  }
0x26: {  	[smem:$0x3F93] =	sst s1;
	(tag) =	ssettag s2;
	_ =	strace s9  }
0x27: {  	s1 =	sld [smem:$0x3FA3]  }
0x28: {  	s2 =	sld [smem:$0x3FA4]  }
0x29: {  	s4 =	sld [smem:$0x3FA6]  }
0x2a: {  	p0 =	seq.s32 s5, $0x0;
	s5 =	sld [smem:$0x3FA7]  }
0x2b: {  	s6 =	sld [smem:$0x3FA8]  }
0x2c: {  	s7 =	sld [smem:$0x3FA9]  }
0x2d: {  	s3 =	simm.s32 $0x108;
	s8 =	sld [smem:$0x3FAA]  }
0x2e: {  	s3 =	simm.s32 @!p0 $0x1082;
	s9 =	sld [smem:$0x3FAB]  }
0x2f: {  	lr =	sadd.s32 s0, s3;
	s0 =	sld [smem:$0x3FA2]  }
0x30: {  	s3 =	sld [smem:$0x3FA5]  }
0x31: {  	[smem:$0x3FAE] =	sst s10  }
0x32: {  	s10 =	sld [smem:$0x3FAC];
	_ =	sdelay $0x3  }
0x33: {  	p0 =	seq.s32 s10, $0x1;
	s10 =	sld [smem:$0x3FAE];
	_ =	sdelay $0x3  }
0x34: {  	[smem:$0x3FAE] =	sst s10  }
0x35: {  	s10 =	sld [smem:$0x3FAD];
	_ =	sdelay $0x3  }
0x36: {  	p1 =	seq.s32 s10, $0x1;
	s10 =	sld [smem:$0x3FAE];
	_ =	sdelay $0x3  }
0x37: {  	[smem:$0x3FAE] =	sst s10  }
0x38: {  	s10 =	sld [smem:$0x3FAF]  }
0x39: {  	_ = 	snop;
	(pc) =	sbr.ind lr, $3  }
0x3a: {  	_ = 	snop  }
0x3b: {  	_ = 	snop  }
0x3c: {  	p2 =	seq.s32 s10, $0x1;
	s10 =	sld [smem:$0x3FAE]  }
0x3d: {  	_ =	shalt  }
0x3e: {  	_ =	shalt  }
0x3f: {  	_ =	shalt  }
0x40: {  	_ =	shalt  }
0x41: {  	_ =	shalt  }
0x42: {  	_ =	shalt  }
0x43: {  	_ =	shalt  }
0x44: {  	_ =	shalt  }
0x45: {  	_ =	shalt  }
0x46: {  	_ =	shalt  }
0x47: {  	_ =	shalt  }
0x48: {  	_ =	shalt  }
0x49: {  	_ =	shalt  }
0x4a: {  	_ =	shalt  }
0x4b: {  	_ =	shalt  }
0x4c: {  	_ =	shalt  }
0x4d: {  	_ =	shalt  }
0x4e: {  	_ =	shalt  }
0x4f: {  	_ =	shalt  }
0x50: {  	_ =	shalt  }
0x51: {  	_ =	shalt  }
0x52: {  	_ =	shalt  }
0x53: {  	_ =	shalt  }
0x54: {  	_ =	shalt  }
0x55: {  	_ =	shalt  }
0x56: {  	_ =	shalt  }
0x57: {  	_ =	shalt  }
0x58: {  	_ =	shalt  }
0x59: {  	_ =	shalt  }
0x5a: {  	_ =	shalt  }
0x5b: {  	_ =	shalt  }
0x5c: {  	_ =	shalt  }
0x5d: {  	_ =	shalt  }
0x5e: {  	_ =	shalt  }
0x5f: {  	_ =	shalt  }
0x60: {  	_ =	shalt  }
0x61: {  	_ =	shalt  }
0x62: {  	_ =	shalt  }
0x63: {  	_ =	shalt  }
0x64: {  	_ =	shalt  }
0x65: {  	_ =	shalt  }
0x66: {  	_ =	shalt  }
0x67: {  	_ =	shalt  }
0x68: {  	_ =	shalt  }
0x69: {  	_ =	shalt  }
0x6a: {  	_ =	shalt  }
0x6b: {  	_ =	shalt  }
0x6c: {  	_ =	shalt  }
0x6d: {  	_ =	shalt  }
0x6e: {  	_ =	shalt  }
0x6f: {  	_ =	shalt  }
0x70: {  	_ =	shalt  }
0x71: {  	_ =	shalt  }
0x72: {  	_ =	shalt  }
0x73: {  	_ =	shalt  }
0x74: {  	_ =	shalt  }
0x75: {  	_ =	shalt  }
0x76: {  	_ =	shalt  }
0x77: {  	_ =	shalt  }
0x78: {  	_ =	shalt  }
0x79: {  	_ =	shalt  }
0x7a: {  	_ =	shalt  }
0x7b: {  	_ =	shalt  }
0x7c: {  	_ =	shalt  }
0x7d: {  	_ =	shalt  }
0x7e: {  	_ =	shalt  }
0x7f: {  	_ =	shalt  }
0x80: {  	_ =	shalt  }
0x81: {  	_ =	shalt  }
0x82: {  	_ =	shalt  }
0x83: {  	_ =	shalt  }
0x84: {  	_ =	shalt  }
0x85: {  	_ =	shalt  }
0x86: {  	_ =	shalt  }
0x87: {  	_ =	shalt  }
.Lfunc_end0:
.L_simem_size_0:
called_computation_lowered:
.L_overlay_start_0:
0x88: {  	s2 =	sld [smem:$0x3FD9]  }
0x89: {  	s3 =	sld [smem:$0x3FFE];
	_ =	sdelay $0x1  }
0x8a: {  	s1 =	srdreg.scid  }
0x8b: {  	s0 =	sand.u32 $0x1, s1  }
0x8c: {  	s16 =	sshll.u32 s0, $0xA;
	s2 =	sadd.s32 s3, s2  }
0x8d: {  	s2 =	sadd.s32 s2, s16  }
0x8e: {  	[smem:$0x3FBA] =	sst s2  }
0x8f: {  	_ = 	snop  }
0x90: {  	(tm) =	ssettm $0x1  }
0x91: {  	s17 =	sld [smem:$0x3FFB];
	_ =	sdelay $0x3  }
0x92: {  	_ =	strace s17  }
0x93: {  	s2 =	sld [smem:$0x3FFC];
	_ =	sdelay $0x3  }
0x94: {  	_ =	strace s2  }
0x95: {  	s2 =	sld [smem:$0x3FFD];
	_ =	sdelay $0x3  }
0x96: {  	_ =	strace s2  }
0x97: {  	_ =	strace $0x8FFFFFFF  }
0x98: {  	s18 =	sld [smem:$0x3FDB];
	_ =	sdelay $0x1  }
0x99: {  	s19 =	simm.s32 $_scs_section_size  }
0x9a: {  	s4 =	simm.s32 $_size__tile_overlayer_lowered;
	s5 =	simm.s32 $_tile_overlayer_lowered  }
0x9b: {  	s22 =	simm.s32 $0x1BFF;
	s21 =	sshll.u32 s5, $0x1;
	s2 =	sadd.s32 s19, s18  }
0x9c: {  	s6 =	simm.s32 $0x0;
	s20 =	sshll.u32 s4, $0x1;
	s4 =	sadd.s32 s21, s2  }
0x9d: {  	[timem:s6], [sflag:s22] =	dma.local [hbm:s4], s20  }
0x9e: {  	_ =	swait.ge [sflag:s22], s20  }
0x9f: {  	s3 =	ssub.s32 $0x0, s20;
	[sflag:s22] =	ssyncset.done $0x0  }
0xa0: {  	[sflag:s22] =	ssyncadd.s32 s3;
	_ =	sdelay $0x1  }
0xa1: {  	s23 =	simm.s32 $0x1B8B  }
0xa2: {  	_ =	swait.ge [sflag:s23], $0x1  }
0xa3: {  	[sflag:s23] =	ssyncset.done $0x0  }
0xa4: {  	s25 =	simm.s32 $0x1B8E;
	s24 =	sld [smem:$0x3FFE];
	[sflag:s23] =	ssyncadd.s32 $0xFFFFFFFF  }
0xa5: {  	s26 =	simm.s32 $execute0_lowered;
	[smem:$0x3FD2] =	sst s25  }
0xa6: {  	s4 =	sshll.u32 s26, $0x1;
	_ =	strace $0x80000046;
	[dreg:$0x1] =	wrdreg $0xFFFFFFFF  }
0xa7: {  	s28 =	simm.s32 $_size_execute0_lowered;
	s2 =	sadd.s32 s2, s4;
	[dreg:$0x0] =	wrdreg $0x0  }
0xa8: {  	s4 =	sshll.u32 s28, $0x1;
	[dreg:$0x2] =	wrdreg s2  }
0xa9: {  	[dreg:$0x3] =	wrdreg s4  }
0xaa: {  	[dreg:$0x4] =	wrdreg $0xC0  }
0xab: {  	_ =	task [dreg:s6], $0x5FFFF  }
0xac: {  	[dreg:$0x1] =	wrdreg $0xFFFFFFFF  }
0xad: {  	[dreg:$0x0] =	wrdreg $0x60  }
0xae: {  	[dreg:$0x2] =	wrdreg s24  }
0xaf: {  	[dreg:$0x3] =	wrdreg $0x66800  }
0xb0: {  	[dreg:$0x4] =	wrdreg $0x9  }
0xb1: {  	_ =	task.clear_ibuf [dreg:s6], $0x5FFFF;
	_ =	strace $0x90000046  }
0xb2: {  	s29 =	simm.s32 $0x9;
	_ =	strace $0x80000048  }
0xb3: {  	_ =	swait.ge [sflag:s29], $0x1  }
0xb4: {  	[sflag:s29] =	ssyncadd.s32 $0xFFFFFFFF  }
0xb5: {  	_ =	strace $0x90000048  }
0xb6: {  	_ =	sfence  }
0xb7: {  	s30 =	sld [smem:$0x0];
	_ =	sdelay $0x2  }
0xb8: {  	s31 =	sshll.u32 s1, $0xD;
	s1 =	sshrl.u32 s1, $0x2  }
0xb9: {  	s3 =	sand.u32 $0x4000, s31;
	s1 =	sadd.s32 s1, s30  }
0xba: {  	s0 =	sor.u32 s3, s0;
	s1 =	sshll.u32 s1, $0x11  }
0xbb: {  	s0 =	sor.u32 s1, s0  }
0xbc: {  	s0 =	sadd.s32 $0x8F2B, s0  }
0xbd: {  	[sflag:s0] =	ssyncadd.remote.s32 $0x1  }
0xbe: {  	_ =	sfence.sel $0xFFFF  }
0xbf: {  	[dreg:$0x0] =	wrdreg $0xFFFFFFFF;
	(pc) =	sbr.abs _section_cstart, $3  }
0xc0: {  	[dreg:$0x1] =	wrdreg $0xFFFFFFFF  }
0xc1: {  	_ =	task.clear_ibuf [dreg:s6], $0x2FFFF;
	_ =	strace $0x9FFFFFFF  }
0xc2: {  	(tm) =	ssettm $0x7FFFFFFF  }
0xc3: {  	_ =	shalt  }
tec
execute0_lowered:
.L_overlay_start_1:
0x0: {  	(tag) =	ssettag $0x1  }
0x1: {  	s1 =	srdreg.scid;
	s4 =	rddreg [dreg:$0x0]  }
0x2: {  	s0 =	stileid.u32;
	s6 =	rddreg [dreg:$0x1];
	s2 =	simm.s32 $0x0  }
0x3: {  	s12 =	simm.s32 $0x400;
	s13 =	simm.s32 $0x14000;
	s14 =	simm.s32 $0x3C00  }
0x4: {  	s15 =	simm.s32 $0x6400;
	s5 =	sand.u32 $0x1, s1;
	s1 =	rddreg [dreg:$0x2]  }
0x5: {  	s16 =	simm.s32 $0x0;
	s3 =	smul.u32 $0x280, s0;
	[smem:$0x7FF] =	sst s2  }
0x6: {  	v0 =	vimm.s32 $0xFFEDCBA9;
	v1 =	vimm.s32 $0x87654321;
	s8 =	sshrl.u32 s0, $0x3;
	s10 =	sshll.u32 s0, $0x1;
	s30 =	smul.u32 $0x5000, s0  }
0x7: {  	v0 =	vunpack.c.l.s4.s8 v0;
	v1 =	vunpack.c.l.s4.s8 v1;
	s31 =	sshll.u32 s0, $0x7;
	s7 =	smul.u32 $0x2800, s5;
	_ =	strace $0x80000047  }
0x8: {  	v2 =	vimm.s32 $0xEDCBA987;
	v3 =	vimm.s32 $0x65432100;
	s28 =	ssub.s32 $0x2, s5;
	s8 =	smul.u32 $0x50000, s8;
	s29 =	sor.u32 s5, s10  }
0x9: {  	v2 =	vunpack.c.l.s4.s8 v2;
	s10 =	sand.u32 $0x380, s31;
	s9 =	sshrl.u32 s28, $0x1;
	v0 =	vunpack.c.0.s8.s32 v0;
	v1 =	vunpack.c.0.s8.s32 v1;
	s11 =	sshrl.u32 s30, $0x2  }
0xa: {  	v3 =	vunpack.c.l.s4.s8 v3;
	s7 =	sadd.s32 s3, s7;
	s3 =	sadd.s32 $0x4200, s4;
	s8 =	sshrl.u32 s8, $0x2  }
0xb: {  	v2 =	vunpack.c.0.s8.s32 v2;
	s9 =	ssub.s32 s28, s9;
	s7 =	sshrl.u32 s7, $0x3;
	s8 =	sadd.s32 s8, s6;
	v4 =	vcombine.low v1, v0  }
0xc: {  	vm0 =	vcmask $0x3F3C;
	v3 =	vunpack.c.0.s8.s32 v3;
	s6 =	sadd.s32 s11, s6;
	v0 =	vimm.f32 $0.0e+00;
	s11 =	simm.s32 $0x80;
	s7 =	sadd.s32 s7, s4  }
0xd: {  	v1 =	vand.u32 $0xF, v2;
	s4 =	smul.u32 $0x2800, s29;
	s5 =	sadd.s32 s10, s8;
	s8 =	smax.u32 s9, $0x1;
	v2 =	vand.u32 $0xF, v4;
	v4 =	vlaneseq.u32  }
0xe: {  	s9 =	simm.s32 $0x1;
	s10 =	simm.s32 $0x1400;
	v1 =	vcombine.low v3, v1;
	s7 =	sadd.s32 $0x18200, s7;
	v3 =	vor.u32 $0x80000000, v4;
	v4 =	vadd.s32 $0x1, v4  }
.LBB2_1:
0xf: {  	s17 =	simm.s32 $0x0  }
.LBB2_2:
0x10: {  	p0 =	sne.s32 s17, $0x9FC0  }
.Ltmp0:
0x11: {  	_ = 	snop;
	(pc) =	sbr.rel @p0 .LBB2_2-.Ltmp0, $3  }
0x12: {  	_ =	sdelay $0x1  }
0x13: {  	s18 =	sshra.s32 s17, $0x2  }
0x14: {  	s17 =	sadd.s32 $0x40, s17;
	[tilespmem:s18+$0x1400] =	vst v0  }
0x15: {  	s17 =	simm.s32 $0x0;
	p1 =	por $0x1, $0x1;
	s18 =	simm.s32 $0x0  }
.LBB2_4:
0x16: {  	s18 =	sadd.s32 s4, s18  }
0x17: {  	s18 =	sshrl.u32 s18, $0x3  }
0x18: {  	s18 =	sadd.s32 s3, s18  }
0x19: {  	[tilespmem:s17], [sflag:$0x1] =	stream.linear.gather [hbm4b:s18+s17], $0x1400, $0x38;
	[tilespmem:$0x8E80] =	vst v63  }
0x1a: {  	_ =	swait.ge [sflag:s9], $0x1400  }
0x1b: {  	[sflag:s9] =	ssyncset.done $0x0  }
0x1c: {  	p0 =	por p1, p1;
	s18 =	simm.s32 $0x0;
	[sflag:s9] =	ssyncadd.s32 $0xFFFFEC00  }
.LBB2_5:
0x1d: {  	s19 =	sshra.s32 s18, $0x2  }
0x1e: {  	v5 =	vld [tilespmem:s19+$0x0];
	_ =	sdelay $0x4  }
0x1f: {  	v6 =	vxor.u32 $0x80000000, v5  }
0x20: {  	(xrf1) =	vsort.ascd.msk.u32 $0xffff, v6, v5;
	_ =	sdelay $0xd  }
0x21: {  	v5, _, _ =	vpop (xrf1)  }
0x22: {  	v5 =	vxor.u32 $0x80000000, v5  }
0x23: {  	v6 =	vperm.xlane v5, v1;
	_ =	sdelay $0x1  }
0x24: {  	vm1 =	veq.s32 v5, v6  }
0x25: {  	v6 =	vsel vm1, $0x80000000, v3  }
0x26: {  	(xrf0) =	vmax.scan.msk.u32 $0xffff, v6;
	_ =	sdelay $0x1  }
0x27: {  	v6 =	vperm.xlane v5, v2;
	_ =	sdelay $0x1  }
0x28: {  	vm1 =	vne.s32 v5, v6  }
0x29: {  	vm1 =	vmor vm1, vm0  }
0x2a: {  	v6, _, _ =	vpop (xrf0)  }
0x2b: {  	v6 =	vxor.u32 $0x80000000, v6  }
0x2c: {  	v6 =	vsub.s32 v4, v6  }
0x2d: {  	v6 =	vcvt.s32.f32 v6;
	_ =	sdelay $0x1  }
0x2e: {  	[tilespmem:v5+s10+$0x0] =	vst.idx.add.f32.msk vm1, v6  }
0x2f: {  	v5 =	vld [tilespmem:s19+$0x10];
	_ =	sdelay $0x4  }
0x30: {  	v6 =	vxor.u32 $0x80000000, v5  }
0x31: {  	(xrf1) =	vsort.ascd.msk.u32 $0xffff, v6, v5;
	_ =	sdelay $0xd  }
0x32: {  	v5, _, _ =	vpop (xrf1)  }
0x33: {  	v5 =	vxor.u32 $0x80000000, v5  }
0x34: {  	v6 =	vperm.xlane v5, v1;
	_ =	sdelay $0x1  }
0x35: {  	vm1 =	veq.s32 v5, v6  }
0x36: {  	v6 =	vsel vm1, $0x80000000, v3  }
0x37: {  	(xrf0) =	vmax.scan.msk.u32 $0xffff, v6;
	_ =	sdelay $0x1  }
0x38: {  	v6 =	vperm.xlane v5, v2;
	_ =	sdelay $0x1  }
0x39: {  	vm1 =	vne.s32 v5, v6  }
0x3a: {  	vm1 =	vmor vm1, vm0  }
0x3b: {  	v6, _, _ =	vpop (xrf0)  }
0x3c: {  	v6 =	vxor.u32 $0x80000000, v6  }
0x3d: {  	v6 =	vsub.s32 v4, v6  }
0x3e: {  	v6 =	vcvt.s32.f32 v6;
	_ =	sdelay $0x1  }
0x3f: {  	[tilespmem:v5+s10+$0x0] =	vst.idx.add.f32.msk vm1, v6  }
0x40: {  	v5 =	vld [tilespmem:s19+$0x20];
	_ =	sdelay $0x4  }
0x41: {  	v6 =	vxor.u32 $0x80000000, v5  }
0x42: {  	(xrf1) =	vsort.ascd.msk.u32 $0xffff, v6, v5;
	_ =	sdelay $0xd  }
0x43: {  	v5, _, _ =	vpop (xrf1)  }
0x44: {  	v5 =	vxor.u32 $0x80000000, v5  }
0x45: {  	v6 =	vperm.xlane v5, v1;
	_ =	sdelay $0x1  }
0x46: {  	vm1 =	veq.s32 v5, v6  }
0x47: {  	v6 =	vsel vm1, $0x80000000, v3  }
0x48: {  	(xrf0) =	vmax.scan.msk.u32 $0xffff, v6;
	_ =	sdelay $0x1  }
0x49: {  	v6 =	vperm.xlane v5, v2;
	_ =	sdelay $0x1  }
0x4a: {  	vm1 =	vne.s32 v5, v6  }
0x4b: {  	vm1 =	vmor vm1, vm0  }
0x4c: {  	v6, _, _ =	vpop (xrf0)  }
0x4d: {  	v6 =	vxor.u32 $0x80000000, v6  }
0x4e: {  	v6 =	vsub.s32 v4, v6  }
0x4f: {  	v6 =	vcvt.s32.f32 v6;
	_ =	sdelay $0x1  }
0x50: {  	[tilespmem:v5+s10+$0x0] =	vst.idx.add.f32.msk vm1, v6  }
0x51: {  	v5 =	vld [tilespmem:s19+$0x30];
	_ =	sdelay $0x4  }
0x52: {  	v6 =	vxor.u32 $0x80000000, v5  }
0x53: {  	(xrf1) =	vsort.ascd.msk.u32 $0xffff, v6, v5;
	_ =	sdelay $0xd  }
0x54: {  	v5, _, _ =	vpop (xrf1)  }
0x55: {  	v5 =	vxor.u32 $0x80000000, v5  }
0x56: {  	v6 =	vperm.xlane v5, v1;
	_ =	sdelay $0x1  }
0x57: {  	vm1 =	veq.s32 v5, v6  }
0x58: {  	v6 =	vsel vm1, $0x80000000, v3  }
0x59: {  	(xrf0) =	vmax.scan.msk.u32 $0xffff, v6;
	_ =	sdelay $0x1  }
0x5a: {  	v6 =	vperm.xlane v5, v2;
	_ =	sdelay $0x1  }
0x5b: {  	vm1 =	vne.s32 v5, v6  }
0x5c: {  	vm1 =	vmor vm1, vm0  }
0x5d: {  	v6, _, _ =	vpop (xrf0)  }
0x5e: {  	v6 =	vxor.u32 $0x80000000, v6  }
0x5f: {  	v6 =	vsub.s32 v4, v6  }
0x60: {  	v6 =	vcvt.s32.f32 v6;
	_ =	sdelay $0x1  }
0x61: {  	[tilespmem:v5+s10+$0x0] =	vst.idx.add.f32.msk vm1, v6  }
0x62: {  	v5 =	vld [tilespmem:s19+$0x40];
	_ =	sdelay $0x4  }
0x63: {  	v6 =	vxor.u32 $0x80000000, v5  }
0x64: {  	(xrf1) =	vsort.ascd.msk.u32 $0xffff, v6, v5;
	_ =	sdelay $0xd  }
0x65: {  	v5, _, _ =	vpop (xrf1)  }
0x66: {  	v5 =	vxor.u32 $0x80000000, v5  }
0x67: {  	v6 =	vperm.xlane v5, v1;
	_ =	sdelay $0x1  }
0x68: {  	vm1 =	veq.s32 v5, v6  }
0x69: {  	v6 =	vsel vm1, $0x80000000, v3  }
0x6a: {  	(xrf0) =	vmax.scan.msk.u32 $0xffff, v6;
	_ =	sdelay $0x1  }
0x6b: {  	v6 =	vperm.xlane v5, v2;
	_ =	sdelay $0x1  }
0x6c: {  	vm1 =	vne.s32 v5, v6  }
0x6d: {  	vm1 =	vmor vm1, vm0  }
0x6e: {  	v6, _, _ =	vpop (xrf0)  }
0x6f: {  	v6 =	vxor.u32 $0x80000000, v6  }
0x70: {  	v6 =	vsub.s32 v4, v6  }
0x71: {  	v6 =	vcvt.s32.f32 v6;
	_ =	sdelay $0x1  }
0x72: {  	[tilespmem:v5+s10+$0x0] =	vst.idx.add.f32.msk vm1, v6  }
0x73: {  	v5 =	vld [tilespmem:s19+$0x50];
	_ =	sdelay $0x4  }
0x74: {  	v6 =	vxor.u32 $0x80000000, v5  }
0x75: {  	(xrf1) =	vsort.ascd.msk.u32 $0xffff, v6, v5;
	_ =	sdelay $0xd  }
0x76: {  	v5, _, _ =	vpop (xrf1)  }
0x77: {  	v5 =	vxor.u32 $0x80000000, v5  }
0x78: {  	v6 =	vperm.xlane v5, v1;
	_ =	sdelay $0x1  }
0x79: {  	vm1 =	veq.s32 v5, v6  }
0x7a: {  	v6 =	vsel vm1, $0x80000000, v3  }
0x7b: {  	(xrf0) =	vmax.scan.msk.u32 $0xffff, v6;
	_ =	sdelay $0x1  }
0x7c: {  	v6 =	vperm.xlane v5, v2;
	_ =	sdelay $0x1  }
0x7d: {  	vm1 =	vne.s32 v5, v6  }
0x7e: {  	vm1 =	vmor vm1, vm0  }
0x7f: {  	v6, _, _ =	vpop (xrf0)  }
0x80: {  	v6 =	vxor.u32 $0x80000000, v6  }
0x81: {  	v6 =	vsub.s32 v4, v6  }
0x82: {  	v6 =	vcvt.s32.f32 v6;
	_ =	sdelay $0x1  }
0x83: {  	[tilespmem:v5+s10+$0x0] =	vst.idx.add.f32.msk vm1, v6  }
0x84: {  	v5 =	vld [tilespmem:s19+$0x60];
	_ =	sdelay $0x4  }
0x85: {  	v6 =	vxor.u32 $0x80000000, v5  }
0x86: {  	(xrf1) =	vsort.ascd.msk.u32 $0xffff, v6, v5;
	_ =	sdelay $0xd  }
0x87: {  	v5, _, _ =	vpop (xrf1)  }
0x88: {  	v5 =	vxor.u32 $0x80000000, v5  }
0x89: {  	v6 =	vperm.xlane v5, v1;
	_ =	sdelay $0x1  }
0x8a: {  	vm1 =	veq.s32 v5, v6  }
0x8b: {  	v6 =	vsel vm1, $0x80000000, v3  }
0x8c: {  	(xrf0) =	vmax.scan.msk.u32 $0xffff, v6;
	_ =	sdelay $0x1  }
0x8d: {  	v6 =	vperm.xlane v5, v2;
	_ =	sdelay $0x1  }
0x8e: {  	vm1 =	vne.s32 v5, v6  }
0x8f: {  	vm1 =	vmor vm1, vm0  }
0x90: {  	v6, _, _ =	vpop (xrf0)  }
0x91: {  	v6 =	vxor.u32 $0x80000000, v6  }
0x92: {  	v6 =	vsub.s32 v4, v6  }
0x93: {  	v6 =	vcvt.s32.f32 v6;
	_ =	sdelay $0x1  }
0x94: {  	[tilespmem:v5+s10+$0x0] =	vst.idx.add.f32.msk vm1, v6  }
0x95: {  	v5 =	vld [tilespmem:s19+$0x70];
	_ =	sdelay $0x4  }
0x96: {  	v6 =	vxor.u32 $0x80000000, v5  }
0x97: {  	(xrf1) =	vsort.ascd.msk.u32 $0xffff, v6, v5;
	_ =	sdelay $0xd  }
0x98: {  	v5, _, _ =	vpop (xrf1)  }
0x99: {  	v5 =	vxor.u32 $0x80000000, v5  }
0x9a: {  	v6 =	vperm.xlane v5, v1;
	_ =	sdelay $0x1  }
0x9b: {  	vm1 =	veq.s32 v5, v6  }
0x9c: {  	v6 =	vsel vm1, $0x80000000, v3  }
0x9d: {  	(xrf0) =	vmax.scan.msk.u32 $0xffff, v6;
	_ =	sdelay $0x1  }
0x9e: {  	v6 =	vperm.xlane v5, v2;
	_ =	sdelay $0x1  }
0x9f: {  	vm1 =	vne.s32 v5, v6  }
0xa0: {  	vm1 =	vmor vm1, vm0  }
0xa1: {  	p1 =	sne.s32 s18, $0x4E00;
	v6, _, _ =	vpop (xrf0)  }
.Ltmp1:
0xa2: {  	v6 =	vxor.u32 $0x80000000, v6;
	(pc) =	sbr.rel @p1 .LBB2_5-.Ltmp1, $3  }
0xa3: {  	v6 =	vsub.s32 v4, v6  }
0xa4: {  	v6 =	vcvt.s32.f32 v6;
	_ =	sdelay $0x1  }
0xa5: {  	s18 =	sadd.s32 $0x200, s18;
	[tilespmem:v5+s10+$0x0] =	vst.idx.add.f32.msk vm1, v6  }
.Ltmp2:
0xa6: {  	(pc) =	sbr.rel @p0 .LBB2_4-.Ltmp2, $2  }
0xa7: {  	_ =	sdelay $0x2  }
0xa8: {  	s18 =	simm.s32 $0x1400;
	p1 =	por $0x0, $0x0  }
0xa9: {  	[spmem:s5] =	stream.strided.scatter [tilespmem:s10], [sflag:$0x1], $0x2800, s12, s11, $0x38;
	[tilespmem:$0x8E80] =	vst v63  }
0xaa: {  	_ =	swait.ge [sflag:s9], $0x2800  }
0xab: {  	[sflag:s9] =	ssyncset.done $0x0  }
0xac: {  	[sflag:s9] =	ssyncadd.s32 $0xFFFFD800  }
0xad: {  	[bflag:$0x0] =	sbarrier.arrive $0xFFFF  }
0xae: {  	[tilespmem:s14], [sflag:$0x1] =	stream.strided.gather [spmem:s6], $0x2800, s13, s10, $0x38;
	[tilespmem:$0x8E80] =	vst v63  }
0xaf: {  	s17 =	simm.s32 $0x0;
	_ =	swait.ge [sflag:s9], $0x2800  }
0xb0: {  	s18 =	sand.u32 $0x70, s17;
	s17 =	sand.u32 $0x1C00, s17;
	[sflag:s9] =	ssyncset.done $0x0  }
0xb1: {  	s17 =	sor.u32 s18, s17;
	[sflag:s9] =	ssyncadd.s32 $0xFFFFD800  }
0xb2: {  	v5 =	vld [tilespmem:s17+$0x3C80]  }
0xb3: {  	v6 =	vld [tilespmem:s17+$0x3C00];
	_ =	sdelay $0x1  }
0xb4: {  	v7 =	vld [tilespmem:s17+$0x3D00];
	_ =	sdelay $0x1  }
0xb5: {  	v8 =	vld [tilespmem:s17+$0x3D80]  }
0xb6: {  	v5 =	vadd.f32 v5, v6  }
0xb7: {  	v6 =	vld [tilespmem:s17+$0x3E00]  }
0xb8: {  	v5 =	vadd.f32 v7, v5  }
0xb9: {  	v7 =	vld [tilespmem:s17+$0x3E80]  }
0xba: {  	v5 =	vadd.f32 v8, v5  }
0xbb: {  	v60 =	vld [tilespmem:s17+$0x3F00]  }
0xbc: {  	v5 =	vadd.f32 v6, v5  }
0xbd: {  	v6 =	vld [tilespmem:s17+$0x3F80]  }
0xbe: {  	v5 =	vadd.f32 v7, v5  }
0xbf: {  	v7 =	vld [tilespmem:s17+$0x5000]  }
0xc0: {  	v5 =	vadd.f32 v60, v5  }
0xc1: {  	v61 =	vld [tilespmem:s17+$0x5080]  }
0xc2: {  	v5 =	vadd.f32 v6, v5  }
0xc3: {  	v6 =	vld [tilespmem:s17+$0x5100]  }
0xc4: {  	v5 =	vadd.f32 v7, v5  }
0xc5: {  	v7 =	vld [tilespmem:s17+$0x5180]  }
0xc6: {  	v5 =	vadd.f32 v61, v5  }
0xc7: {  	v62 =	vld [tilespmem:s17+$0x5200]  }
0xc8: {  	v5 =	vadd.f32 v6, v5  }
0xc9: {  	v6 =	vld [tilespmem:s17+$0x5280]  }
0xca: {  	v5 =	vadd.f32 v7, v5  }
0xcb: {  	v7 =	vld [tilespmem:s17+$0x5300]  }
0xcc: {  	v5 =	vadd.f32 v62, v5  }
0xcd: {  	v63 =	vld [tilespmem:s17+$0x5380]  }
0xce: {  	v5 =	vadd.f32 v6, v5;
	_ =	sdelay $0x1  }
0xcf: {  	v5 =	vadd.f32 v7, v5;
	_ =	sdelay $0x1  }
0xd0: {  	s31 =	simm.s32 $0x10;
	s19 =	simm.s32 $0x80;
	v5 =	vadd.f32 v63, v5  }
0xd1: {  	s20 =	sand.u32 $0x1C00, s19;
	s18 =	sand.u32 $0x70, s31;
	s17 =	simm.s32 $0x6400  }
0xd2: {  	s18 =	sor.u32 s18, s20;
	s20 =	simm.s32 $0x20;
	[tilespmem:s17+$0x0] =	vst v5  }
.LBB2_8:
0xd3: {  	p0 =	sne.s32 s20, $0x270;
	v5 =	vld [tilespmem:s18+$0x3C80]  }
0xd4: {  	v6 =	vld [tilespmem:s18+$0x3C00];
	_ =	sdelay $0x1  }
0xd5: {  	v7 =	vld [tilespmem:s18+$0x3D00];
	_ =	sdelay $0x1  }
0xd6: {  	v8 =	vld [tilespmem:s18+$0x3D80]  }
0xd7: {  	v5 =	vadd.f32 v5, v6  }
0xd8: {  	v6 =	vld [tilespmem:s18+$0x3E00]  }
0xd9: {  	v5 =	vadd.f32 v7, v5  }
0xda: {  	v7 =	vld [tilespmem:s18+$0x3E80]  }
0xdb: {  	v5 =	vadd.f32 v8, v5  }
0xdc: {  	v8 =	vld [tilespmem:s18+$0x3F00]  }
0xdd: {  	v5 =	vadd.f32 v6, v5  }
0xde: {  	v6 =	vld [tilespmem:s18+$0x3F80]  }
0xdf: {  	v5 =	vadd.f32 v7, v5  }
0xe0: {  	v7 =	vld [tilespmem:s18+$0x5000]  }
0xe1: {  	v5 =	vadd.f32 v8, v5  }
0xe2: {  	v8 =	vld [tilespmem:s18+$0x5080]  }
0xe3: {  	v5 =	vadd.f32 v6, v5  }
0xe4: {  	v6 =	vld [tilespmem:s18+$0x5100]  }
0xe5: {  	v5 =	vadd.f32 v7, v5  }
0xe6: {  	v7 =	vld [tilespmem:s18+$0x5180]  }
0xe7: {  	v5 =	vadd.f32 v8, v5  }
0xe8: {  	v8 =	vld [tilespmem:s18+$0x5200]  }
0xe9: {  	v5 =	vadd.f32 v6, v5  }
0xea: {  	v6 =	vld [tilespmem:s18+$0x5280]  }
0xeb: {  	v5 =	vadd.f32 v7, v5  }
0xec: {  	v7 =	vld [tilespmem:s18+$0x5300]  }
0xed: {  	v5 =	vadd.f32 v8, v5  }
0xee: {  	v8 =	vld [tilespmem:s18+$0x5380]  }
0xef: {  	v5 =	vadd.f32 v6, v5;
	_ =	sdelay $0x1  }
.Ltmp3:
0xf0: {  	v5 =	vadd.f32 v7, v5;
	(pc) =	sbr.rel @p0 .LBB2_8-.Ltmp3, $4  }
0xf1: {  	_ = 	snop  }
0xf2: {  	s19 =	sadd.s32 $0x80, s19;
	v5 =	vadd.f32 v8, v5  }
0xf3: {  	s17 =	sadd.s32 $0x10, s17;
	s21 =	sand.u32 $0x1C00, s19;
	s18 =	sand.u32 $0x70, s20  }
0xf4: {  	s20 =	sadd.s32 $0x10, s20;
	s18 =	sor.u32 s18, s21;
	[tilespmem:s17+$0x0] =	vst v5  }
0xf5: {  	v5 =	vld [tilespmem:s18+$0x3C80]  }
0xf6: {  	v6 =	vld [tilespmem:s18+$0x3C00];
	_ =	sdelay $0x1  }
0xf7: {  	v7 =	vld [tilespmem:s18+$0x3D00];
	_ =	sdelay $0x1  }
0xf8: {  	v8 =	vld [tilespmem:s18+$0x3D80]  }
0xf9: {  	v5 =	vadd.f32 v5, v6  }
0xfa: {  	v6 =	vld [tilespmem:s18+$0x3E00]  }
0xfb: {  	v5 =	vadd.f32 v7, v5  }
0xfc: {  	v7 =	vld [tilespmem:s18+$0x3E80]  }
0xfd: {  	v5 =	vadd.f32 v8, v5  }
0xfe: {  	v60 =	vld [tilespmem:s18+$0x3F00]  }
0xff: {  	v5 =	vadd.f32 v6, v5  }
0x100: {  	v6 =	vld [tilespmem:s18+$0x3F80]  }
0x101: {  	v5 =	vadd.f32 v7, v5  }
0x102: {  	v7 =	vld [tilespmem:s18+$0x5000]  }
0x103: {  	v5 =	vadd.f32 v60, v5  }
0x104: {  	v61 =	vld [tilespmem:s18+$0x5080]  }
0x105: {  	v5 =	vadd.f32 v6, v5  }
0x106: {  	v6 =	vld [tilespmem:s18+$0x5100]  }
0x107: {  	v5 =	vadd.f32 v7, v5  }
0x108: {  	v7 =	vld [tilespmem:s18+$0x5180]  }
0x109: {  	v5 =	vadd.f32 v61, v5  }
0x10a: {  	v62 =	vld [tilespmem:s18+$0x5200]  }
0x10b: {  	v5 =	vadd.f32 v6, v5  }
0x10c: {  	v6 =	vld [tilespmem:s18+$0x5280]  }
0x10d: {  	v5 =	vadd.f32 v7, v5  }
0x10e: {  	v7 =	vld [tilespmem:s18+$0x5300]  }
0x10f: {  	v5 =	vadd.f32 v62, v5  }
0x110: {  	v63 =	vld [tilespmem:s18+$0x5380]  }
0x111: {  	v5 =	vadd.f32 v6, v5;
	_ =	sdelay $0x1  }
0x112: {  	v5 =	vadd.f32 v7, v5;
	_ =	sdelay $0x1  }
0x113: {  	s16 =	sadd.s32 $0x1, s16;
	v5 =	vadd.f32 v63, v5  }
0x114: {  	s17 =	sadd.s32 $0x10, s17;
	p0 =	sne.s32 s16, s8  }
.Ltmp4:
0x115: {  	[tilespmem:s17+$0x0] =	vst v5;
	(pc) =	sbr.rel @p0 .LBB2_1-.Ltmp4, $4  }
0x116: {  	[hbm4b:s7+s2] =	stream.linear.scatter [tilespmem:s15], [sflag:$0x1], $0x280, $0x38;
	[tilespmem:$0x8E80] =	vst v63  }
0x117: {  	_ =	swait.ge [sflag:s9], $0x280  }
0x118: {  	[sflag:s9] =	ssyncset.done $0x0  }
0x119: {  	[sflag:s9] =	ssyncadd.s32 $0xFFFFFD80  }
0x11a: {  	_ =	sfence.sel $0x180000  }
0x11b: {  	[bflag:$0x0] =	sbarrier.arrive $0xFFFF  }
0x11c: {  	p0 =	sne.s32 s0, $0x0;
	_ =	strace $0x90000047  }
0x11d: {  	s0 =	sadd.s32 @!p0 $0x100000, s1;
	[bflag:$0x2] =	sbarrier.arrive $0xFFFF  }
0x11e: {  	[sflag:s0] =	ssyncadd.tile.s32 @!p0 $0x1;
	_ =	shalt  }
.Lfunc_end2:
_tile_overlayer_lowered:
.L_overlay_start_2:
0x11f: {  	(tag) =	ssettag $0x2  }
0x120: {  	s0 =	rddreg [dreg:$0x0];
	s2 =	stileid.u32  }
0x121: {  	s1 =	rddreg [dreg:$0x1];
	p0 =	sne.s32 s2, $0x0  }
0x122: {  	s3 =	rddreg [dreg:$0x2];
	[bflag:$0x3] =	sbarrier.arrive $0xFFFF;
	s2 =	simm.s32 @!p0 $0x1C01  }
0x123: {  	[timem:s3], [sflag:s2] =	dma.local @!p0 [hbm:s0], s1  }
0x124: {  	s0 =	simm.s32 @!p0 $0x1  }
0x125: {  	_ =	swait.ge @!p0 [sflag:s0], s1  }
0x126: {  	s1 =	ssub.s32 @!p0 $0x0, s1;
	[sflag:s0] =	ssyncset.done @!p0 $0x0  }
0x127: {  	[sflag:s0] =	ssyncadd.s32 @!p0 s1  }
0x128: {  	[bflag:$0x3] =	sbarrier.arrive $0xFFFF  }
0x129: {  	_ =	shalt  }

// kernel: kernel.14.cloned.1.call-start
scs
__scs_entry_jumppad:
0x0: {  	(pc) =	sbr.rel $0x88, $3  }
0x1: {  	(tag) =	ssettag $0x0;
	lr =	simm.s32 $0x1  }
0x2: {  	[smem:$0x3F93] =	sst lr;
	_ =	strace $0xD0000000  }
0x3: {  	_ = 	snop  }
0x4: {  	_ = 	snop  }
0x5: {  	_ = 	snop  }
0x6: {  	_ = 	snop  }
0x7: {  	_ = 	snop  }
__scs_overlays_trampoline_lowered:
0x8: {  	[smem:$0x3FA2] =	sst s0  }
0x9: {  	[smem:$0x3FA3] =	sst s1  }
0xa: {  	[smem:$0x3FA4] =	sst s2  }
0xb: {  	[smem:$0x3FA5] =	sst s3  }
0xc: {  	[smem:$0x3FA6] =	sst s4  }
0xd: {  	[smem:$0x3FA7] =	sst s5  }
0xe: {  	[smem:$0x3FA8] =	sst s6  }
0xf: {  	[smem:$0x3FA9] =	sst s7  }
0x10: {  	[smem:$0x3FAA] =	sst s8  }
0x11: {  	[smem:$0x3FAB] =	sst s9;
	s0 =	simm.s32 @!p0 $0x0  }
0x12: {  	s1 =	sld [smem:$0x3F91];
	s0 =	simm.s32 @p0 $0x1  }
0x13: {  	[smem:$0x3FAC] =	sst s0;
	s0 =	simm.s32 @!p1 $0x0  }
0x14: {  	s2 =	sld [smem:$0x3F90];
	s0 =	simm.s32 @p1 $0x1  }
0x15: {  	[smem:$0x3FAD] =	sst s0;
	s0 =	simm.s32 @!p2 $0x0  }
0x16: {  	s3 =	sld [smem:$0x3FDB];
	s0 =	simm.s32 @p2 $0x1  }
0x17: {  	s4 =	simm.s32 $0x1BF5;
	[smem:$0x3FAF] =	sst s0  }
0x18: {  	s0 =	sld [smem:$0x3F92];
	_ =	swait.ge [sflag:s4], $0x0  }
0x19: {  	s7 =	sld [smem:$0x3F93]  }
0x1a: {  	s8 =	sadd.s32 $0xFFFFE003, lr  }
0x1b: {  	s9 =	sadd.s32 $0xFFFFFEF7, lr;
	s5 =	simm.s32 $0xFFFFFFFF;
	p2 =	slt.u32 s8, $0xFFFFF086  }
0x1c: {  	p1 =	slt.u32 s9, $0xF7A;
	s5 =	simm.s32 @!p2 $0x0  }
0x1d: {  	s5 =	simm.s32 @p1 $0x1;
	p0 =	seq.s32 s7, s2  }
0x1e: {  	s7 =	smul.u32 @!p0 $0xF7A, s2;
	p2 =	seq.s32 @!p0 s5, $0x0  }
0x1f: {  	s9 =	smul.u32 $0xF7A, s1;
	s8 =	simm.s32 @!p0 $0x1BF5;
	p2 =	por !p2, p0  }
0x20: {  	[sflag:s8] =	ssyncset.s32 @!p0 $0xFFFFF086;
	s6 =	sadd.s32 @!p0 s3, s7;
	s7 =	simm.s32 @!p0 $0x108  }
0x21: {  	s3 =	sadd.s32 s3, s9;
	s6 =	sadd.s32 @!p0 $0x88, s6;
	s7 =	simm.s32 @p2 $0x1082  }
0x22: {  	[simem:s7], [sflag:s8] =	dma.local @!p0 [hbm:s6], $0xF7A  }
0x23: {  	s9 =	sor.u32 $0xD0000000, s2;
	s6 =	simm.s32 $0x108;
	_ =	swait.ge @!p0 [sflag:s8], $0x0  }
0x24: {  	s3 =	sadd.s32 $0x88, s3;
	s6 =	simm.s32 @!p1 $0x1082;
	[sflag:s4] =	ssyncset.s32 $0xFFFFF086  }
0x25: {  	[simem:s6], [sflag:s4] =	dma.local [hbm:s3], $0xF7A  }
0x26: {  	[smem:$0x3F93] =	sst s1;
	(tag) =	ssettag s2;
	_ =	strace s9  }
0x27: {  	s1 =	sld [smem:$0x3FA3]  }
0x28: {  	s2 =	sld [smem:$0x3FA4]  }
0x29: {  	s4 =	sld [smem:$0x3FA6]  }
0x2a: {  	p0 =	seq.s32 s5, $0x0;
	s5 =	sld [smem:$0x3FA7]  }
0x2b: {  	s6 =	sld [smem:$0x3FA8]  }
0x2c: {  	s7 =	sld [smem:$0x3FA9]  }
0x2d: {  	s3 =	simm.s32 $0x108;
	s8 =	sld [smem:$0x3FAA]  }
0x2e: {  	s3 =	simm.s32 @!p0 $0x1082;
	s9 =	sld [smem:$0x3FAB]  }
0x2f: {  	lr =	sadd.s32 s0, s3;
	s0 =	sld [smem:$0x3FA2]  }
0x30: {  	s3 =	sld [smem:$0x3FA5]  }
0x31: {  	[smem:$0x3FAE] =	sst s10  }
0x32: {  	s10 =	sld [smem:$0x3FAC];
	_ =	sdelay $0x3  }
0x33: {  	p0 =	seq.s32 s10, $0x1;
	s10 =	sld [smem:$0x3FAE];
	_ =	sdelay $0x3  }
0x34: {  	[smem:$0x3FAE] =	sst s10  }
0x35: {  	s10 =	sld [smem:$0x3FAD];
	_ =	sdelay $0x3  }
0x36: {  	p1 =	seq.s32 s10, $0x1;
	s10 =	sld [smem:$0x3FAE];
	_ =	sdelay $0x3  }
0x37: {  	[smem:$0x3FAE] =	sst s10  }
0x38: {  	s10 =	sld [smem:$0x3FAF]  }
0x39: {  	_ = 	snop;
	(pc) =	sbr.ind lr, $3  }
0x3a: {  	_ = 	snop  }
0x3b: {  	_ = 	snop  }
0x3c: {  	p2 =	seq.s32 s10, $0x1;
	s10 =	sld [smem:$0x3FAE]  }
0x3d: {  	_ =	shalt  }
0x3e: {  	_ =	shalt  }
0x3f: {  	_ =	shalt  }
0x40: {  	_ =	shalt  }
0x41: {  	_ =	shalt  }
0x42: {  	_ =	shalt  }
0x43: {  	_ =	shalt  }
0x44: {  	_ =	shalt  }
0x45: {  	_ =	shalt  }
0x46: {  	_ =	shalt  }
0x47: {  	_ =	shalt  }
0x48: {  	_ =	shalt  }
0x49: {  	_ =	shalt  }
0x4a: {  	_ =	shalt  }
0x4b: {  	_ =	shalt  }
0x4c: {  	_ =	shalt  }
0x4d: {  	_ =	shalt  }
0x4e: {  	_ =	shalt  }
0x4f: {  	_ =	shalt  }
0x50: {  	_ =	shalt  }
0x51: {  	_ =	shalt  }
0x52: {  	_ =	shalt  }
0x53: {  	_ =	shalt  }
0x54: {  	_ =	shalt  }
0x55: {  	_ =	shalt  }
0x56: {  	_ =	shalt  }
0x57: {  	_ =	shalt  }
0x58: {  	_ =	shalt  }
0x59: {  	_ =	shalt  }
0x5a: {  	_ =	shalt  }
0x5b: {  	_ =	shalt  }
0x5c: {  	_ =	shalt  }
0x5d: {  	_ =	shalt  }
0x5e: {  	_ =	shalt  }
0x5f: {  	_ =	shalt  }
0x60: {  	_ =	shalt  }
0x61: {  	_ =	shalt  }
0x62: {  	_ =	shalt  }
0x63: {  	_ =	shalt  }
0x64: {  	_ =	shalt  }
0x65: {  	_ =	shalt  }
0x66: {  	_ =	shalt  }
0x67: {  	_ =	shalt  }
0x68: {  	_ =	shalt  }
0x69: {  	_ =	shalt  }
0x6a: {  	_ =	shalt  }
0x6b: {  	_ =	shalt  }
0x6c: {  	_ =	shalt  }
0x6d: {  	_ =	shalt  }
0x6e: {  	_ =	shalt  }
0x6f: {  	_ =	shalt  }
0x70: {  	_ =	shalt  }
0x71: {  	_ =	shalt  }
0x72: {  	_ =	shalt  }
0x73: {  	_ =	shalt  }
0x74: {  	_ =	shalt  }
0x75: {  	_ =	shalt  }
0x76: {  	_ =	shalt  }
0x77: {  	_ =	shalt  }
0x78: {  	_ =	shalt  }
0x79: {  	_ =	shalt  }
0x7a: {  	_ =	shalt  }
0x7b: {  	_ =	shalt  }
0x7c: {  	_ =	shalt  }
0x7d: {  	_ =	shalt  }
0x7e: {  	_ =	shalt  }
0x7f: {  	_ =	shalt  }
0x80: {  	_ =	shalt  }
0x81: {  	_ =	shalt  }
0x82: {  	_ =	shalt  }
0x83: {  	_ =	shalt  }
0x84: {  	_ =	shalt  }
0x85: {  	_ =	shalt  }
0x86: {  	_ =	shalt  }
0x87: {  	_ =	shalt  }
.Lfunc_end0:
.L_simem_size_0:
called_computation.1_lowered:
.L_overlay_start_0:
0x88: {  	s2 =	sld [smem:$0x3FD9]  }
0x89: {  	s3 =	sld [smem:$0x3FFE];
	_ =	sdelay $0x1  }
0x8a: {  	s1 =	srdreg.scid  }
0x8b: {  	s0 =	sand.u32 $0x1, s1  }
0x8c: {  	s16 =	sshll.u32 s0, $0xA;
	s2 =	sadd.s32 s3, s2  }
0x8d: {  	s2 =	sadd.s32 s2, s16  }
0x8e: {  	[smem:$0x3FBA] =	sst s2  }
0x8f: {  	_ = 	snop  }
0x90: {  	(tm) =	ssettm $0x1  }
0x91: {  	s17 =	sld [smem:$0x3FFB];
	_ =	sdelay $0x3  }
0x92: {  	_ =	strace s17  }
0x93: {  	s2 =	sld [smem:$0x3FFC];
	_ =	sdelay $0x3  }
0x94: {  	_ =	strace s2  }
0x95: {  	s2 =	sld [smem:$0x3FFD];
	_ =	sdelay $0x3  }
0x96: {  	_ =	strace s2  }
0x97: {  	_ =	strace $0x8FFFFFFF  }
0x98: {  	s18 =	sld [smem:$0x3FDB];
	_ =	sdelay $0x1  }
0x99: {  	s19 =	simm.s32 $_scs_section_size  }
0x9a: {  	s4 =	simm.s32 $_size__tile_overlayer_lowered;
	s5 =	simm.s32 $_tile_overlayer_lowered  }
0x9b: {  	s22 =	simm.s32 $0x1BFF;
	s21 =	sshll.u32 s5, $0x1;
	s2 =	sadd.s32 s19, s18  }
0x9c: {  	s6 =	simm.s32 $0x0;
	s20 =	sshll.u32 s4, $0x1;
	s4 =	sadd.s32 s21, s2  }
0x9d: {  	[timem:s6], [sflag:s22] =	dma.local [hbm:s4], s20  }
0x9e: {  	_ =	swait.ge [sflag:s22], s20  }
0x9f: {  	s3 =	ssub.s32 $0x0, s20;
	[sflag:s22] =	ssyncset.done $0x0  }
0xa0: {  	[sflag:s22] =	ssyncadd.s32 s3;
	_ =	sdelay $0x1  }
0xa1: {  	s23 =	simm.s32 $0x1B8B  }
0xa2: {  	_ =	swait.ge [sflag:s23], $0x1  }
0xa3: {  	[sflag:s23] =	ssyncset.done $0x0  }
0xa4: {  	s25 =	simm.s32 $0x1B8E;
	s24 =	sld [smem:$0x3FFE];
	[sflag:s23] =	ssyncadd.s32 $0xFFFFFFFF  }
0xa5: {  	s26 =	simm.s32 $execute0_lowered;
	[smem:$0x3FD2] =	sst s25  }
0xa6: {  	s4 =	sshll.u32 s26, $0x1;
	_ =	strace $0x80000049;
	[dreg:$0x1] =	wrdreg $0xFFFFFFFF  }
0xa7: {  	s28 =	simm.s32 $_size_execute0_lowered;
	s2 =	sadd.s32 s2, s4;
	[dreg:$0x0] =	wrdreg $0x0  }
0xa8: {  	s4 =	sshll.u32 s28, $0x1;
	[dreg:$0x2] =	wrdreg s2  }
0xa9: {  	[dreg:$0x3] =	wrdreg s4  }
0xaa: {  	[dreg:$0x4] =	wrdreg $0xC0  }
0xab: {  	_ =	task [dreg:s6], $0x5FFFF  }
0xac: {  	[dreg:$0x1] =	wrdreg $0xFFFFFFFF  }
0xad: {  	[dreg:$0x0] =	wrdreg $0x60  }
0xae: {  	[dreg:$0x2] =	wrdreg s24  }
0xaf: {  	[dreg:$0x3] =	wrdreg $0xA8000  }
0xb0: {  	[dreg:$0x4] =	wrdreg $0x9  }
0xb1: {  	_ =	task.clear_ibuf [dreg:s6], $0x5FFFF;
	_ =	strace $0x90000049  }
0xb2: {  	s29 =	simm.s32 $0x9;
	_ =	strace $0x8000004B  }
0xb3: {  	_ =	swait.ge [sflag:s29], $0x1  }
0xb4: {  	[sflag:s29] =	ssyncadd.s32 $0xFFFFFFFF  }
0xb5: {  	_ =	strace $0x9000004B  }
0xb6: {  	_ =	sfence  }
0xb7: {  	s30 =	sld [smem:$0x0];
	_ =	sdelay $0x2  }
0xb8: {  	s31 =	sshll.u32 s1, $0xD;
	s1 =	sshrl.u32 s1, $0x2  }
0xb9: {  	s3 =	sand.u32 $0x4000, s31;
	s1 =	sadd.s32 s1, s30  }
0xba: {  	s0 =	sor.u32 s3, s0;
	s1 =	sshll.u32 s1, $0x11  }
0xbb: {  	s0 =	sor.u32 s1, s0  }
0xbc: {  	s0 =	sadd.s32 $0x8F2B, s0  }
0xbd: {  	[sflag:s0] =	ssyncadd.remote.s32 $0x1  }
0xbe: {  	_ =	sfence.sel $0xFFFF  }
0xbf: {  	[dreg:$0x0] =	wrdreg $0xFFFFFFFF;
	(pc) =	sbr.abs _section_cstart, $3  }
0xc0: {  	[dreg:$0x1] =	wrdreg $0xFFFFFFFF  }
0xc1: {  	_ =	task.clear_ibuf [dreg:s6], $0x2FFFF;
	_ =	strace $0x9FFFFFFF  }
0xc2: {  	(tm) =	ssettm $0x7FFFFFFF  }
0xc3: {  	_ =	shalt  }
tec
execute0_lowered:
.L_overlay_start_1:
0x0: {  	(tag) =	ssettag $0x1  }
0x1: {  	s5 =	rddreg [dreg:$0x0]  }
0x2: {  	s2 =	rddreg [dreg:$0x1];
	s3 =	simm.s32 $0x0  }
0x3: {  	s1 =	stileid.u32;
	s4 =	srdreg.scid;
	s16 =	simm.s32 $0x1400  }
0x4: {  	s17 =	simm.s32 $0x3;
	s18 =	simm.s32 $0x80;
	s19 =	simm.s32 $0x2800  }
0x5: {  	s20 =	simm.s32 $0x6800;
	s21 =	simm.s32 $0x1;
	s22 =	simm.s32 $0x2  }
0x6: {  	s23 =	simm.s32 $0x1380;
	s24 =	simm.s32 $0x2700;
	s25 =	simm.s32 $0x2780  }
0x7: {  	s26 =	simm.s32 $0x0;
	[smem:$0x7FF] =	sst s3;
	s6 =	smul.u32 $0x14000, s1  }
0x8: {  	s7 =	sand.u32 $0x1, s4;
	s4 =	sadd.s32 $0x18200, s5;
	s10 =	sadd.s32 $0xE200, s5  }
0x9: {  	s11 =	sadd.s32 $0x4200, s5;
	s28 =	smul.u32 $0x50000, s1;
	s12 =	sshll.u32 s1, $0x1  }
0xa: {  	_ =	strace $0x8000004A;
	s9 =	smul.u32 $0x140000, s7;
	s13 =	ssub.s32 $0x2, s7  }
0xb: {  	s7 =	sor.u32 s7, s12;
	s8 =	sshrl.u32 s6, $0x3;
	s29 =	sshrl.u32 s13, $0x1  }
0xc: {  	s7 =	smul.u32 $0x2800, s7;
	s8 =	sadd.s32 s8, s5;
	s6 =	sadd.s32 s6, s9  }
0xd: {  	s9 =	sshrl.u32 s28, $0x2;
	s13 =	ssub.s32 s13, s29;
	s6 =	sshrl.u32 s6, $0x3  }
0xe: {  	s15 =	sadd.s32 s9, s2;
	s30 =	sshrl.u32 s7, $0x3;
	s13 =	smax.u32 s13, $0x1  }
0xf: {  	s14 =	sadd.s32 s6, s5;
	s5 =	sadd.s32 $0x40200, s8;
	s6 =	sshll.u32 s1, $0x6  }
0x10: {  	s8 =	sadd.s32 s10, s30;
	s31 =	sadd.s32 $0x280, s30;
	s9 =	sadd.s32 s11, s30  }
0x11: {  	s7 =	sor.u32 $0x1C03, s6;
	s10 =	sadd.s32 s10, s31;
	s11 =	sadd.s32 s11, s31  }
0x12: {  	s12 =	sadd.s32 $0x68200, s14;
	s14 =	sshrl.u32 s15, $0x3;
	s15 =	simm.s32 $0x4  }
.LBB2_1:
0x13: {  	[spmem:s14], [sflag:s7] =	dma.local [hbm:s5], $0x2800  }
0x14: {  	[tilespmem:s3], [sflag:$0x4] =	stream.linear.gather [hbm4b:s8+s3], $0x1400, $0x38;
	[tilespmem:$0x1E800] =	vst v63  }
0x15: {  	_ =	swait.ge [sflag:s15], $0x1400  }
0x16: {  	[sflag:s15] =	ssyncset.done $0x0  }
0x17: {  	[sflag:s15] =	ssyncadd.s32 $0xFFFFEC00  }
0x18: {  	[tilespmem:s16], [sflag:$0x4] =	stream.linear.gather [hbm4b:s9+s3], $0x1400, $0x38;
	[tilespmem:$0x1E800] =	vst v63  }
0x19: {  	_ =	swait.ge [sflag:s15], $0x1400  }
0x1a: {  	[sflag:s15] =	ssyncset.done $0x0  }
0x1b: {  	[sflag:s15] =	ssyncadd.s32 $0xFFFFEC00  }
0x1c: {  	_ =	swait.ge [sflag:s17], $0x2800  }
0x1d: {  	[sflag:s17] =	ssyncset.done $0x0  }
0x1e: {  	[sflag:s17] =	ssyncadd.s32 $0xFFFFD800  }
0x1f: {  	[bflag:$0x0] =	sbarrier.arrive $0xFFFF  }
0x20: {  	[tilespmem:s19], [sflag:$0x1] =	stream.indirect.gather [hbm4b:s4+s18], $0x80, s3, s18, $0xb8;
	[tilespmem:$0x1E800] =	vst v63  }
0x21: {  	s28 =	simm.s32 $0x80  }
0x22: {  	[tilespmem:s20], [sflag:$0x2] =	stream.indirect.gather [hbm4b:s4+s18], $0x80, s28, s18, $0xb8;
	[tilespmem:$0x1E800] =	vst v63  }
0x23: {  	_ =	swait.ge [sflag:s21], $0x4000  }
0x24: {  	[sflag:s21] =	ssyncset.done $0x0  }
0x25: {  	s28 =	simm.s32 $0x1400;
	[sflag:s21] =	ssyncadd.s32 $0xFFFFC000  }
0x26: {  	[spmem:s2] =	stream.indirect.scatter.add.f32 [tilespmem:s19], [sflag:$0x4], $0x80, s28, s18, $0xb8;
	[tilespmem:$0x1E800] =	vst v63  }
0x27: {  	_ =	swait.ge [sflag:s15], $0x4000  }
0x28: {  	[sflag:s15] =	ssyncset.done $0x0  }
0x29: {  	s28 =	simm.s32 $0x100;
	[sflag:s15] =	ssyncadd.s32 $0xFFFFC000  }
0x2a: {  	[tilespmem:s19], [sflag:$0x1] =	stream.indirect.gather [hbm4b:s4+s18], $0x80, s28, s18, $0xb8;
	[tilespmem:$0x1E800] =	vst v63  }
0x2b: {  	_ =	swait.ge [sflag:s22], $0x4000  }
0x2c: {  	[sflag:s22] =	ssyncset.done $0x0  }
0x2d: {  	s28 =	simm.s32 $0x1480;
	[sflag:s22] =	ssyncadd.s32 $0xFFFFC000  }
0x2e: {  	[spmem:s2] =	stream.indirect.scatter.add.f32 [tilespmem:s20], [sflag:$0x4], $0x80, s28, s18, $0xb8;
	[tilespmem:$0x1E800] =	vst v63  }
0x2f: {  	_ =	swait.ge [sflag:s15], $0x4000  }
0x30: {  	s29 =	simm.s32 $0x800;
	s28 =	simm.s32 $0x100;
	[sflag:s15] =	ssyncset.done $0x0  }
.LBB2_2:
0x31: {  	s30 =	sadd.s32 $0x80, s28  }
0x32: {  	[sflag:s15] =	ssyncadd.s32 $0xFFFFC000;
	s31 =	smov.u32 s29;
	s0 =	sadd.s32 $0x400, s29  }
0x33: {  	[tilespmem:s20], [sflag:$0x2] =	stream.indirect.gather [hbm4b:s4+s18], $0x80, s30, s18, $0xb8;
	[tilespmem:$0x1E800] =	vst v63  }
0x34: {  	p0 =	sne.s32 s29, $0x4800;
	_ =	swait.ge [sflag:s21], $0x4000  }
0x35: {  	[sflag:s21] =	ssyncset.done $0x0  }
0x36: {  	s29 =	sadd.s32 $0x1400, s28;
	[sflag:s21] =	ssyncadd.s32 $0xFFFFC000  }
0x37: {  	[spmem:s2] =	stream.indirect.scatter.add.f32 [tilespmem:s19], [sflag:$0x4], $0x80, s29, s18, $0xb8;
	[tilespmem:$0x1E800] =	vst v63  }
0x38: {  	_ =	swait.ge [sflag:s15], $0x4000  }
0x39: {  	[sflag:s15] =	ssyncset.done $0x0  }
0x3a: {  	s29 =	sadd.s32 $0x100, s28;
	[sflag:s15] =	ssyncadd.s32 $0xFFFFC000  }
0x3b: {  	[tilespmem:s19], [sflag:$0x1] =	stream.indirect.gather [hbm4b:s4+s18], $0x80, s29, s18, $0xb8;
	[tilespmem:$0x1E800] =	vst v63  }
0x3c: {  	_ =	swait.ge [sflag:s22], $0x4000  }
.Ltmp0:
0x3d: {  	[sflag:s22] =	ssyncset.done $0x0;
	(pc) =	sbr.rel @p0 .LBB2_2-.Ltmp0, $4  }
0x3e: {  	s28 =	sadd.s32 $0x1480, s28;
	[sflag:s22] =	ssyncadd.s32 $0xFFFFC000  }
0x3f: {  	[spmem:s2] =	stream.indirect.scatter.add.f32 [tilespmem:s20], [sflag:$0x4], $0x80, s28, s18, $0xb8;
	[tilespmem:$0x1E800] =	vst v63  }
0x40: {  	_ =	swait.ge [sflag:s15], $0x4000  }
0x41: {  	s29 =	smov.u32 s0;
	s28 =	sshra.s32 s31, $0x2;
	[sflag:s15] =	ssyncset.done $0x0  }
0x42: {  	s0 =	sadd.s32 $0x80, s28;
	[sflag:s15] =	ssyncadd.s32 $0xFFFFC000  }
0x43: {  	[tilespmem:s20], [sflag:$0x2] =	stream.indirect.gather [hbm4b:s4+s18], $0x80, s0, s18, $0xb8;
	[tilespmem:$0x1E800] =	vst v63  }
0x44: {  	_ =	swait.ge [sflag:s21], $0x4000  }
0x45: {  	[sflag:s21] =	ssyncset.done $0x0  }
0x46: {  	s30 =	sadd.s32 $0x1400, s28;
	[sflag:s21] =	ssyncadd.s32 $0xFFFFC000  }
0x47: {  	[spmem:s2] =	stream.indirect.scatter.add.f32 [tilespmem:s19], [sflag:$0x4], $0x80, s30, s18, $0xb8;
	[tilespmem:$0x1E800] =	vst v63  }
0x48: {  	_ =	swait.ge [sflag:s15], $0x4000  }
0x49: {  	[sflag:s15] =	ssyncset.done $0x0  }
0x4a: {  	s31 =	sadd.s32 $0x100, s28;
	[sflag:s15] =	ssyncadd.s32 $0xFFFFC000  }
0x4b: {  	[tilespmem:s19], [sflag:$0x1] =	stream.indirect.gather [hbm4b:s4+s18], $0x80, s31, s18, $0xb8;
	[tilespmem:$0x1E800] =	vst v63  }
0x4c: {  	_ =	swait.ge [sflag:s22], $0x4000  }
0x4d: {  	[sflag:s22] =	ssyncset.done $0x0  }
0x4e: {  	s30 =	sadd.s32 $0x1480, s28;
	[sflag:s22] =	ssyncadd.s32 $0xFFFFC000  }
0x4f: {  	[spmem:s2] =	stream.indirect.scatter.add.f32 [tilespmem:s20], [sflag:$0x4], $0x80, s30, s18, $0xb8;
	[tilespmem:$0x1E800] =	vst v63  }
0x50: {  	_ =	swait.ge [sflag:s15], $0x4000  }
0x51: {  	[sflag:s15] =	ssyncset.done $0x0  }
0x52: {  	[sflag:s15] =	ssyncadd.s32 $0xFFFFC000  }
0x53: {  	[tilespmem:s20], [sflag:$0x2] =	stream.indirect.gather [hbm4b:s4+s18], $0x80, s23, s18, $0xb8;
	[tilespmem:$0x1E800] =	vst v63  }
0x54: {  	_ =	swait.ge [sflag:s21], $0x4000  }
0x55: {  	[sflag:s21] =	ssyncset.done $0x0  }
0x56: {  	[sflag:s21] =	ssyncadd.s32 $0xFFFFC000  }
0x57: {  	[spmem:s2] =	stream.indirect.scatter.add.f32 [tilespmem:s19], [sflag:$0x4], $0x80, s24, s18, $0xb8;
	[tilespmem:$0x1E800] =	vst v63  }
0x58: {  	_ =	swait.ge [sflag:s15], $0x4000  }
0x59: {  	[sflag:s15] =	ssyncset.done $0x0  }
0x5a: {  	[sflag:s15] =	ssyncadd.s32 $0xFFFFC000  }
0x5b: {  	_ =	swait.ge [sflag:s22], $0x4000  }
0x5c: {  	[sflag:s22] =	ssyncset.done $0x0  }
0x5d: {  	[sflag:s22] =	ssyncadd.s32 $0xFFFFC000  }
0x5e: {  	[spmem:s2] =	stream.indirect.scatter.add.f32 [tilespmem:s20], [sflag:$0x4], $0x80, s25, s18, $0xb8;
	[tilespmem:$0x1E800] =	vst v63  }
0x5f: {  	_ =	swait.ge [sflag:s15], $0x4000  }
0x60: {  	[sflag:s15] =	ssyncset.done $0x0  }
0x61: {  	s31 =	simm.s32 $0x0;
	[sflag:s15] =	ssyncadd.s32 $0xFFFFC000  }
0x62: {  	[tilespmem:s31], [sflag:$0x4] =	stream.linear.gather [hbm4b:s10+s31], $0x1400, $0x38;
	[tilespmem:$0x1E800] =	vst v63  }
0x63: {  	_ =	swait.ge [sflag:s15], $0x1400  }
0x64: {  	[sflag:s15] =	ssyncset.done $0x0  }
0x65: {  	[sflag:s15] =	ssyncadd.s32 $0xFFFFEC00  }
0x66: {  	[tilespmem:s16], [sflag:$0x4] =	stream.linear.gather [hbm4b:s11+s31], $0x1400, $0x38;
	[tilespmem:$0x1E800] =	vst v63  }
0x67: {  	_ =	swait.ge [sflag:s15], $0x1400  }
0x68: {  	[sflag:s15] =	ssyncset.done $0x0  }
0x69: {  	[sflag:s15] =	ssyncadd.s32 $0xFFFFEC00  }
0x6a: {  	[tilespmem:s19], [sflag:$0x1] =	stream.indirect.gather [hbm4b:s4+s18], $0x80, s31, s18, $0xb8;
	[tilespmem:$0x1E800] =	vst v63  }
0x6b: {  	s30 =	simm.s32 $0x80  }
0x6c: {  	[tilespmem:s20], [sflag:$0x2] =	stream.indirect.gather [hbm4b:s4+s18], $0x80, s30, s18, $0xb8;
	[tilespmem:$0x1E800] =	vst v63  }
0x6d: {  	_ =	swait.ge [sflag:s21], $0x4000  }
0x6e: {  	[sflag:s21] =	ssyncset.done $0x0  }
0x6f: {  	s31 =	simm.s32 $0x1400;
	[sflag:s21] =	ssyncadd.s32 $0xFFFFC000  }
0x70: {  	[spmem:s2] =	stream.indirect.scatter.add.f32 [tilespmem:s19], [sflag:$0x4], $0x80, s31, s18, $0xb8;
	[tilespmem:$0x1E800] =	vst v63  }
0x71: {  	_ =	swait.ge [sflag:s15], $0x4000  }
0x72: {  	[sflag:s15] =	ssyncset.done $0x0  }
0x73: {  	s30 =	simm.s32 $0x100;
	[sflag:s15] =	ssyncadd.s32 $0xFFFFC000  }
0x74: {  	[tilespmem:s19], [sflag:$0x1] =	stream.indirect.gather [hbm4b:s4+s18], $0x80, s30, s18, $0xb8;
	[tilespmem:$0x1E800] =	vst v63  }
0x75: {  	_ =	swait.ge [sflag:s22], $0x4000  }
0x76: {  	[sflag:s22] =	ssyncset.done $0x0  }
0x77: {  	s31 =	simm.s32 $0x1480;
	[sflag:s22] =	ssyncadd.s32 $0xFFFFC000  }
0x78: {  	[spmem:s2] =	stream.indirect.scatter.add.f32 [tilespmem:s20], [sflag:$0x4], $0x80, s31, s18, $0xb8;
	[tilespmem:$0x1E800] =	vst v63  }
0x79: {  	_ =	swait.ge [sflag:s15], $0x4000  }
0x7a: {  	s29 =	simm.s32 $0x800;
	s28 =	simm.s32 $0x100;
	[sflag:s15] =	ssyncset.done $0x0  }
.LBB2_4:
0x7b: {  	s0 =	sadd.s32 $0x80, s28  }
0x7c: {  	[sflag:s15] =	ssyncadd.s32 $0xFFFFC000;
	s30 =	smov.u32 s29;
	s31 =	sadd.s32 $0x400, s29  }
0x7d: {  	[tilespmem:s20], [sflag:$0x2] =	stream.indirect.gather [hbm4b:s4+s18], $0x80, s0, s18, $0xb8;
	[tilespmem:$0x1E800] =	vst v63  }
0x7e: {  	p0 =	sne.s32 s29, $0x4800;
	_ =	swait.ge [sflag:s21], $0x4000  }
0x7f: {  	[sflag:s21] =	ssyncset.done $0x0  }
0x80: {  	s0 =	sadd.s32 $0x1400, s28;
	[sflag:s21] =	ssyncadd.s32 $0xFFFFC000  }
0x81: {  	[spmem:s2] =	stream.indirect.scatter.add.f32 [tilespmem:s19], [sflag:$0x4], $0x80, s0, s18, $0xb8;
	[tilespmem:$0x1E800] =	vst v63  }
0x82: {  	_ =	swait.ge [sflag:s15], $0x4000  }
0x83: {  	[sflag:s15] =	ssyncset.done $0x0  }
0x84: {  	s0 =	sadd.s32 $0x100, s28;
	[sflag:s15] =	ssyncadd.s32 $0xFFFFC000  }
0x85: {  	[tilespmem:s19], [sflag:$0x1] =	stream.indirect.gather [hbm4b:s4+s18], $0x80, s0, s18, $0xb8;
	[tilespmem:$0x1E800] =	vst v63  }
0x86: {  	_ =	swait.ge [sflag:s22], $0x4000  }
.Ltmp1:
0x87: {  	[sflag:s22] =	ssyncset.done $0x0;
	(pc) =	sbr.rel @p0 .LBB2_4-.Ltmp1, $4  }
0x88: {  	s0 =	sadd.s32 $0x1480, s28;
	[sflag:s22] =	ssyncadd.s32 $0xFFFFC000  }
0x89: {  	[spmem:s2] =	stream.indirect.scatter.add.f32 [tilespmem:s20], [sflag:$0x4], $0x80, s0, s18, $0xb8;
	[tilespmem:$0x1E800] =	vst v63  }
0x8a: {  	_ =	swait.ge [sflag:s15], $0x4000  }
0x8b: {  	s29 =	smov.u32 s31;
	s28 =	sshra.s32 s30, $0x2;
	[sflag:s15] =	ssyncset.done $0x0  }
0x8c: {  	s0 =	sadd.s32 $0x80, s28;
	[sflag:s15] =	ssyncadd.s32 $0xFFFFC000  }
0x8d: {  	[tilespmem:s20], [sflag:$0x2] =	stream.indirect.gather [hbm4b:s4+s18], $0x80, s0, s18, $0xb8;
	[tilespmem:$0x1E800] =	vst v63  }
0x8e: {  	_ =	swait.ge [sflag:s21], $0x4000  }
0x8f: {  	[sflag:s21] =	ssyncset.done $0x0  }
0x90: {  	s31 =	sadd.s32 $0x1400, s28;
	[sflag:s21] =	ssyncadd.s32 $0xFFFFC000  }
0x91: {  	[spmem:s2] =	stream.indirect.scatter.add.f32 [tilespmem:s19], [sflag:$0x4], $0x80, s31, s18, $0xb8;
	[tilespmem:$0x1E800] =	vst v63  }
0x92: {  	_ =	swait.ge [sflag:s15], $0x4000  }
0x93: {  	[sflag:s15] =	ssyncset.done $0x0  }
0x94: {  	s29 =	sadd.s32 $0x100, s28;
	[sflag:s15] =	ssyncadd.s32 $0xFFFFC000  }
0x95: {  	[tilespmem:s19], [sflag:$0x1] =	stream.indirect.gather [hbm4b:s4+s18], $0x80, s29, s18, $0xb8;
	[tilespmem:$0x1E800] =	vst v63  }
0x96: {  	_ =	swait.ge [sflag:s22], $0x4000  }
0x97: {  	[sflag:s22] =	ssyncset.done $0x0  }
0x98: {  	s30 =	sadd.s32 $0x1480, s28;
	[sflag:s22] =	ssyncadd.s32 $0xFFFFC000  }
0x99: {  	[spmem:s2] =	stream.indirect.scatter.add.f32 [tilespmem:s20], [sflag:$0x4], $0x80, s30, s18, $0xb8;
	[tilespmem:$0x1E800] =	vst v63  }
0x9a: {  	_ =	swait.ge [sflag:s15], $0x4000  }
0x9b: {  	[sflag:s15] =	ssyncset.done $0x0  }
0x9c: {  	[sflag:s15] =	ssyncadd.s32 $0xFFFFC000  }
0x9d: {  	[tilespmem:s20], [sflag:$0x2] =	stream.indirect.gather [hbm4b:s4+s18], $0x80, s23, s18, $0xb8;
	[tilespmem:$0x1E800] =	vst v63  }
0x9e: {  	_ =	swait.ge [sflag:s21], $0x4000  }
0x9f: {  	[sflag:s21] =	ssyncset.done $0x0  }
0xa0: {  	[sflag:s21] =	ssyncadd.s32 $0xFFFFC000  }
0xa1: {  	[spmem:s2] =	stream.indirect.scatter.add.f32 [tilespmem:s19], [sflag:$0x4], $0x80, s24, s18, $0xb8;
	[tilespmem:$0x1E800] =	vst v63  }
0xa2: {  	_ =	swait.ge [sflag:s15], $0x4000  }
0xa3: {  	[sflag:s15] =	ssyncset.done $0x0  }
0xa4: {  	[sflag:s15] =	ssyncadd.s32 $0xFFFFC000  }
0xa5: {  	_ =	swait.ge [sflag:s22], $0x4000  }
0xa6: {  	[sflag:s22] =	ssyncset.done $0x0  }
0xa7: {  	[sflag:s22] =	ssyncadd.s32 $0xFFFFC000  }
0xa8: {  	[spmem:s2] =	stream.indirect.scatter.add.f32 [tilespmem:s20], [sflag:$0x4], $0x80, s25, s18, $0xb8;
	[tilespmem:$0x1E800] =	vst v63  }
0xa9: {  	_ =	swait.ge [sflag:s15], $0x4000  }
0xaa: {  	s26 =	sadd.s32 $0x1, s26;
	[sflag:s15] =	ssyncset.done $0x0  }
0xab: {  	p0 =	sne.s32 s26, s13;
	[sflag:s15] =	ssyncadd.s32 $0xFFFFC000  }
.Ltmp2:
0xac: {  	s31 =	sor.u32 $0x1C04, s6;
	[bflag:$0x0] =	sbarrier.arrive $0xFFFF;
	(pc) =	sbr.rel @p0 .LBB2_1-.Ltmp2, $4  }
0xad: {  	[hbm:s12], [sflag:s31] =	dma.local [spmem:s14], $0x2800  }
0xae: {  	_ =	swait.ge [sflag:s15], $0x2800  }
0xaf: {  	[sflag:s15] =	ssyncset.done $0x0  }
0xb0: {  	[sflag:s15] =	ssyncadd.s32 $0xFFFFD800  }
0xb1: {  	_ =	sfence.sel $0x180000  }
0xb2: {  	[bflag:$0x0] =	sbarrier.arrive $0xFFFF  }
0xb3: {  	_ =	strace $0x9000004A  }
0xb4: {  	[bflag:$0x2] =	sbarrier.arrive $0xFFFF  }
0xb5: {  	p0 =	sne.s32 s1, $0x0;
	s0 =	rddreg [dreg:$0x2]  }
0xb6: {  	s0 =	sadd.s32 @!p0 $0x100000, s0  }
0xb7: {  	[sflag:s0] =	ssyncadd.tile.s32 @!p0 $0x1;
	_ =	shalt  }
.Lfunc_end2:
_tile_overlayer_lowered:
.L_overlay_start_2:
0xb8: {  	(tag) =	ssettag $0x2  }
0xb9: {  	s0 =	rddreg [dreg:$0x0];
	s2 =	stileid.u32  }
0xba: {  	s1 =	rddreg [dreg:$0x1];
	p0 =	sne.s32 s2, $0x0  }
0xbb: {  	s3 =	rddreg [dreg:$0x2];
	[bflag:$0x3] =	sbarrier.arrive $0xFFFF;
	s2 =	simm.s32 @!p0 $0x1C04  }
0xbc: {  	[timem:s3], [sflag:s2] =	dma.local @!p0 [hbm:s0], s1  }
0xbd: {  	s0 =	simm.s32 @!p0 $0x4  }
0xbe: {  	_ =	swait.ge @!p0 [sflag:s0], s1  }
0xbf: {  	s1 =	ssub.s32 @!p0 $0x0, s1;
	[sflag:s0] =	ssyncset.done @!p0 $0x0  }
0xc0: {  	[sflag:s0] =	ssyncadd.s32 @!p0 s1  }
0xc1: {  	[bflag:$0x3] =	sbarrier.arrive $0xFFFF  }
0xc2: {  	_ =	shalt  }

// kernel: kernel.17.cloned.1.call-start
scs
__scs_entry_jumppad:
0x0: {  	(pc) =	sbr.rel $0x88, $3  }
0x1: {  	(tag) =	ssettag $0x0;
	lr =	simm.s32 $0x1  }
0x2: {  	[smem:$0x3F93] =	sst lr;
	_ =	strace $0xD0000000  }
0x3: {  	_ = 	snop  }
0x4: {  	_ = 	snop  }
0x5: {  	_ = 	snop  }
0x6: {  	_ = 	snop  }
0x7: {  	_ = 	snop  }
__scs_overlays_trampoline_lowered:
0x8: {  	[smem:$0x3FA2] =	sst s0  }
0x9: {  	[smem:$0x3FA3] =	sst s1  }
0xa: {  	[smem:$0x3FA4] =	sst s2  }
0xb: {  	[smem:$0x3FA5] =	sst s3  }
0xc: {  	[smem:$0x3FA6] =	sst s4  }
0xd: {  	[smem:$0x3FA7] =	sst s5  }
0xe: {  	[smem:$0x3FA8] =	sst s6  }
0xf: {  	[smem:$0x3FA9] =	sst s7  }
0x10: {  	[smem:$0x3FAA] =	sst s8  }
0x11: {  	[smem:$0x3FAB] =	sst s9;
	s0 =	simm.s32 @!p0 $0x0  }
0x12: {  	s1 =	sld [smem:$0x3F91];
	s0 =	simm.s32 @p0 $0x1  }
0x13: {  	[smem:$0x3FAC] =	sst s0;
	s0 =	simm.s32 @!p1 $0x0  }
0x14: {  	s2 =	sld [smem:$0x3F90];
	s0 =	simm.s32 @p1 $0x1  }
0x15: {  	[smem:$0x3FAD] =	sst s0;
	s0 =	simm.s32 @!p2 $0x0  }
0x16: {  	s3 =	sld [smem:$0x3FDB];
	s0 =	simm.s32 @p2 $0x1  }
0x17: {  	s4 =	simm.s32 $0x1BF5;
	[smem:$0x3FAF] =	sst s0  }
0x18: {  	s0 =	sld [smem:$0x3F92];
	_ =	swait.ge [sflag:s4], $0x0  }
0x19: {  	s7 =	sld [smem:$0x3F93]  }
0x1a: {  	s8 =	sadd.s32 $0xFFFFE003, lr  }
0x1b: {  	s9 =	sadd.s32 $0xFFFFFEF7, lr;
	s5 =	simm.s32 $0xFFFFFFFF;
	p2 =	slt.u32 s8, $0xFFFFF086  }
0x1c: {  	p1 =	slt.u32 s9, $0xF7A;
	s5 =	simm.s32 @!p2 $0x0  }
0x1d: {  	s5 =	simm.s32 @p1 $0x1;
	p0 =	seq.s32 s7, s2  }
0x1e: {  	s7 =	smul.u32 @!p0 $0xF7A, s2;
	p2 =	seq.s32 @!p0 s5, $0x0  }
0x1f: {  	s9 =	smul.u32 $0xF7A, s1;
	s8 =	simm.s32 @!p0 $0x1BF5;
	p2 =	por !p2, p0  }
0x20: {  	[sflag:s8] =	ssyncset.s32 @!p0 $0xFFFFF086;
	s6 =	sadd.s32 @!p0 s3, s7;
	s7 =	simm.s32 @!p0 $0x108  }
0x21: {  	s3 =	sadd.s32 s3, s9;
	s6 =	sadd.s32 @!p0 $0x88, s6;
	s7 =	simm.s32 @p2 $0x1082  }
0x22: {  	[simem:s7], [sflag:s8] =	dma.local @!p0 [hbm:s6], $0xF7A  }
0x23: {  	s9 =	sor.u32 $0xD0000000, s2;
	s6 =	simm.s32 $0x108;
	_ =	swait.ge @!p0 [sflag:s8], $0x0  }
0x24: {  	s3 =	sadd.s32 $0x88, s3;
	s6 =	simm.s32 @!p1 $0x1082;
	[sflag:s4] =	ssyncset.s32 $0xFFFFF086  }
0x25: {  	[simem:s6], [sflag:s4] =	dma.local [hbm:s3], $0xF7A  }
0x26: {  	[smem:$0x3F93] =	sst s1;
	(tag) =	ssettag s2;
	_ =	strace s9  }
0x27: {  	s1 =	sld [smem:$0x3FA3]  }
0x28: {  	s2 =	sld [smem:$0x3FA4]  }
0x29: {  	s4 =	sld [smem:$0x3FA6]  }
0x2a: {  	p0 =	seq.s32 s5, $0x0;
	s5 =	sld [smem:$0x3FA7]  }
0x2b: {  	s6 =	sld [smem:$0x3FA8]  }
0x2c: {  	s7 =	sld [smem:$0x3FA9]  }
0x2d: {  	s3 =	simm.s32 $0x108;
	s8 =	sld [smem:$0x3FAA]  }
0x2e: {  	s3 =	simm.s32 @!p0 $0x1082;
	s9 =	sld [smem:$0x3FAB]  }
0x2f: {  	lr =	sadd.s32 s0, s3;
	s0 =	sld [smem:$0x3FA2]  }
0x30: {  	s3 =	sld [smem:$0x3FA5]  }
0x31: {  	[smem:$0x3FAE] =	sst s10  }
0x32: {  	s10 =	sld [smem:$0x3FAC];
	_ =	sdelay $0x3  }
0x33: {  	p0 =	seq.s32 s10, $0x1;
	s10 =	sld [smem:$0x3FAE];
	_ =	sdelay $0x3  }
0x34: {  	[smem:$0x3FAE] =	sst s10  }
0x35: {  	s10 =	sld [smem:$0x3FAD];
	_ =	sdelay $0x3  }
0x36: {  	p1 =	seq.s32 s10, $0x1;
	s10 =	sld [smem:$0x3FAE];
	_ =	sdelay $0x3  }
0x37: {  	[smem:$0x3FAE] =	sst s10  }
0x38: {  	s10 =	sld [smem:$0x3FAF]  }
0x39: {  	_ = 	snop;
	(pc) =	sbr.ind lr, $3  }
0x3a: {  	_ = 	snop  }
0x3b: {  	_ = 	snop  }
0x3c: {  	p2 =	seq.s32 s10, $0x1;
	s10 =	sld [smem:$0x3FAE]  }
0x3d: {  	_ =	shalt  }
0x3e: {  	_ =	shalt  }
0x3f: {  	_ =	shalt  }
0x40: {  	_ =	shalt  }
0x41: {  	_ =	shalt  }
0x42: {  	_ =	shalt  }
0x43: {  	_ =	shalt  }
0x44: {  	_ =	shalt  }
0x45: {  	_ =	shalt  }
0x46: {  	_ =	shalt  }
0x47: {  	_ =	shalt  }
0x48: {  	_ =	shalt  }
0x49: {  	_ =	shalt  }
0x4a: {  	_ =	shalt  }
0x4b: {  	_ =	shalt  }
0x4c: {  	_ =	shalt  }
0x4d: {  	_ =	shalt  }
0x4e: {  	_ =	shalt  }
0x4f: {  	_ =	shalt  }
0x50: {  	_ =	shalt  }
0x51: {  	_ =	shalt  }
0x52: {  	_ =	shalt  }
0x53: {  	_ =	shalt  }
0x54: {  	_ =	shalt  }
0x55: {  	_ =	shalt  }
0x56: {  	_ =	shalt  }
0x57: {  	_ =	shalt  }
0x58: {  	_ =	shalt  }
0x59: {  	_ =	shalt  }
0x5a: {  	_ =	shalt  }
0x5b: {  	_ =	shalt  }
0x5c: {  	_ =	shalt  }
0x5d: {  	_ =	shalt  }
0x5e: {  	_ =	shalt  }
0x5f: {  	_ =	shalt  }
0x60: {  	_ =	shalt  }
0x61: {  	_ =	shalt  }
0x62: {  	_ =	shalt  }
0x63: {  	_ =	shalt  }
0x64: {  	_ =	shalt  }
0x65: {  	_ =	shalt  }
0x66: {  	_ =	shalt  }
0x67: {  	_ =	shalt  }
0x68: {  	_ =	shalt  }
0x69: {  	_ =	shalt  }
0x6a: {  	_ =	shalt  }
0x6b: {  	_ =	shalt  }
0x6c: {  	_ =	shalt  }
0x6d: {  	_ =	shalt  }
0x6e: {  	_ =	shalt  }
0x6f: {  	_ =	shalt  }
0x70: {  	_ =	shalt  }
0x71: {  	_ =	shalt  }
0x72: {  	_ =	shalt  }
0x73: {  	_ =	shalt  }
0x74: {  	_ =	shalt  }
0x75: {  	_ =	shalt  }
0x76: {  	_ =	shalt  }
0x77: {  	_ =	shalt  }
0x78: {  	_ =	shalt  }
0x79: {  	_ =	shalt  }
0x7a: {  	_ =	shalt  }
0x7b: {  	_ =	shalt  }
0x7c: {  	_ =	shalt  }
0x7d: {  	_ =	shalt  }
0x7e: {  	_ =	shalt  }
0x7f: {  	_ =	shalt  }
0x80: {  	_ =	shalt  }
0x81: {  	_ =	shalt  }
0x82: {  	_ =	shalt  }
0x83: {  	_ =	shalt  }
0x84: {  	_ =	shalt  }
0x85: {  	_ =	shalt  }
0x86: {  	_ =	shalt  }
0x87: {  	_ =	shalt  }
.Lfunc_end0:
.L_simem_size_0:
called_computation.2_lowered:
.L_overlay_start_0:
0x88: {  	s2 =	sld [smem:$0x3FD9]  }
0x89: {  	s3 =	sld [smem:$0x3FFE];
	_ =	sdelay $0x1  }
0x8a: {  	s1 =	srdreg.scid  }
0x8b: {  	s0 =	sand.u32 $0x1, s1  }
0x8c: {  	s16 =	sshll.u32 s0, $0xA;
	s2 =	sadd.s32 s3, s2  }
0x8d: {  	s2 =	sadd.s32 s2, s16  }
0x8e: {  	[smem:$0x3FBA] =	sst s2  }
0x8f: {  	_ = 	snop  }
0x90: {  	(tm) =	ssettm $0x1  }
0x91: {  	s17 =	sld [smem:$0x3FFB];
	_ =	sdelay $0x3  }
0x92: {  	_ =	strace s17  }
0x93: {  	s2 =	sld [smem:$0x3FFC];
	_ =	sdelay $0x3  }
0x94: {  	_ =	strace s2  }
0x95: {  	s2 =	sld [smem:$0x3FFD];
	_ =	sdelay $0x3  }
0x96: {  	_ =	strace s2  }
0x97: {  	_ =	strace $0x8FFFFFFF  }
0x98: {  	s18 =	sld [smem:$0x3FDB];
	_ =	sdelay $0x1  }
0x99: {  	s19 =	simm.s32 $_scs_section_size  }
0x9a: {  	s4 =	simm.s32 $_size__tile_overlayer_lowered;
	s5 =	simm.s32 $_tile_overlayer_lowered  }
0x9b: {  	s22 =	simm.s32 $0x1BFF;
	s21 =	sshll.u32 s5, $0x1;
	s2 =	sadd.s32 s19, s18  }
0x9c: {  	s6 =	simm.s32 $0x0;
	s20 =	sshll.u32 s4, $0x1;
	s4 =	sadd.s32 s21, s2  }
0x9d: {  	[timem:s6], [sflag:s22] =	dma.local [hbm:s4], s20  }
0x9e: {  	_ =	swait.ge [sflag:s22], s20  }
0x9f: {  	s3 =	ssub.s32 $0x0, s20;
	[sflag:s22] =	ssyncset.done $0x0  }
0xa0: {  	[sflag:s22] =	ssyncadd.s32 s3;
	_ =	sdelay $0x1  }
0xa1: {  	s23 =	simm.s32 $0x1B8B  }
0xa2: {  	_ =	swait.ge [sflag:s23], $0x1  }
0xa3: {  	[sflag:s23] =	ssyncset.done $0x0  }
0xa4: {  	s25 =	simm.s32 $0x1B8E;
	s24 =	sld [smem:$0x3FFE];
	[sflag:s23] =	ssyncadd.s32 $0xFFFFFFFF  }
0xa5: {  	s26 =	simm.s32 $execute0_lowered;
	[smem:$0x3FD2] =	sst s25  }
0xa6: {  	s4 =	sshll.u32 s26, $0x1;
	_ =	strace $0x8000004C;
	[dreg:$0x1] =	wrdreg $0xFFFFFFFF  }
0xa7: {  	s28 =	simm.s32 $_size_execute0_lowered;
	s2 =	sadd.s32 s2, s4;
	[dreg:$0x0] =	wrdreg $0x0  }
0xa8: {  	s4 =	sshll.u32 s28, $0x1;
	[dreg:$0x2] =	wrdreg s2  }
0xa9: {  	[dreg:$0x3] =	wrdreg s4  }
0xaa: {  	[dreg:$0x4] =	wrdreg $0xC0  }
0xab: {  	_ =	task [dreg:s6], $0x5FFFF  }
0xac: {  	[dreg:$0x1] =	wrdreg $0xFFFFFFFF  }
0xad: {  	[dreg:$0x0] =	wrdreg $0x60  }
0xae: {  	[dreg:$0x2] =	wrdreg s24  }
0xaf: {  	[dreg:$0x3] =	wrdreg $0xA8000  }
0xb0: {  	[dreg:$0x4] =	wrdreg $0x9  }
0xb1: {  	_ =	task.clear_ibuf [dreg:s6], $0x5FFFF;
	_ =	strace $0x9000004C  }
0xb2: {  	s29 =	simm.s32 $0x9;
	_ =	strace $0x8000004E  }
0xb3: {  	_ =	swait.ge [sflag:s29], $0x1  }
0xb4: {  	[sflag:s29] =	ssyncadd.s32 $0xFFFFFFFF  }
0xb5: {  	_ =	strace $0x9000004E  }
0xb6: {  	_ =	sfence  }
0xb7: {  	s30 =	sld [smem:$0x0];
	_ =	sdelay $0x2  }
0xb8: {  	s31 =	sshll.u32 s1, $0xD;
	s1 =	sshrl.u32 s1, $0x2  }
0xb9: {  	s3 =	sand.u32 $0x4000, s31;
	s1 =	sadd.s32 s1, s30  }
0xba: {  	s0 =	sor.u32 s3, s0;
	s1 =	sshll.u32 s1, $0x11  }
0xbb: {  	s0 =	sor.u32 s1, s0  }
0xbc: {  	s0 =	sadd.s32 $0x8F2B, s0  }
0xbd: {  	[sflag:s0] =	ssyncadd.remote.s32 $0x1  }
0xbe: {  	_ =	sfence.sel $0xFFFF  }
0xbf: {  	[dreg:$0x0] =	wrdreg $0xFFFFFFFF;
	(pc) =	sbr.abs _section_cstart, $3  }
0xc0: {  	[dreg:$0x1] =	wrdreg $0xFFFFFFFF  }
0xc1: {  	_ =	task.clear_ibuf [dreg:s6], $0x2FFFF;
	_ =	strace $0x9FFFFFFF  }
0xc2: {  	(tm) =	ssettm $0x7FFFFFFF  }
0xc3: {  	_ =	shalt  }
tec
execute0_lowered:
.L_overlay_start_1:
0x0: {  	(tag) =	ssettag $0x1  }
0x1: {  	s5 =	rddreg [dreg:$0x0]  }
0x2: {  	s2 =	rddreg [dreg:$0x1];
	s3 =	simm.s32 $0x0  }
0x3: {  	s1 =	stileid.u32;
	s4 =	srdreg.scid;
	s16 =	simm.s32 $0x1400  }
0x4: {  	s17 =	simm.s32 $0x3;
	s18 =	simm.s32 $0x80;
	s19 =	simm.s32 $0x2800  }
0x5: {  	s20 =	simm.s32 $0x6800;
	s21 =	simm.s32 $0x1;
	s22 =	simm.s32 $0x2  }
0x6: {  	s23 =	simm.s32 $0x1380;
	s24 =	simm.s32 $0x2700;
	s25 =	simm.s32 $0x2780  }
0x7: {  	s26 =	simm.s32 $0x0;
	[smem:$0x7FF] =	sst s3;
	s6 =	smul.u32 $0x14000, s1  }
0x8: {  	s7 =	sand.u32 $0x1, s4;
	s4 =	sadd.s32 $0x18200, s5;
	s10 =	sadd.s32 $0xE200, s5  }
0x9: {  	s11 =	sadd.s32 $0x4200, s5;
	s28 =	smul.u32 $0x50000, s1;
	s12 =	sshll.u32 s1, $0x1  }
0xa: {  	_ =	strace $0x8000004D;
	s9 =	smul.u32 $0x140000, s7;
	s13 =	ssub.s32 $0x2, s7  }
0xb: {  	s7 =	sor.u32 s7, s12;
	s8 =	sshrl.u32 s6, $0x3;
	s29 =	sshrl.u32 s13, $0x1  }
0xc: {  	s7 =	smul.u32 $0x2800, s7;
	s8 =	sadd.s32 s8, s5;
	s6 =	sadd.s32 s6, s9  }
0xd: {  	s9 =	sshrl.u32 s28, $0x2;
	s13 =	ssub.s32 s13, s29;
	s6 =	sshrl.u32 s6, $0x3  }
0xe: {  	s15 =	sadd.s32 s9, s2;
	s30 =	sshrl.u32 s7, $0x3;
	s13 =	smax.u32 s13, $0x1  }
0xf: {  	s14 =	sadd.s32 s6, s5;
	s5 =	sadd.s32 $0x40200, s8;
	s6 =	sshll.u32 s1, $0x6  }
0x10: {  	s8 =	sadd.s32 s10, s30;
	s31 =	sadd.s32 $0x280, s30;
	s9 =	sadd.s32 s11, s30  }
0x11: {  	s7 =	sor.u32 $0x1C03, s6;
	s10 =	sadd.s32 s10, s31;
	s11 =	sadd.s32 s11, s31  }
0x12: {  	s12 =	sadd.s32 $0x68200, s14;
	s14 =	sshrl.u32 s15, $0x3;
	s15 =	simm.s32 $0x4  }
.LBB2_1:
0x13: {  	[spmem:s14], [sflag:s7] =	dma.local [hbm:s5], $0x2800  }
0x14: {  	[tilespmem:s3], [sflag:$0x4] =	stream.linear.gather [hbm4b:s8+s3], $0x1400, $0x38;
	[tilespmem:$0x1E800] =	vst v63  }
0x15: {  	_ =	swait.ge [sflag:s15], $0x1400  }
0x16: {  	[sflag:s15] =	ssyncset.done $0x0  }
0x17: {  	[sflag:s15] =	ssyncadd.s32 $0xFFFFEC00  }
0x18: {  	[tilespmem:s16], [sflag:$0x4] =	stream.linear.gather [hbm4b:s9+s3], $0x1400, $0x38;
	[tilespmem:$0x1E800] =	vst v63  }
0x19: {  	_ =	swait.ge [sflag:s15], $0x1400  }
0x1a: {  	[sflag:s15] =	ssyncset.done $0x0  }
0x1b: {  	[sflag:s15] =	ssyncadd.s32 $0xFFFFEC00  }
0x1c: {  	_ =	swait.ge [sflag:s17], $0x2800  }
0x1d: {  	[sflag:s17] =	ssyncset.done $0x0  }
0x1e: {  	[sflag:s17] =	ssyncadd.s32 $0xFFFFD800  }
0x1f: {  	[bflag:$0x0] =	sbarrier.arrive $0xFFFF  }
0x20: {  	[tilespmem:s19], [sflag:$0x1] =	stream.indirect.gather [hbm4b:s4+s18], $0x80, s3, s18, $0xb8;
	[tilespmem:$0x1E800] =	vst v63  }
0x21: {  	s28 =	simm.s32 $0x80  }
0x22: {  	[tilespmem:s20], [sflag:$0x2] =	stream.indirect.gather [hbm4b:s4+s18], $0x80, s28, s18, $0xb8;
	[tilespmem:$0x1E800] =	vst v63  }
0x23: {  	_ =	swait.ge [sflag:s21], $0x4000  }
0x24: {  	[sflag:s21] =	ssyncset.done $0x0  }
0x25: {  	s28 =	simm.s32 $0x1400;
	[sflag:s21] =	ssyncadd.s32 $0xFFFFC000  }
0x26: {  	[spmem:s2] =	stream.indirect.scatter.add.f32 [tilespmem:s19], [sflag:$0x4], $0x80, s28, s18, $0xb8;
	[tilespmem:$0x1E800] =	vst v63  }
0x27: {  	_ =	swait.ge [sflag:s15], $0x4000  }
0x28: {  	[sflag:s15] =	ssyncset.done $0x0  }
0x29: {  	s28 =	simm.s32 $0x100;
	[sflag:s15] =	ssyncadd.s32 $0xFFFFC000  }
0x2a: {  	[tilespmem:s19], [sflag:$0x1] =	stream.indirect.gather [hbm4b:s4+s18], $0x80, s28, s18, $0xb8;
	[tilespmem:$0x1E800] =	vst v63  }
0x2b: {  	_ =	swait.ge [sflag:s22], $0x4000  }
0x2c: {  	[sflag:s22] =	ssyncset.done $0x0  }
0x2d: {  	s28 =	simm.s32 $0x1480;
	[sflag:s22] =	ssyncadd.s32 $0xFFFFC000  }
0x2e: {  	[spmem:s2] =	stream.indirect.scatter.add.f32 [tilespmem:s20], [sflag:$0x4], $0x80, s28, s18, $0xb8;
	[tilespmem:$0x1E800] =	vst v63  }
0x2f: {  	_ =	swait.ge [sflag:s15], $0x4000  }
0x30: {  	s29 =	simm.s32 $0x800;
	s28 =	simm.s32 $0x100;
	[sflag:s15] =	ssyncset.done $0x0  }
.LBB2_2:
0x31: {  	s30 =	sadd.s32 $0x80, s28  }
0x32: {  	[sflag:s15] =	ssyncadd.s32 $0xFFFFC000;
	s31 =	smov.u32 s29;
	s0 =	sadd.s32 $0x400, s29  }
0x33: {  	[tilespmem:s20], [sflag:$0x2] =	stream.indirect.gather [hbm4b:s4+s18], $0x80, s30, s18, $0xb8;
	[tilespmem:$0x1E800] =	vst v63  }
0x34: {  	p0 =	sne.s32 s29, $0x4800;
	_ =	swait.ge [sflag:s21], $0x4000  }
0x35: {  	[sflag:s21] =	ssyncset.done $0x0  }
0x36: {  	s29 =	sadd.s32 $0x1400, s28;
	[sflag:s21] =	ssyncadd.s32 $0xFFFFC000  }
0x37: {  	[spmem:s2] =	stream.indirect.scatter.add.f32 [tilespmem:s19], [sflag:$0x4], $0x80, s29, s18, $0xb8;
	[tilespmem:$0x1E800] =	vst v63  }
0x38: {  	_ =	swait.ge [sflag:s15], $0x4000  }
0x39: {  	[sflag:s15] =	ssyncset.done $0x0  }
0x3a: {  	s29 =	sadd.s32 $0x100, s28;
	[sflag:s15] =	ssyncadd.s32 $0xFFFFC000  }
0x3b: {  	[tilespmem:s19], [sflag:$0x1] =	stream.indirect.gather [hbm4b:s4+s18], $0x80, s29, s18, $0xb8;
	[tilespmem:$0x1E800] =	vst v63  }
0x3c: {  	_ =	swait.ge [sflag:s22], $0x4000  }
.Ltmp0:
0x3d: {  	[sflag:s22] =	ssyncset.done $0x0;
	(pc) =	sbr.rel @p0 .LBB2_2-.Ltmp0, $4  }
0x3e: {  	s28 =	sadd.s32 $0x1480, s28;
	[sflag:s22] =	ssyncadd.s32 $0xFFFFC000  }
0x3f: {  	[spmem:s2] =	stream.indirect.scatter.add.f32 [tilespmem:s20], [sflag:$0x4], $0x80, s28, s18, $0xb8;
	[tilespmem:$0x1E800] =	vst v63  }
0x40: {  	_ =	swait.ge [sflag:s15], $0x4000  }
0x41: {  	s29 =	smov.u32 s0;
	s28 =	sshra.s32 s31, $0x2;
	[sflag:s15] =	ssyncset.done $0x0  }
0x42: {  	s0 =	sadd.s32 $0x80, s28;
	[sflag:s15] =	ssyncadd.s32 $0xFFFFC000  }
0x43: {  	[tilespmem:s20], [sflag:$0x2] =	stream.indirect.gather [hbm4b:s4+s18], $0x80, s0, s18, $0xb8;
	[tilespmem:$0x1E800] =	vst v63  }
0x44: {  	_ =	swait.ge [sflag:s21], $0x4000  }
0x45: {  	[sflag:s21] =	ssyncset.done $0x0  }
0x46: {  	s30 =	sadd.s32 $0x1400, s28;
	[sflag:s21] =	ssyncadd.s32 $0xFFFFC000  }
0x47: {  	[spmem:s2] =	stream.indirect.scatter.add.f32 [tilespmem:s19], [sflag:$0x4], $0x80, s30, s18, $0xb8;
	[tilespmem:$0x1E800] =	vst v63  }
0x48: {  	_ =	swait.ge [sflag:s15], $0x4000  }
0x49: {  	[sflag:s15] =	ssyncset.done $0x0  }
0x4a: {  	s31 =	sadd.s32 $0x100, s28;
	[sflag:s15] =	ssyncadd.s32 $0xFFFFC000  }
0x4b: {  	[tilespmem:s19], [sflag:$0x1] =	stream.indirect.gather [hbm4b:s4+s18], $0x80, s31, s18, $0xb8;
	[tilespmem:$0x1E800] =	vst v63  }
0x4c: {  	_ =	swait.ge [sflag:s22], $0x4000  }
0x4d: {  	[sflag:s22] =	ssyncset.done $0x0  }
0x4e: {  	s30 =	sadd.s32 $0x1480, s28;
	[sflag:s22] =	ssyncadd.s32 $0xFFFFC000  }
0x4f: {  	[spmem:s2] =	stream.indirect.scatter.add.f32 [tilespmem:s20], [sflag:$0x4], $0x80, s30, s18, $0xb8;
	[tilespmem:$0x1E800] =	vst v63  }
0x50: {  	_ =	swait.ge [sflag:s15], $0x4000  }
0x51: {  	[sflag:s15] =	ssyncset.done $0x0  }
0x52: {  	[sflag:s15] =	ssyncadd.s32 $0xFFFFC000  }
0x53: {  	[tilespmem:s20], [sflag:$0x2] =	stream.indirect.gather [hbm4b:s4+s18], $0x80, s23, s18, $0xb8;
	[tilespmem:$0x1E800] =	vst v63  }
0x54: {  	_ =	swait.ge [sflag:s21], $0x4000  }
0x55: {  	[sflag:s21] =	ssyncset.done $0x0  }
0x56: {  	[sflag:s21] =	ssyncadd.s32 $0xFFFFC000  }
0x57: {  	[spmem:s2] =	stream.indirect.scatter.add.f32 [tilespmem:s19], [sflag:$0x4], $0x80, s24, s18, $0xb8;
	[tilespmem:$0x1E800] =	vst v63  }
0x58: {  	_ =	swait.ge [sflag:s15], $0x4000  }
0x59: {  	[sflag:s15] =	ssyncset.done $0x0  }
0x5a: {  	[sflag:s15] =	ssyncadd.s32 $0xFFFFC000  }
0x5b: {  	_ =	swait.ge [sflag:s22], $0x4000  }
0x5c: {  	[sflag:s22] =	ssyncset.done $0x0  }
0x5d: {  	[sflag:s22] =	ssyncadd.s32 $0xFFFFC000  }
0x5e: {  	[spmem:s2] =	stream.indirect.scatter.add.f32 [tilespmem:s20], [sflag:$0x4], $0x80, s25, s18, $0xb8;
	[tilespmem:$0x1E800] =	vst v63  }
0x5f: {  	_ =	swait.ge [sflag:s15], $0x4000  }
0x60: {  	[sflag:s15] =	ssyncset.done $0x0  }
0x61: {  	s31 =	simm.s32 $0x0;
	[sflag:s15] =	ssyncadd.s32 $0xFFFFC000  }
0x62: {  	[tilespmem:s31], [sflag:$0x4] =	stream.linear.gather [hbm4b:s10+s31], $0x1400, $0x38;
	[tilespmem:$0x1E800] =	vst v63  }
0x63: {  	_ =	swait.ge [sflag:s15], $0x1400  }
0x64: {  	[sflag:s15] =	ssyncset.done $0x0  }
0x65: {  	[sflag:s15] =	ssyncadd.s32 $0xFFFFEC00  }
0x66: {  	[tilespmem:s16], [sflag:$0x4] =	stream.linear.gather [hbm4b:s11+s31], $0x1400, $0x38;
	[tilespmem:$0x1E800] =	vst v63  }
0x67: {  	_ =	swait.ge [sflag:s15], $0x1400  }
0x68: {  	[sflag:s15] =	ssyncset.done $0x0  }
0x69: {  	[sflag:s15] =	ssyncadd.s32 $0xFFFFEC00  }
0x6a: {  	[tilespmem:s19], [sflag:$0x1] =	stream.indirect.gather [hbm4b:s4+s18], $0x80, s31, s18, $0xb8;
	[tilespmem:$0x1E800] =	vst v63  }
0x6b: {  	s30 =	simm.s32 $0x80  }
0x6c: {  	[tilespmem:s20], [sflag:$0x2] =	stream.indirect.gather [hbm4b:s4+s18], $0x80, s30, s18, $0xb8;
	[tilespmem:$0x1E800] =	vst v63  }
0x6d: {  	_ =	swait.ge [sflag:s21], $0x4000  }
0x6e: {  	[sflag:s21] =	ssyncset.done $0x0  }
0x6f: {  	s31 =	simm.s32 $0x1400;
	[sflag:s21] =	ssyncadd.s32 $0xFFFFC000  }
0x70: {  	[spmem:s2] =	stream.indirect.scatter.add.f32 [tilespmem:s19], [sflag:$0x4], $0x80, s31, s18, $0xb8;
	[tilespmem:$0x1E800] =	vst v63  }
0x71: {  	_ =	swait.ge [sflag:s15], $0x4000  }
0x72: {  	[sflag:s15] =	ssyncset.done $0x0  }
0x73: {  	s30 =	simm.s32 $0x100;
	[sflag:s15] =	ssyncadd.s32 $0xFFFFC000  }
0x74: {  	[tilespmem:s19], [sflag:$0x1] =	stream.indirect.gather [hbm4b:s4+s18], $0x80, s30, s18, $0xb8;
	[tilespmem:$0x1E800] =	vst v63  }
0x75: {  	_ =	swait.ge [sflag:s22], $0x4000  }
0x76: {  	[sflag:s22] =	ssyncset.done $0x0  }
0x77: {  	s31 =	simm.s32 $0x1480;
	[sflag:s22] =	ssyncadd.s32 $0xFFFFC000  }
0x78: {  	[spmem:s2] =	stream.indirect.scatter.add.f32 [tilespmem:s20], [sflag:$0x4], $0x80, s31, s18, $0xb8;
	[tilespmem:$0x1E800] =	vst v63  }
0x79: {  	_ =	swait.ge [sflag:s15], $0x4000  }
0x7a: {  	s29 =	simm.s32 $0x800;
	s28 =	simm.s32 $0x100;
	[sflag:s15] =	ssyncset.done $0x0  }
.LBB2_4:
0x7b: {  	s0 =	sadd.s32 $0x80, s28  }
0x7c: {  	[sflag:s15] =	ssyncadd.s32 $0xFFFFC000;
	s30 =	smov.u32 s29;
	s31 =	sadd.s32 $0x400, s29  }
0x7d: {  	[tilespmem:s20], [sflag:$0x2] =	stream.indirect.gather [hbm4b:s4+s18], $0x80, s0, s18, $0xb8;
	[tilespmem:$0x1E800] =	vst v63  }
0x7e: {  	p0 =	sne.s32 s29, $0x4800;
	_ =	swait.ge [sflag:s21], $0x4000  }
0x7f: {  	[sflag:s21] =	ssyncset.done $0x0  }
0x80: {  	s0 =	sadd.s32 $0x1400, s28;
	[sflag:s21] =	ssyncadd.s32 $0xFFFFC000  }
0x81: {  	[spmem:s2] =	stream.indirect.scatter.add.f32 [tilespmem:s19], [sflag:$0x4], $0x80, s0, s18, $0xb8;
	[tilespmem:$0x1E800] =	vst v63  }
0x82: {  	_ =	swait.ge [sflag:s15], $0x4000  }
0x83: {  	[sflag:s15] =	ssyncset.done $0x0  }
0x84: {  	s0 =	sadd.s32 $0x100, s28;
	[sflag:s15] =	ssyncadd.s32 $0xFFFFC000  }
0x85: {  	[tilespmem:s19], [sflag:$0x1] =	stream.indirect.gather [hbm4b:s4+s18], $0x80, s0, s18, $0xb8;
	[tilespmem:$0x1E800] =	vst v63  }
0x86: {  	_ =	swait.ge [sflag:s22], $0x4000  }
.Ltmp1:
0x87: {  	[sflag:s22] =	ssyncset.done $0x0;
	(pc) =	sbr.rel @p0 .LBB2_4-.Ltmp1, $4  }
0x88: {  	s0 =	sadd.s32 $0x1480, s28;
	[sflag:s22] =	ssyncadd.s32 $0xFFFFC000  }
0x89: {  	[spmem:s2] =	stream.indirect.scatter.add.f32 [tilespmem:s20], [sflag:$0x4], $0x80, s0, s18, $0xb8;
	[tilespmem:$0x1E800] =	vst v63  }
0x8a: {  	_ =	swait.ge [sflag:s15], $0x4000  }
0x8b: {  	s29 =	smov.u32 s31;
	s28 =	sshra.s32 s30, $0x2;
	[sflag:s15] =	ssyncset.done $0x0  }
0x8c: {  	s0 =	sadd.s32 $0x80, s28;
	[sflag:s15] =	ssyncadd.s32 $0xFFFFC000  }
0x8d: {  	[tilespmem:s20], [sflag:$0x2] =	stream.indirect.gather [hbm4b:s4+s18], $0x80, s0, s18, $0xb8;
	[tilespmem:$0x1E800] =	vst v63  }
0x8e: {  	_ =	swait.ge [sflag:s21], $0x4000  }
0x8f: {  	[sflag:s21] =	ssyncset.done $0x0  }
0x90: {  	s31 =	sadd.s32 $0x1400, s28;
	[sflag:s21] =	ssyncadd.s32 $0xFFFFC000  }
0x91: {  	[spmem:s2] =	stream.indirect.scatter.add.f32 [tilespmem:s19], [sflag:$0x4], $0x80, s31, s18, $0xb8;
	[tilespmem:$0x1E800] =	vst v63  }
0x92: {  	_ =	swait.ge [sflag:s15], $0x4000  }
0x93: {  	[sflag:s15] =	ssyncset.done $0x0  }
0x94: {  	s29 =	sadd.s32 $0x100, s28;
	[sflag:s15] =	ssyncadd.s32 $0xFFFFC000  }
0x95: {  	[tilespmem:s19], [sflag:$0x1] =	stream.indirect.gather [hbm4b:s4+s18], $0x80, s29, s18, $0xb8;
	[tilespmem:$0x1E800] =	vst v63  }
0x96: {  	_ =	swait.ge [sflag:s22], $0x4000  }
0x97: {  	[sflag:s22] =	ssyncset.done $0x0  }
0x98: {  	s30 =	sadd.s32 $0x1480, s28;
	[sflag:s22] =	ssyncadd.s32 $0xFFFFC000  }
0x99: {  	[spmem:s2] =	stream.indirect.scatter.add.f32 [tilespmem:s20], [sflag:$0x4], $0x80, s30, s18, $0xb8;
	[tilespmem:$0x1E800] =	vst v63  }
0x9a: {  	_ =	swait.ge [sflag:s15], $0x4000  }
0x9b: {  	[sflag:s15] =	ssyncset.done $0x0  }
0x9c: {  	[sflag:s15] =	ssyncadd.s32 $0xFFFFC000  }
0x9d: {  	[tilespmem:s20], [sflag:$0x2] =	stream.indirect.gather [hbm4b:s4+s18], $0x80, s23, s18, $0xb8;
	[tilespmem:$0x1E800] =	vst v63  }
0x9e: {  	_ =	swait.ge [sflag:s21], $0x4000  }
0x9f: {  	[sflag:s21] =	ssyncset.done $0x0  }
0xa0: {  	[sflag:s21] =	ssyncadd.s32 $0xFFFFC000  }
0xa1: {  	[spmem:s2] =	stream.indirect.scatter.add.f32 [tilespmem:s19], [sflag:$0x4], $0x80, s24, s18, $0xb8;
	[tilespmem:$0x1E800] =	vst v63  }
0xa2: {  	_ =	swait.ge [sflag:s15], $0x4000  }
0xa3: {  	[sflag:s15] =	ssyncset.done $0x0  }
0xa4: {  	[sflag:s15] =	ssyncadd.s32 $0xFFFFC000  }
0xa5: {  	_ =	swait.ge [sflag:s22], $0x4000  }
0xa6: {  	[sflag:s22] =	ssyncset.done $0x0  }
0xa7: {  	[sflag:s22] =	ssyncadd.s32 $0xFFFFC000  }
0xa8: {  	[spmem:s2] =	stream.indirect.scatter.add.f32 [tilespmem:s20], [sflag:$0x4], $0x80, s25, s18, $0xb8;
	[tilespmem:$0x1E800] =	vst v63  }
0xa9: {  	_ =	swait.ge [sflag:s15], $0x4000  }
0xaa: {  	s26 =	sadd.s32 $0x1, s26;
	[sflag:s15] =	ssyncset.done $0x0  }
0xab: {  	p0 =	sne.s32 s26, s13;
	[sflag:s15] =	ssyncadd.s32 $0xFFFFC000  }
.Ltmp2:
0xac: {  	s31 =	sor.u32 $0x1C04, s6;
	[bflag:$0x0] =	sbarrier.arrive $0xFFFF;
	(pc) =	sbr.rel @p0 .LBB2_1-.Ltmp2, $4  }
0xad: {  	[hbm:s12], [sflag:s31] =	dma.local [spmem:s14], $0x2800  }
0xae: {  	_ =	swait.ge [sflag:s15], $0x2800  }
0xaf: {  	[sflag:s15] =	ssyncset.done $0x0  }
0xb0: {  	[sflag:s15] =	ssyncadd.s32 $0xFFFFD800  }
0xb1: {  	_ =	sfence.sel $0x180000  }
0xb2: {  	[bflag:$0x0] =	sbarrier.arrive $0xFFFF  }
0xb3: {  	_ =	strace $0x9000004D  }
0xb4: {  	[bflag:$0x2] =	sbarrier.arrive $0xFFFF  }
0xb5: {  	p0 =	sne.s32 s1, $0x0;
	s0 =	rddreg [dreg:$0x2]  }
0xb6: {  	s0 =	sadd.s32 @!p0 $0x100000, s0  }
0xb7: {  	[sflag:s0] =	ssyncadd.tile.s32 @!p0 $0x1;
	_ =	shalt  }
.Lfunc_end2:
_tile_overlayer_lowered:
.L_overlay_start_2:
0xb8: {  	(tag) =	ssettag $0x2  }
0xb9: {  	s0 =	rddreg [dreg:$0x0];
	s2 =	stileid.u32  }
0xba: {  	s1 =	rddreg [dreg:$0x1];
	p0 =	sne.s32 s2, $0x0  }
0xbb: {  	s3 =	rddreg [dreg:$0x2];
	[bflag:$0x3] =	sbarrier.arrive $0xFFFF;
	s2 =	simm.s32 @!p0 $0x1C04  }
0xbc: {  	[timem:s3], [sflag:s2] =	dma.local @!p0 [hbm:s0], s1  }
0xbd: {  	s0 =	simm.s32 @!p0 $0x4  }
0xbe: {  	_ =	swait.ge @!p0 [sflag:s0], s1  }
0xbf: {  	s1 =	ssub.s32 @!p0 $0x0, s1;
	[sflag:s0] =	ssyncset.done @!p0 $0x0  }
0xc0: {  	[sflag:s0] =	ssyncadd.s32 @!p0 s1  }
0xc1: {  	[bflag:$0x3] =	sbarrier.arrive $0xFFFF  }
0xc2: {  	_ =	shalt  }

// kernel: kernel.20.cloned.1.call-start
scs
__scs_entry_jumppad:
0x0: {  	(pc) =	sbr.rel $0x88, $3  }
0x1: {  	(tag) =	ssettag $0x0;
	lr =	simm.s32 $0x1  }
0x2: {  	[smem:$0x3F93] =	sst lr;
	_ =	strace $0xD0000000  }
0x3: {  	_ = 	snop  }
0x4: {  	_ = 	snop  }
0x5: {  	_ = 	snop  }
0x6: {  	_ = 	snop  }
0x7: {  	_ = 	snop  }
__scs_overlays_trampoline_lowered:
0x8: {  	[smem:$0x3FA2] =	sst s0  }
0x9: {  	[smem:$0x3FA3] =	sst s1  }
0xa: {  	[smem:$0x3FA4] =	sst s2  }
0xb: {  	[smem:$0x3FA5] =	sst s3  }
0xc: {  	[smem:$0x3FA6] =	sst s4  }
0xd: {  	[smem:$0x3FA7] =	sst s5  }
0xe: {  	[smem:$0x3FA8] =	sst s6  }
0xf: {  	[smem:$0x3FA9] =	sst s7  }
0x10: {  	[smem:$0x3FAA] =	sst s8  }
0x11: {  	[smem:$0x3FAB] =	sst s9;
	s0 =	simm.s32 @!p0 $0x0  }
0x12: {  	s1 =	sld [smem:$0x3F91];
	s0 =	simm.s32 @p0 $0x1  }
0x13: {  	[smem:$0x3FAC] =	sst s0;
	s0 =	simm.s32 @!p1 $0x0  }
0x14: {  	s2 =	sld [smem:$0x3F90];
	s0 =	simm.s32 @p1 $0x1  }
0x15: {  	[smem:$0x3FAD] =	sst s0;
	s0 =	simm.s32 @!p2 $0x0  }
0x16: {  	s3 =	sld [smem:$0x3FDB];
	s0 =	simm.s32 @p2 $0x1  }
0x17: {  	s4 =	simm.s32 $0x1BF5;
	[smem:$0x3FAF] =	sst s0  }
0x18: {  	s0 =	sld [smem:$0x3F92];
	_ =	swait.ge [sflag:s4], $0x0  }
0x19: {  	s7 =	sld [smem:$0x3F93]  }
0x1a: {  	s8 =	sadd.s32 $0xFFFFE003, lr  }
0x1b: {  	s9 =	sadd.s32 $0xFFFFFEF7, lr;
	s5 =	simm.s32 $0xFFFFFFFF;
	p2 =	slt.u32 s8, $0xFFFFF086  }
0x1c: {  	p1 =	slt.u32 s9, $0xF7A;
	s5 =	simm.s32 @!p2 $0x0  }
0x1d: {  	s5 =	simm.s32 @p1 $0x1;
	p0 =	seq.s32 s7, s2  }
0x1e: {  	s7 =	smul.u32 @!p0 $0xF7A, s2;
	p2 =	seq.s32 @!p0 s5, $0x0  }
0x1f: {  	s9 =	smul.u32 $0xF7A, s1;
	s8 =	simm.s32 @!p0 $0x1BF5;
	p2 =	por !p2, p0  }
0x20: {  	[sflag:s8] =	ssyncset.s32 @!p0 $0xFFFFF086;
	s6 =	sadd.s32 @!p0 s3, s7;
	s7 =	simm.s32 @!p0 $0x108  }
0x21: {  	s3 =	sadd.s32 s3, s9;
	s6 =	sadd.s32 @!p0 $0x88, s6;
	s7 =	simm.s32 @p2 $0x1082  }
0x22: {  	[simem:s7], [sflag:s8] =	dma.local @!p0 [hbm:s6], $0xF7A  }
0x23: {  	s9 =	sor.u32 $0xD0000000, s2;
	s6 =	simm.s32 $0x108;
	_ =	swait.ge @!p0 [sflag:s8], $0x0  }
0x24: {  	s3 =	sadd.s32 $0x88, s3;
	s6 =	simm.s32 @!p1 $0x1082;
	[sflag:s4] =	ssyncset.s32 $0xFFFFF086  }
0x25: {  	[simem:s6], [sflag:s4] =	dma.local [hbm:s3], $0xF7A  }
0x26: {  	[smem:$0x3F93] =	sst s1;
	(tag) =	ssettag s2;
	_ =	strace s9  }
0x27: {  	s1 =	sld [smem:$0x3FA3]  }
0x28: {  	s2 =	sld [smem:$0x3FA4]  }
0x29: {  	s4 =	sld [smem:$0x3FA6]  }
0x2a: {  	p0 =	seq.s32 s5, $0x0;
	s5 =	sld [smem:$0x3FA7]  }
0x2b: {  	s6 =	sld [smem:$0x3FA8]  }
0x2c: {  	s7 =	sld [smem:$0x3FA9]  }
0x2d: {  	s3 =	simm.s32 $0x108;
	s8 =	sld [smem:$0x3FAA]  }
0x2e: {  	s3 =	simm.s32 @!p0 $0x1082;
	s9 =	sld [smem:$0x3FAB]  }
0x2f: {  	lr =	sadd.s32 s0, s3;
	s0 =	sld [smem:$0x3FA2]  }
0x30: {  	s3 =	sld [smem:$0x3FA5]  }
0x31: {  	[smem:$0x3FAE] =	sst s10  }
0x32: {  	s10 =	sld [smem:$0x3FAC];
	_ =	sdelay $0x3  }
0x33: {  	p0 =	seq.s32 s10, $0x1;
	s10 =	sld [smem:$0x3FAE];
	_ =	sdelay $0x3  }
0x34: {  	[smem:$0x3FAE] =	sst s10  }
0x35: {  	s10 =	sld [smem:$0x3FAD];
	_ =	sdelay $0x3  }
0x36: {  	p1 =	seq.s32 s10, $0x1;
	s10 =	sld [smem:$0x3FAE];
	_ =	sdelay $0x3  }
0x37: {  	[smem:$0x3FAE] =	sst s10  }
0x38: {  	s10 =	sld [smem:$0x3FAF]  }
0x39: {  	_ = 	snop;
	(pc) =	sbr.ind lr, $3  }
0x3a: {  	_ = 	snop  }
0x3b: {  	_ = 	snop  }
0x3c: {  	p2 =	seq.s32 s10, $0x1;
	s10 =	sld [smem:$0x3FAE]  }
0x3d: {  	_ =	shalt  }
0x3e: {  	_ =	shalt  }
0x3f: {  	_ =	shalt  }
0x40: {  	_ =	shalt  }
0x41: {  	_ =	shalt  }
0x42: {  	_ =	shalt  }
0x43: {  	_ =	shalt  }
0x44: {  	_ =	shalt  }
0x45: {  	_ =	shalt  }
0x46: {  	_ =	shalt  }
0x47: {  	_ =	shalt  }
0x48: {  	_ =	shalt  }
0x49: {  	_ =	shalt  }
0x4a: {  	_ =	shalt  }
0x4b: {  	_ =	shalt  }
0x4c: {  	_ =	shalt  }
0x4d: {  	_ =	shalt  }
0x4e: {  	_ =	shalt  }
0x4f: {  	_ =	shalt  }
0x50: {  	_ =	shalt  }
0x51: {  	_ =	shalt  }
0x52: {  	_ =	shalt  }
0x53: {  	_ =	shalt  }
0x54: {  	_ =	shalt  }
0x55: {  	_ =	shalt  }
0x56: {  	_ =	shalt  }
0x57: {  	_ =	shalt  }
0x58: {  	_ =	shalt  }
0x59: {  	_ =	shalt  }
0x5a: {  	_ =	shalt  }
0x5b: {  	_ =	shalt  }
0x5c: {  	_ =	shalt  }
0x5d: {  	_ =	shalt  }
0x5e: {  	_ =	shalt  }
0x5f: {  	_ =	shalt  }
0x60: {  	_ =	shalt  }
0x61: {  	_ =	shalt  }
0x62: {  	_ =	shalt  }
0x63: {  	_ =	shalt  }
0x64: {  	_ =	shalt  }
0x65: {  	_ =	shalt  }
0x66: {  	_ =	shalt  }
0x67: {  	_ =	shalt  }
0x68: {  	_ =	shalt  }
0x69: {  	_ =	shalt  }
0x6a: {  	_ =	shalt  }
0x6b: {  	_ =	shalt  }
0x6c: {  	_ =	shalt  }
0x6d: {  	_ =	shalt  }
0x6e: {  	_ =	shalt  }
0x6f: {  	_ =	shalt  }
0x70: {  	_ =	shalt  }
0x71: {  	_ =	shalt  }
0x72: {  	_ =	shalt  }
0x73: {  	_ =	shalt  }
0x74: {  	_ =	shalt  }
0x75: {  	_ =	shalt  }
0x76: {  	_ =	shalt  }
0x77: {  	_ =	shalt  }
0x78: {  	_ =	shalt  }
0x79: {  	_ =	shalt  }
0x7a: {  	_ =	shalt  }
0x7b: {  	_ =	shalt  }
0x7c: {  	_ =	shalt  }
0x7d: {  	_ =	shalt  }
0x7e: {  	_ =	shalt  }
0x7f: {  	_ =	shalt  }
0x80: {  	_ =	shalt  }
0x81: {  	_ =	shalt  }
0x82: {  	_ =	shalt  }
0x83: {  	_ =	shalt  }
0x84: {  	_ =	shalt  }
0x85: {  	_ =	shalt  }
0x86: {  	_ =	shalt  }
0x87: {  	_ =	shalt  }
.Lfunc_end0:
.L_simem_size_0:
called_computation.3_lowered:
.L_overlay_start_0:
0x88: {  	s2 =	sld [smem:$0x3FD9]  }
0x89: {  	s3 =	sld [smem:$0x3FFE];
	_ =	sdelay $0x1  }
0x8a: {  	s1 =	srdreg.scid  }
0x8b: {  	s0 =	sand.u32 $0x1, s1  }
0x8c: {  	s16 =	sshll.u32 s0, $0xA;
	s2 =	sadd.s32 s3, s2  }
0x8d: {  	s2 =	sadd.s32 s2, s16  }
0x8e: {  	[smem:$0x3FBA] =	sst s2  }
0x8f: {  	_ = 	snop  }
0x90: {  	(tm) =	ssettm $0x1  }
0x91: {  	s17 =	sld [smem:$0x3FFB];
	_ =	sdelay $0x3  }
0x92: {  	_ =	strace s17  }
0x93: {  	s2 =	sld [smem:$0x3FFC];
	_ =	sdelay $0x3  }
0x94: {  	_ =	strace s2  }
0x95: {  	s2 =	sld [smem:$0x3FFD];
	_ =	sdelay $0x3  }
0x96: {  	_ =	strace s2  }
0x97: {  	_ =	strace $0x8FFFFFFF  }
0x98: {  	s18 =	sld [smem:$0x3FDB];
	_ =	sdelay $0x1  }
0x99: {  	s19 =	simm.s32 $_scs_section_size  }
0x9a: {  	s4 =	simm.s32 $_size__tile_overlayer_lowered;
	s5 =	simm.s32 $_tile_overlayer_lowered  }
0x9b: {  	s22 =	simm.s32 $0x1BFF;
	s21 =	sshll.u32 s5, $0x1;
	s2 =	sadd.s32 s19, s18  }
0x9c: {  	s6 =	simm.s32 $0x0;
	s20 =	sshll.u32 s4, $0x1;
	s4 =	sadd.s32 s21, s2  }
0x9d: {  	[timem:s6], [sflag:s22] =	dma.local [hbm:s4], s20  }
0x9e: {  	_ =	swait.ge [sflag:s22], s20  }
0x9f: {  	s3 =	ssub.s32 $0x0, s20;
	[sflag:s22] =	ssyncset.done $0x0  }
0xa0: {  	[sflag:s22] =	ssyncadd.s32 s3;
	_ =	sdelay $0x1  }
0xa1: {  	s23 =	simm.s32 $0x1B8B  }
0xa2: {  	_ =	swait.ge [sflag:s23], $0x1  }
0xa3: {  	[sflag:s23] =	ssyncset.done $0x0  }
0xa4: {  	s25 =	simm.s32 $0x1B8E;
	s24 =	sld [smem:$0x3FFE];
	[sflag:s23] =	ssyncadd.s32 $0xFFFFFFFF  }
0xa5: {  	s26 =	simm.s32 $execute0_lowered;
	[smem:$0x3FD2] =	sst s25  }
0xa6: {  	s4 =	sshll.u32 s26, $0x1;
	_ =	strace $0x8000004F;
	[dreg:$0x1] =	wrdreg $0xFFFFFFFF  }
0xa7: {  	s28 =	simm.s32 $_size_execute0_lowered;
	s2 =	sadd.s32 s2, s4;
	[dreg:$0x0] =	wrdreg $0x0  }
0xa8: {  	s4 =	sshll.u32 s28, $0x1;
	[dreg:$0x2] =	wrdreg s2  }
0xa9: {  	[dreg:$0x3] =	wrdreg s4  }
0xaa: {  	[dreg:$0x4] =	wrdreg $0xC0  }
0xab: {  	_ =	task [dreg:s6], $0x5FFFF  }
0xac: {  	[dreg:$0x1] =	wrdreg $0xFFFFFFFF  }
0xad: {  	[dreg:$0x0] =	wrdreg $0x60  }
0xae: {  	[dreg:$0x2] =	wrdreg s24  }
0xaf: {  	[dreg:$0x3] =	wrdreg $0xA8000  }
0xb0: {  	[dreg:$0x4] =	wrdreg $0x9  }
0xb1: {  	_ =	task.clear_ibuf [dreg:s6], $0x5FFFF;
	_ =	strace $0x9000004F  }
0xb2: {  	s29 =	simm.s32 $0x9;
	_ =	strace $0x80000051  }
0xb3: {  	_ =	swait.ge [sflag:s29], $0x1  }
0xb4: {  	[sflag:s29] =	ssyncadd.s32 $0xFFFFFFFF  }
0xb5: {  	_ =	strace $0x90000051  }
0xb6: {  	_ =	sfence  }
0xb7: {  	s30 =	sld [smem:$0x0];
	_ =	sdelay $0x2  }
0xb8: {  	s31 =	sshll.u32 s1, $0xD;
	s1 =	sshrl.u32 s1, $0x2  }
0xb9: {  	s3 =	sand.u32 $0x4000, s31;
	s1 =	sadd.s32 s1, s30  }
0xba: {  	s0 =	sor.u32 s3, s0;
	s1 =	sshll.u32 s1, $0x11  }
0xbb: {  	s0 =	sor.u32 s1, s0  }
0xbc: {  	s0 =	sadd.s32 $0x8F2B, s0  }
0xbd: {  	[sflag:s0] =	ssyncadd.remote.s32 $0x1  }
0xbe: {  	_ =	sfence.sel $0xFFFF  }
0xbf: {  	[dreg:$0x0] =	wrdreg $0xFFFFFFFF;
	(pc) =	sbr.abs _section_cstart, $3  }
0xc0: {  	[dreg:$0x1] =	wrdreg $0xFFFFFFFF  }
0xc1: {  	_ =	task.clear_ibuf [dreg:s6], $0x2FFFF;
	_ =	strace $0x9FFFFFFF  }
0xc2: {  	(tm) =	ssettm $0x7FFFFFFF  }
0xc3: {  	_ =	shalt  }
tec
execute0_lowered:
.L_overlay_start_1:
0x0: {  	(tag) =	ssettag $0x1  }
0x1: {  	s5 =	rddreg [dreg:$0x0]  }
0x2: {  	s2 =	rddreg [dreg:$0x1];
	s3 =	simm.s32 $0x0  }
0x3: {  	s1 =	stileid.u32;
	s4 =	srdreg.scid;
	s16 =	simm.s32 $0x1400  }
0x4: {  	s17 =	simm.s32 $0x3;
	s18 =	simm.s32 $0x80;
	s19 =	simm.s32 $0x2800  }
0x5: {  	s20 =	simm.s32 $0x6800;
	s21 =	simm.s32 $0x1;
	s22 =	simm.s32 $0x2  }
0x6: {  	s23 =	simm.s32 $0x1380;
	s24 =	simm.s32 $0x2700;
	s25 =	simm.s32 $0x2780  }
0x7: {  	s26 =	simm.s32 $0x0;
	[smem:$0x7FF] =	sst s3;
	s6 =	smul.u32 $0x14000, s1  }
0x8: {  	s7 =	sand.u32 $0x1, s4;
	s4 =	sadd.s32 $0x18200, s5;
	s10 =	sadd.s32 $0xE200, s5  }
0x9: {  	s11 =	sadd.s32 $0x4200, s5;
	s28 =	smul.u32 $0x50000, s1;
	s12 =	sshll.u32 s1, $0x1  }
0xa: {  	_ =	strace $0x80000050;
	s9 =	smul.u32 $0x140000, s7;
	s13 =	ssub.s32 $0x2, s7  }
0xb: {  	s7 =	sor.u32 s7, s12;
	s8 =	sshrl.u32 s6, $0x3;
	s29 =	sshrl.u32 s13, $0x1  }
0xc: {  	s7 =	smul.u32 $0x2800, s7;
	s8 =	sadd.s32 s8, s5;
	s6 =	sadd.s32 s6, s9  }
0xd: {  	s9 =	sshrl.u32 s28, $0x2;
	s13 =	ssub.s32 s13, s29;
	s6 =	sshrl.u32 s6, $0x3  }
0xe: {  	s15 =	sadd.s32 s9, s2;
	s30 =	sshrl.u32 s7, $0x3;
	s13 =	smax.u32 s13, $0x1  }
0xf: {  	s14 =	sadd.s32 s6, s5;
	s5 =	sadd.s32 $0x40200, s8;
	s6 =	sshll.u32 s1, $0x6  }
0x10: {  	s8 =	sadd.s32 s10, s30;
	s31 =	sadd.s32 $0x280, s30;
	s9 =	sadd.s32 s11, s30  }
0x11: {  	s7 =	sor.u32 $0x1C03, s6;
	s10 =	sadd.s32 s10, s31;
	s11 =	sadd.s32 s11, s31  }
0x12: {  	s12 =	sadd.s32 $0x68200, s14;
	s14 =	sshrl.u32 s15, $0x3;
	s15 =	simm.s32 $0x4  }
.LBB2_1:
0x13: {  	[spmem:s14], [sflag:s7] =	dma.local [hbm:s5], $0x2800  }
0x14: {  	[tilespmem:s3], [sflag:$0x4] =	stream.linear.gather [hbm4b:s8+s3], $0x1400, $0x38;
	[tilespmem:$0x1E800] =	vst v63  }
0x15: {  	_ =	swait.ge [sflag:s15], $0x1400  }
0x16: {  	[sflag:s15] =	ssyncset.done $0x0  }
0x17: {  	[sflag:s15] =	ssyncadd.s32 $0xFFFFEC00  }
0x18: {  	[tilespmem:s16], [sflag:$0x4] =	stream.linear.gather [hbm4b:s9+s3], $0x1400, $0x38;
	[tilespmem:$0x1E800] =	vst v63  }
0x19: {  	_ =	swait.ge [sflag:s15], $0x1400  }
0x1a: {  	[sflag:s15] =	ssyncset.done $0x0  }
0x1b: {  	[sflag:s15] =	ssyncadd.s32 $0xFFFFEC00  }
0x1c: {  	_ =	swait.ge [sflag:s17], $0x2800  }
0x1d: {  	[sflag:s17] =	ssyncset.done $0x0  }
0x1e: {  	[sflag:s17] =	ssyncadd.s32 $0xFFFFD800  }
0x1f: {  	[bflag:$0x0] =	sbarrier.arrive $0xFFFF  }
0x20: {  	[tilespmem:s19], [sflag:$0x1] =	stream.indirect.gather [hbm4b:s4+s18], $0x80, s3, s18, $0xb8;
	[tilespmem:$0x1E800] =	vst v63  }
0x21: {  	s28 =	simm.s32 $0x80  }
0x22: {  	[tilespmem:s20], [sflag:$0x2] =	stream.indirect.gather [hbm4b:s4+s18], $0x80, s28, s18, $0xb8;
	[tilespmem:$0x1E800] =	vst v63  }
0x23: {  	_ =	swait.ge [sflag:s21], $0x4000  }
0x24: {  	[sflag:s21] =	ssyncset.done $0x0  }
0x25: {  	s28 =	simm.s32 $0x1400;
	[sflag:s21] =	ssyncadd.s32 $0xFFFFC000  }
0x26: {  	[spmem:s2] =	stream.indirect.scatter.add.f32 [tilespmem:s19], [sflag:$0x4], $0x80, s28, s18, $0xb8;
	[tilespmem:$0x1E800] =	vst v63  }
0x27: {  	_ =	swait.ge [sflag:s15], $0x4000  }
0x28: {  	[sflag:s15] =	ssyncset.done $0x0  }
0x29: {  	s28 =	simm.s32 $0x100;
	[sflag:s15] =	ssyncadd.s32 $0xFFFFC000  }
0x2a: {  	[tilespmem:s19], [sflag:$0x1] =	stream.indirect.gather [hbm4b:s4+s18], $0x80, s28, s18, $0xb8;
	[tilespmem:$0x1E800] =	vst v63  }
0x2b: {  	_ =	swait.ge [sflag:s22], $0x4000  }
0x2c: {  	[sflag:s22] =	ssyncset.done $0x0  }
0x2d: {  	s28 =	simm.s32 $0x1480;
	[sflag:s22] =	ssyncadd.s32 $0xFFFFC000  }
0x2e: {  	[spmem:s2] =	stream.indirect.scatter.add.f32 [tilespmem:s20], [sflag:$0x4], $0x80, s28, s18, $0xb8;
	[tilespmem:$0x1E800] =	vst v63  }
0x2f: {  	_ =	swait.ge [sflag:s15], $0x4000  }
0x30: {  	s29 =	simm.s32 $0x800;
	s28 =	simm.s32 $0x100;
	[sflag:s15] =	ssyncset.done $0x0  }
.LBB2_2:
0x31: {  	s30 =	sadd.s32 $0x80, s28  }
0x32: {  	[sflag:s15] =	ssyncadd.s32 $0xFFFFC000;
	s31 =	smov.u32 s29;
	s0 =	sadd.s32 $0x400, s29  }
0x33: {  	[tilespmem:s20], [sflag:$0x2] =	stream.indirect.gather [hbm4b:s4+s18], $0x80, s30, s18, $0xb8;
	[tilespmem:$0x1E800] =	vst v63  }
0x34: {  	p0 =	sne.s32 s29, $0x4800;
	_ =	swait.ge [sflag:s21], $0x4000  }
0x35: {  	[sflag:s21] =	ssyncset.done $0x0  }
0x36: {  	s29 =	sadd.s32 $0x1400, s28;
	[sflag:s21] =	ssyncadd.s32 $0xFFFFC000  }
0x37: {  	[spmem:s2] =	stream.indirect.scatter.add.f32 [tilespmem:s19], [sflag:$0x4], $0x80, s29, s18, $0xb8;
	[tilespmem:$0x1E800] =	vst v63  }
0x38: {  	_ =	swait.ge [sflag:s15], $0x4000  }
0x39: {  	[sflag:s15] =	ssyncset.done $0x0  }
0x3a: {  	s29 =	sadd.s32 $0x100, s28;
	[sflag:s15] =	ssyncadd.s32 $0xFFFFC000  }
0x3b: {  	[tilespmem:s19], [sflag:$0x1] =	stream.indirect.gather [hbm4b:s4+s18], $0x80, s29, s18, $0xb8;
	[tilespmem:$0x1E800] =	vst v63  }
0x3c: {  	_ =	swait.ge [sflag:s22], $0x4000  }
.Ltmp0:
0x3d: {  	[sflag:s22] =	ssyncset.done $0x0;
	(pc) =	sbr.rel @p0 .LBB2_2-.Ltmp0, $4  }
0x3e: {  	s28 =	sadd.s32 $0x1480, s28;
	[sflag:s22] =	ssyncadd.s32 $0xFFFFC000  }
0x3f: {  	[spmem:s2] =	stream.indirect.scatter.add.f32 [tilespmem:s20], [sflag:$0x4], $0x80, s28, s18, $0xb8;
	[tilespmem:$0x1E800] =	vst v63  }
0x40: {  	_ =	swait.ge [sflag:s15], $0x4000  }
0x41: {  	s29 =	smov.u32 s0;
	s28 =	sshra.s32 s31, $0x2;
	[sflag:s15] =	ssyncset.done $0x0  }
0x42: {  	s0 =	sadd.s32 $0x80, s28;
	[sflag:s15] =	ssyncadd.s32 $0xFFFFC000  }
0x43: {  	[tilespmem:s20], [sflag:$0x2] =	stream.indirect.gather [hbm4b:s4+s18], $0x80, s0, s18, $0xb8;
	[tilespmem:$0x1E800] =	vst v63  }
0x44: {  	_ =	swait.ge [sflag:s21], $0x4000  }
0x45: {  	[sflag:s21] =	ssyncset.done $0x0  }
0x46: {  	s30 =	sadd.s32 $0x1400, s28;
	[sflag:s21] =	ssyncadd.s32 $0xFFFFC000  }
0x47: {  	[spmem:s2] =	stream.indirect.scatter.add.f32 [tilespmem:s19], [sflag:$0x4], $0x80, s30, s18, $0xb8;
	[tilespmem:$0x1E800] =	vst v63  }
0x48: {  	_ =	swait.ge [sflag:s15], $0x4000  }
0x49: {  	[sflag:s15] =	ssyncset.done $0x0  }
0x4a: {  	s31 =	sadd.s32 $0x100, s28;
	[sflag:s15] =	ssyncadd.s32 $0xFFFFC000  }
0x4b: {  	[tilespmem:s19], [sflag:$0x1] =	stream.indirect.gather [hbm4b:s4+s18], $0x80, s31, s18, $0xb8;
	[tilespmem:$0x1E800] =	vst v63  }
0x4c: {  	_ =	swait.ge [sflag:s22], $0x4000  }
0x4d: {  	[sflag:s22] =	ssyncset.done $0x0  }
0x4e: {  	s30 =	sadd.s32 $0x1480, s28;
	[sflag:s22] =	ssyncadd.s32 $0xFFFFC000  }
0x4f: {  	[spmem:s2] =	stream.indirect.scatter.add.f32 [tilespmem:s20], [sflag:$0x4], $0x80, s30, s18, $0xb8;
	[tilespmem:$0x1E800] =	vst v63  }
0x50: {  	_ =	swait.ge [sflag:s15], $0x4000  }
0x51: {  	[sflag:s15] =	ssyncset.done $0x0  }
0x52: {  	[sflag:s15] =	ssyncadd.s32 $0xFFFFC000  }
0x53: {  	[tilespmem:s20], [sflag:$0x2] =	stream.indirect.gather [hbm4b:s4+s18], $0x80, s23, s18, $0xb8;
	[tilespmem:$0x1E800] =	vst v63  }
0x54: {  	_ =	swait.ge [sflag:s21], $0x4000  }
0x55: {  	[sflag:s21] =	ssyncset.done $0x0  }
0x56: {  	[sflag:s21] =	ssyncadd.s32 $0xFFFFC000  }
0x57: {  	[spmem:s2] =	stream.indirect.scatter.add.f32 [tilespmem:s19], [sflag:$0x4], $0x80, s24, s18, $0xb8;
	[tilespmem:$0x1E800] =	vst v63  }
0x58: {  	_ =	swait.ge [sflag:s15], $0x4000  }
0x59: {  	[sflag:s15] =	ssyncset.done $0x0  }
0x5a: {  	[sflag:s15] =	ssyncadd.s32 $0xFFFFC000  }
0x5b: {  	_ =	swait.ge [sflag:s22], $0x4000  }
0x5c: {  	[sflag:s22] =	ssyncset.done $0x0  }
0x5d: {  	[sflag:s22] =	ssyncadd.s32 $0xFFFFC000  }
0x5e: {  	[spmem:s2] =	stream.indirect.scatter.add.f32 [tilespmem:s20], [sflag:$0x4], $0x80, s25, s18, $0xb8;
	[tilespmem:$0x1E800] =	vst v63  }
0x5f: {  	_ =	swait.ge [sflag:s15], $0x4000  }
0x60: {  	[sflag:s15] =	ssyncset.done $0x0  }
0x61: {  	s31 =	simm.s32 $0x0;
	[sflag:s15] =	ssyncadd.s32 $0xFFFFC000  }
0x62: {  	[tilespmem:s31], [sflag:$0x4] =	stream.linear.gather [hbm4b:s10+s31], $0x1400, $0x38;
	[tilespmem:$0x1E800] =	vst v63  }
0x63: {  	_ =	swait.ge [sflag:s15], $0x1400  }
0x64: {  	[sflag:s15] =	ssyncset.done $0x0  }
0x65: {  	[sflag:s15] =	ssyncadd.s32 $0xFFFFEC00  }
0x66: {  	[tilespmem:s16], [sflag:$0x4] =	stream.linear.gather [hbm4b:s11+s31], $0x1400, $0x38;
	[tilespmem:$0x1E800] =	vst v63  }
0x67: {  	_ =	swait.ge [sflag:s15], $0x1400  }
0x68: {  	[sflag:s15] =	ssyncset.done $0x0  }
0x69: {  	[sflag:s15] =	ssyncadd.s32 $0xFFFFEC00  }
0x6a: {  	[tilespmem:s19], [sflag:$0x1] =	stream.indirect.gather [hbm4b:s4+s18], $0x80, s31, s18, $0xb8;
	[tilespmem:$0x1E800] =	vst v63  }
0x6b: {  	s30 =	simm.s32 $0x80  }
0x6c: {  	[tilespmem:s20], [sflag:$0x2] =	stream.indirect.gather [hbm4b:s4+s18], $0x80, s30, s18, $0xb8;
	[tilespmem:$0x1E800] =	vst v63  }
0x6d: {  	_ =	swait.ge [sflag:s21], $0x4000  }
0x6e: {  	[sflag:s21] =	ssyncset.done $0x0  }
0x6f: {  	s31 =	simm.s32 $0x1400;
	[sflag:s21] =	ssyncadd.s32 $0xFFFFC000  }
0x70: {  	[spmem:s2] =	stream.indirect.scatter.add.f32 [tilespmem:s19], [sflag:$0x4], $0x80, s31, s18, $0xb8;
	[tilespmem:$0x1E800] =	vst v63  }
0x71: {  	_ =	swait.ge [sflag:s15], $0x4000  }
0x72: {  	[sflag:s15] =	ssyncset.done $0x0  }
0x73: {  	s30 =	simm.s32 $0x100;
	[sflag:s15] =	ssyncadd.s32 $0xFFFFC000  }
0x74: {  	[tilespmem:s19], [sflag:$0x1] =	stream.indirect.gather [hbm4b:s4+s18], $0x80, s30, s18, $0xb8;
	[tilespmem:$0x1E800] =	vst v63  }
0x75: {  	_ =	swait.ge [sflag:s22], $0x4000  }
0x76: {  	[sflag:s22] =	ssyncset.done $0x0  }
0x77: {  	s31 =	simm.s32 $0x1480;
	[sflag:s22] =	ssyncadd.s32 $0xFFFFC000  }
0x78: {  	[spmem:s2] =	stream.indirect.scatter.add.f32 [tilespmem:s20], [sflag:$0x4], $0x80, s31, s18, $0xb8;
	[tilespmem:$0x1E800] =	vst v63  }
0x79: {  	_ =	swait.ge [sflag:s15], $0x4000  }
0x7a: {  	s29 =	simm.s32 $0x800;
	s28 =	simm.s32 $0x100;
	[sflag:s15] =	ssyncset.done $0x0  }
.LBB2_4:
0x7b: {  	s0 =	sadd.s32 $0x80, s28  }
0x7c: {  	[sflag:s15] =	ssyncadd.s32 $0xFFFFC000;
	s30 =	smov.u32 s29;
	s31 =	sadd.s32 $0x400, s29  }
0x7d: {  	[tilespmem:s20], [sflag:$0x2] =	stream.indirect.gather [hbm4b:s4+s18], $0x80, s0, s18, $0xb8;
	[tilespmem:$0x1E800] =	vst v63  }
0x7e: {  	p0 =	sne.s32 s29, $0x4800;
	_ =	swait.ge [sflag:s21], $0x4000  }
0x7f: {  	[sflag:s21] =	ssyncset.done $0x0  }
0x80: {  	s0 =	sadd.s32 $0x1400, s28;
	[sflag:s21] =	ssyncadd.s32 $0xFFFFC000  }
0x81: {  	[spmem:s2] =	stream.indirect.scatter.add.f32 [tilespmem:s19], [sflag:$0x4], $0x80, s0, s18, $0xb8;
	[tilespmem:$0x1E800] =	vst v63  }
0x82: {  	_ =	swait.ge [sflag:s15], $0x4000  }
0x83: {  	[sflag:s15] =	ssyncset.done $0x0  }
0x84: {  	s0 =	sadd.s32 $0x100, s28;
	[sflag:s15] =	ssyncadd.s32 $0xFFFFC000  }
0x85: {  	[tilespmem:s19], [sflag:$0x1] =	stream.indirect.gather [hbm4b:s4+s18], $0x80, s0, s18, $0xb8;
	[tilespmem:$0x1E800] =	vst v63  }
0x86: {  	_ =	swait.ge [sflag:s22], $0x4000  }
.Ltmp1:
0x87: {  	[sflag:s22] =	ssyncset.done $0x0;
	(pc) =	sbr.rel @p0 .LBB2_4-.Ltmp1, $4  }
0x88: {  	s0 =	sadd.s32 $0x1480, s28;
	[sflag:s22] =	ssyncadd.s32 $0xFFFFC000  }
0x89: {  	[spmem:s2] =	stream.indirect.scatter.add.f32 [tilespmem:s20], [sflag:$0x4], $0x80, s0, s18, $0xb8;
	[tilespmem:$0x1E800] =	vst v63  }
0x8a: {  	_ =	swait.ge [sflag:s15], $0x4000  }
0x8b: {  	s29 =	smov.u32 s31;
	s28 =	sshra.s32 s30, $0x2;
	[sflag:s15] =	ssyncset.done $0x0  }
0x8c: {  	s0 =	sadd.s32 $0x80, s28;
	[sflag:s15] =	ssyncadd.s32 $0xFFFFC000  }
0x8d: {  	[tilespmem:s20], [sflag:$0x2] =	stream.indirect.gather [hbm4b:s4+s18], $0x80, s0, s18, $0xb8;
	[tilespmem:$0x1E800] =	vst v63  }
0x8e: {  	_ =	swait.ge [sflag:s21], $0x4000  }
0x8f: {  	[sflag:s21] =	ssyncset.done $0x0  }
0x90: {  	s31 =	sadd.s32 $0x1400, s28;
	[sflag:s21] =	ssyncadd.s32 $0xFFFFC000  }
0x91: {  	[spmem:s2] =	stream.indirect.scatter.add.f32 [tilespmem:s19], [sflag:$0x4], $0x80, s31, s18, $0xb8;
	[tilespmem:$0x1E800] =	vst v63  }
0x92: {  	_ =	swait.ge [sflag:s15], $0x4000  }
0x93: {  	[sflag:s15] =	ssyncset.done $0x0  }
0x94: {  	s29 =	sadd.s32 $0x100, s28;
	[sflag:s15] =	ssyncadd.s32 $0xFFFFC000  }
0x95: {  	[tilespmem:s19], [sflag:$0x1] =	stream.indirect.gather [hbm4b:s4+s18], $0x80, s29, s18, $0xb8;
	[tilespmem:$0x1E800] =	vst v63  }
0x96: {  	_ =	swait.ge [sflag:s22], $0x4000  }
0x97: {  	[sflag:s22] =	ssyncset.done $0x0  }
0x98: {  	s30 =	sadd.s32 $0x1480, s28;
	[sflag:s22] =	ssyncadd.s32 $0xFFFFC000  }
0x99: {  	[spmem:s2] =	stream.indirect.scatter.add.f32 [tilespmem:s20], [sflag:$0x4], $0x80, s30, s18, $0xb8;
	[tilespmem:$0x1E800] =	vst v63  }
0x9a: {  	_ =	swait.ge [sflag:s15], $0x4000  }
0x9b: {  	[sflag:s15] =	ssyncset.done $0x0  }
0x9c: {  	[sflag:s15] =	ssyncadd.s32 $0xFFFFC000  }
0x9d: {  	[tilespmem:s20], [sflag:$0x2] =	stream.indirect.gather [hbm4b:s4+s18], $0x80, s23, s18, $0xb8;
	[tilespmem:$0x1E800] =	vst v63  }
0x9e: {  	_ =	swait.ge [sflag:s21], $0x4000  }
0x9f: {  	[sflag:s21] =	ssyncset.done $0x0  }
0xa0: {  	[sflag:s21] =	ssyncadd.s32 $0xFFFFC000  }
0xa1: {  	[spmem:s2] =	stream.indirect.scatter.add.f32 [tilespmem:s19], [sflag:$0x4], $0x80, s24, s18, $0xb8;
	[tilespmem:$0x1E800] =	vst v63  }
0xa2: {  	_ =	swait.ge [sflag:s15], $0x4000  }
0xa3: {  	[sflag:s15] =	ssyncset.done $0x0  }
0xa4: {  	[sflag:s15] =	ssyncadd.s32 $0xFFFFC000  }
0xa5: {  	_ =	swait.ge [sflag:s22], $0x4000  }
0xa6: {  	[sflag:s22] =	ssyncset.done $0x0  }
0xa7: {  	[sflag:s22] =	ssyncadd.s32 $0xFFFFC000  }
0xa8: {  	[spmem:s2] =	stream.indirect.scatter.add.f32 [tilespmem:s20], [sflag:$0x4], $0x80, s25, s18, $0xb8;
	[tilespmem:$0x1E800] =	vst v63  }
0xa9: {  	_ =	swait.ge [sflag:s15], $0x4000  }
0xaa: {  	s26 =	sadd.s32 $0x1, s26;
	[sflag:s15] =	ssyncset.done $0x0  }
0xab: {  	p0 =	sne.s32 s26, s13;
	[sflag:s15] =	ssyncadd.s32 $0xFFFFC000  }
.Ltmp2:
0xac: {  	s31 =	sor.u32 $0x1C04, s6;
	[bflag:$0x0] =	sbarrier.arrive $0xFFFF;
	(pc) =	sbr.rel @p0 .LBB2_1-.Ltmp2, $4  }
0xad: {  	[hbm:s12], [sflag:s31] =	dma.local [spmem:s14], $0x2800  }
0xae: {  	_ =	swait.ge [sflag:s15], $0x2800  }
0xaf: {  	[sflag:s15] =	ssyncset.done $0x0  }
0xb0: {  	[sflag:s15] =	ssyncadd.s32 $0xFFFFD800  }
0xb1: {  	_ =	sfence.sel $0x180000  }
0xb2: {  	[bflag:$0x0] =	sbarrier.arrive $0xFFFF  }
0xb3: {  	_ =	strace $0x90000050  }
0xb4: {  	[bflag:$0x2] =	sbarrier.arrive $0xFFFF  }
0xb5: {  	p0 =	sne.s32 s1, $0x0;
	s0 =	rddreg [dreg:$0x2]  }
0xb6: {  	s0 =	sadd.s32 @!p0 $0x100000, s0  }
0xb7: {  	[sflag:s0] =	ssyncadd.tile.s32 @!p0 $0x1;
	_ =	shalt  }
.Lfunc_end2:
_tile_overlayer_lowered:
.L_overlay_start_2:
0xb8: {  	(tag) =	ssettag $0x2  }
0xb9: {  	s0 =	rddreg [dreg:$0x0];
	s2 =	stileid.u32  }
0xba: {  	s1 =	rddreg [dreg:$0x1];
	p0 =	sne.s32 s2, $0x0  }
0xbb: {  	s3 =	rddreg [dreg:$0x2];
	[bflag:$0x3] =	sbarrier.arrive $0xFFFF;
	s2 =	simm.s32 @!p0 $0x1C04  }
0xbc: {  	[timem:s3], [sflag:s2] =	dma.local @!p0 [hbm:s0], s1  }
0xbd: {  	s0 =	simm.s32 @!p0 $0x4  }
0xbe: {  	_ =	swait.ge @!p0 [sflag:s0], s1  }
0xbf: {  	s1 =	ssub.s32 @!p0 $0x0, s1;
	[sflag:s0] =	ssyncset.done @!p0 $0x0  }
0xc0: {  	[sflag:s0] =	ssyncadd.s32 @!p0 s1  }
0xc1: {  	[bflag:$0x3] =	sbarrier.arrive $0xFFFF  }
0xc2: {  	_ =	shalt  }

</sc_bundles>
